<compile_context>
chip_gen: v7x
topology: tpu7x:2x2x1
jax: 0.10.2.dev20260603
libtpu: 0.0.44.dev20260713+nightly
codegen_flags: <defaults>
</compile_context>

<pallas_src>
import functools

import jax
import jax.numpy as jnp
from jax import lax
from jax.experimental import pallas as pl
from jax.experimental.pallas import tpu as pltpu
from jax.experimental.pallas import tpu_sc as plsc

B = 16384
VOCAB = 100000
NODE_NUM = 10000
TEXT_DIM = 64
TIME_DIM = 32

VPAD = 102400
NPAD = 10240
_FOLD_GRID = 10
_VBLK = VPAD // _FOLD_GRID

_INV_PI = 0.31830987334251404
_PI_HI = 3.1415927410125732
_PI_LO = -8.742277657347586e-08
_COS_COEFS = (1.9907545e-09, -2.7524447e-07, 2.4801026e-05, -0.0013888883,
              0.041666668, -0.5, 1.0)


def _fast_cos(x):
    k = jnp.floor(x * _INV_PI + 0.5)
    r = (x - k * _PI_HI) - k * _PI_LO
    r2 = r * r
    c = jnp.full_like(r2, _COS_COEFS[0])
    for cc in _COS_COEFS[1:]:
        c = c * r2 + cc
    odd = jnp.bitwise_and(k.astype(jnp.int32), 1)
    return jnp.where(odd == 0, c, -c)


def _fold_body(emb_ref, node_ref, time_ref, tw_ref, tb_ref, WT_ref, b_ref,
               p0_ref, p1_ref, p2_ref, p3_ref, g0_ref, g1_ref, q0_ref, q1_ref):
    dn = (((1,), (0,)), ((), ()))
    z4 = jnp.zeros((4, TEXT_DIM), jnp.float32)
    wt8 = jnp.concatenate((WT_ref[:, 0:64], WT_ref[:, 64:128], z4), axis=0)
    res = lax.dot_general(
        wt8, emb_ref[...], dn, preferred_element_type=jnp.float32)
    p0_ref[...] = res[0].reshape(_VBLK // 128, 128)
    p1_ref[...] = res[1].reshape(_VBLK // 128, 128)
    p2_ref[...] = res[2].reshape(_VBLK // 128, 128)
    p3_ref[...] = res[3].reshape(_VBLK // 128, 128)

    @pl.when(pl.program_id(0) == 0)
    def _():
        z6 = jnp.zeros((6, TEXT_DIM), jnp.float32)
        wg8 = jnp.concatenate((WT_ref[:, 128:192], z6), axis=0)
        gres = lax.dot_general(
            wg8, node_ref[...], dn, preferred_element_type=jnp.float32)
        g0_ref[...] = gres[0].reshape(NPAD // 128, 128)
        g1_ref[...] = gres[1].reshape(NPAD // 128, 128)

        te = _fast_cos(tw_ref[...].T * time_ref[...] + tb_ref[...].T)
        z6t = jnp.zeros((6, TIME_DIM), jnp.float32)
        w48 = jnp.concatenate((WT_ref[:, 192:224], z6t), axis=0)
        bcol = jnp.concatenate((b_ref[...].T, jnp.zeros((6, 1), jnp.float32)),
                               axis=0)
        tpres = lax.dot_general(
            w48, te, dn, preferred_element_type=jnp.float32) + bcol
        q0_ref[...] = tpres[0].reshape(B // 128, 128)
        q1_ref[...] = tpres[1].reshape(B // 128, 128)


_fold = pl.pallas_call(
    _fold_body,
    grid=(_FOLD_GRID,),
    in_specs=[
        pl.BlockSpec((TEXT_DIM, _VBLK), lambda i: (0, i)),
        pl.BlockSpec((TEXT_DIM, NPAD), lambda i: (0, 0)),
        pl.BlockSpec((1, B), lambda i: (0, 0)),
        pl.BlockSpec((1, TIME_DIM), lambda i: (0, 0)),
        pl.BlockSpec((1, TIME_DIM), lambda i: (0, 0)),
        pl.BlockSpec((2, 2 * TEXT_DIM + TEXT_DIM + TIME_DIM), lambda i: (0, 0)),
        pl.BlockSpec((1, 2), lambda i: (0, 0)),
    ],
    out_specs=[
        pl.BlockSpec((_VBLK // 128, 128), lambda i: (i, 0)),
        pl.BlockSpec((_VBLK // 128, 128), lambda i: (i, 0)),
        pl.BlockSpec((_VBLK // 128, 128), lambda i: (i, 0)),
        pl.BlockSpec((_VBLK // 128, 128), lambda i: (i, 0)),
        pl.BlockSpec((NPAD // 128, 128), lambda i: (0, 0)),
        pl.BlockSpec((NPAD // 128, 128), lambda i: (0, 0)),
        pl.BlockSpec((B // 128, 128), lambda i: (0, 0)),
        pl.BlockSpec((B // 128, 128), lambda i: (0, 0)),
    ],
    out_shape=[
        jax.ShapeDtypeStruct((VPAD // 128, 128), jnp.float32),
        jax.ShapeDtypeStruct((VPAD // 128, 128), jnp.float32),
        jax.ShapeDtypeStruct((VPAD // 128, 128), jnp.float32),
        jax.ShapeDtypeStruct((VPAD // 128, 128), jnp.float32),
        jax.ShapeDtypeStruct((NPAD // 128, 128), jnp.float32),
        jax.ShapeDtypeStruct((NPAD // 128, 128), jnp.float32),
        jax.ShapeDtypeStruct((B // 128, 128), jnp.float32),
        jax.ShapeDtypeStruct((B // 128, 128), jnp.float32),
    ],
)


@functools.lru_cache(maxsize=1)
def _make_sc_gather():
    info = plsc.get_sparse_core_info()
    nc, ns = info.num_cores, info.num_subcores
    nw = nc * ns
    bpw = B // nw
    nchunks = bpw // 128
    ngroups = bpw // 16
    mesh = plsc.VectorSubcoreMesh(core_axis_name="c", subcore_axis_name="s",
                                  num_cores=nc)

    @functools.partial(
        pl.kernel,
        mesh=mesh,
        out_type=jax.ShapeDtypeStruct((2 * B,), jnp.float32),
        scratch_types=[
            pltpu.VMEM((bpw,), jnp.int32),
            pltpu.VMEM((bpw,), jnp.int32),
            pltpu.VMEM((bpw,), jnp.int32),
            [pltpu.VMEM((bpw,), jnp.float32) for _ in range(6)],
            pltpu.VMEM((bpw,), jnp.float32),
            pltpu.VMEM((bpw,), jnp.float32),
            pltpu.VMEM((bpw,), jnp.float32),
            pltpu.VMEM((bpw,), jnp.float32),
            pltpu.SemaphoreType.DMA,
        ],
    )
    def sc_k(t1_hbm, t2_hbm, g_hbm, p0_hbm, p1_hbm, p2_hbm, p3_hbm,
             g0_hbm, g1_hbm, q0_hbm, q1_hbm, out_hbm,
             rt1_v, rt2_v, rg0_v, gat_vs, tp0_v, tp1_v,
             oute_v, outo_v, sem):
        wid = lax.axis_index("s") * nc + lax.axis_index("c")
        base = wid * bpw
        s_in = pl.ds(base, bpw)
        loads = [pltpu.async_copy(t1_hbm.at[s_in], rt1_v, sem),
                 pltpu.async_copy(t2_hbm.at[s_in], rt2_v, sem),
                 pltpu.async_copy(g_hbm.at[s_in], rg0_v, sem),
                 pltpu.async_copy(q0_hbm.at[s_in], tp0_v, sem),
                 pltpu.async_copy(q1_hbm.at[s_in], tp1_v, sem)]
        for c in loads:
            c.wait()
        srcs = ((p0_hbm, rt1_v), (p1_hbm, rt1_v), (p2_hbm, rt2_v),
                (p3_hbm, rt2_v), (g0_hbm, rg0_v), (g1_hbm, rg0_v))
        copies = []
        for j in range(nchunks):
            c = pl.ds(j * 128, 128)
            for t, (tab, idx) in enumerate(srcs):
                copies.append(pltpu.async_copy(tab.at[idx.at[c]],
                                               gat_vs[t].at[c], sem))
        for c in copies:
            c.wait()
        for g in range(ngroups):
            s = pl.ds(g * 16, 16)
            oute_v[s] = gat_vs[0][s] + gat_vs[2][s] + gat_vs[4][s] + tp0_v[s]
            outo_v[s] = gat_vs[1][s] + gat_vs[3][s] + gat_vs[5][s] + tp1_v[s]
        st0 = pltpu.async_copy(oute_v, out_hbm.at[pl.ds(base, bpw)], sem)
        st1 = pltpu.async_copy(outo_v, out_hbm.at[pl.ds(B + base, bpw)], sem)
        st0.wait()
        st1.wait()

    return sc_k


def kernel(text1, text2, graph_data, scene_text, time_data, pretrained_emb,
           node_emb, time_w, time_b, W, b):
    p0, p1, p2, p3, g0, g1, q0, q1 = _fold(
        pretrained_emb.T, node_emb.T, time_data.T,
        time_w.reshape(1, -1), time_b.reshape(1, -1),
        W.T, b.reshape(1, -1))
    sc_k = _make_sc_gather()
    out_flat = sc_k(text1.astype(jnp.int32), text2.astype(jnp.int32),
                    graph_data.astype(jnp.int32),
                    p0.reshape(-1), p1.reshape(-1), p2.reshape(-1),
                    p3.reshape(-1), g0.reshape(-1), g1.reshape(-1),
                    q0.reshape(-1), q1.reshape(-1))
    return out_flat.reshape(2, B).T

# --- scband reference (transcript-rebuilt; emitter-appended) ---
"""Pipeline reference for scband-rele-miner-pt-66623532696175 (READ-ONLY COPY).

The authoritative reference and input builder live on the scoring server;
editing this copy changes nothing except your own understanding.
"""

import jax, jax.numpy as jnp
import numpy as np

B = 16384
VOCAB = 100000
TEXT_DIM = 64
NODE_NUM = 10000
NODE_DIM = 64
TIME_DIM = 32

def setup_inputs(seed: int = 0) -> dict:
    key = jax.random.key(seed)
    ks = jax.random.split(key, 12)
    text1 = jax.random.randint(ks[0], (B,), 0, VOCAB, dtype=jnp.int64 if jax.config.jax_enable_x64 else jnp.int32)
    text2 = jax.random.randint(ks[1], (B,), 0, VOCAB, dtype=text1.dtype)
    graph_data = jax.random.randint(ks[2], (B,), 0, NODE_NUM, dtype=text1.dtype)
    scene_text = jax.random.randint(ks[3], (B,), 0, VOCAB, dtype=text1.dtype)
    time_data = jax.random.uniform(ks[4], (B, 1), dtype=jnp.float32)
    # learned parameters
    pretrained_emb = jax.random.normal(ks[5], (VOCAB, TEXT_DIM), dtype=jnp.float32)  # frozen pretrained text embedding table
    node_emb = jax.random.normal(ks[6], (NODE_NUM, NODE_DIM), dtype=jnp.float32)     # GraphEncoder node embedding table
    time_w = jax.random.normal(ks[7], (TIME_DIM,), dtype=jnp.float32)                # TimeEncoder frequency weights
    time_b = jax.random.normal(ks[8], (TIME_DIM,), dtype=jnp.float32)                # TimeEncoder phase bias
    d_all = 2 * TEXT_DIM + NODE_DIM + TIME_DIM
    W = jax.random.normal(ks[9], (d_all, 2), dtype=jnp.float32) * 0.02               # final linear weight
    b = jnp.zeros((2,), dtype=jnp.float32)                                           # final linear bias
    return {"text1": text1, "text2": text2, "graph_data": graph_data, "scene_text": scene_text,
            "time_data": time_data, "pretrained_emb": pretrained_emb, "node_emb": node_emb,
            "time_w": time_w, "time_b": time_b, "W": W, "b": b}

def reference(text1, text2, graph_data, scene_text, time_data, pretrained_emb, node_emb, time_w, time_b, W, b):
    # text_encoder: embedding lookups into pretrained table
    text_emb1 = jnp.take(pretrained_emb, text1, axis=0)
    text_emb2 = jnp.take(pretrained_emb, text2, axis=0)
    # graph_encoder: node embedding lookup
    graph_emb = jnp.take(node_emb, graph_data, axis=0)
    # rule embedding
    rule_emb = jnp.concatenate((text_emb1, text_emb2), axis=-1)
    # time_encoder: harmonic time encoding cos(t*w + b)
    time_emb = jnp.cos(time_data * time_w[None, :] + time_b[None, :])
    text_and_scene_emb = jnp.concatenate((rule_emb, graph_emb), axis=-1)
    all_emb = jnp.concatenate((text_and_scene_emb, time_emb), axis=-1)
    preds = all_emb @ W + b
    return preds

if __name__ == "__main__":
    import jax
    _d = setup_inputs()
    print(jax.jit(kernel)(*tuple(_d.values())))

</pallas_src>

<mosaic_0001>
#map = affine_map<(d0, d1) -> (0)>
module attributes {stable_mosaic.version = 14 : i64} {
  func.func @sc_k(%arg0: i32, %arg1: i32, %arg2: memref<16384xi32, #tpu.memory_space<hbm>>, %arg3: memref<16384xi32, #tpu.memory_space<hbm>>, %arg4: memref<16384xi32, #tpu.memory_space<hbm>>, %arg5: memref<102400xf32, #tpu.memory_space<hbm>>, %arg6: memref<102400xf32, #tpu.memory_space<hbm>>, %arg7: memref<102400xf32, #tpu.memory_space<hbm>>, %arg8: memref<102400xf32, #tpu.memory_space<hbm>>, %arg9: memref<10240xf32, #tpu.memory_space<hbm>>, %arg10: memref<10240xf32, #tpu.memory_space<hbm>>, %arg11: memref<16384xf32, #tpu.memory_space<hbm>>, %arg12: memref<16384xf32, #tpu.memory_space<hbm>>, %arg13: memref<32768xf32, #tpu.memory_space<hbm>>, %arg14: memref<512xi32, #tpu.memory_space<vmem>>, %arg15: memref<512xi32, #tpu.memory_space<vmem>>, %arg16: memref<512xi32, #tpu.memory_space<vmem>>, %arg17: memref<512xf32, #tpu.memory_space<vmem>>, %arg18: memref<512xf32, #tpu.memory_space<vmem>>, %arg19: memref<512xf32, #tpu.memory_space<vmem>>, %arg20: memref<512xf32, #tpu.memory_space<vmem>>, %arg21: memref<512xf32, #tpu.memory_space<vmem>>, %arg22: memref<512xf32, #tpu.memory_space<vmem>>, %arg23: memref<512xf32, #tpu.memory_space<vmem>>, %arg24: memref<512xf32, #tpu.memory_space<vmem>>, %arg25: memref<512xf32, #tpu.memory_space<vmem>>, %arg26: memref<512xf32, #tpu.memory_space<vmem>>, %arg27: memref<!tpu.dma_semaphore, #tpu.memory_space<semaphore_mem>>) attributes {dimension_semantics = [#tpu.dimension_semantics<core_parallel>, #tpu.dimension_semantics<subcore_parallel>], iteration_bounds = array<i64: 2, 16>, scalar_prefetch = 0 : i64, scratch_operands = 14 : i64, tpu.core_type = #tpu.core_type<sc_vector_subcore>, window_params = [{transform_indices = #map}, {transform_indices = #map}, {transform_indices = #map}, {transform_indices = #map}, {transform_indices = #map}, {transform_indices = #map}, {transform_indices = #map}, {transform_indices = #map}, {transform_indices = #map}, {transform_indices = #map}, {transform_indices = #map}, {transform_indices = #map}]} {
    %mul3A = arith.constant 2 : i32
    %mul3A_0 = arith.muli %arg1, %mul3A : i32
    %add3A = arith.addi %mul3A_0, %arg0 : i32
    %mul3A_1 = arith.constant 512 : i32
    %mul3A_2 = arith.muli %add3A, %mul3A_1 : i32
    %dma_start3A = tpu.memref_slice %arg2[%mul3A_2] : memref<16384xi32, #tpu.memory_space<hbm>> -> memref<512xi32, #tpu.memory_space<hbm>>
    %dma_start3A_3 = tpu.memref_slice %arg2[%mul3A_2] : memref<16384xi32, #tpu.memory_space<hbm>> -> memref<512xi32, #tpu.memory_space<hbm>>
    tpu.enqueue_dma source(%dma_start3A_3 : memref<512xi32, #tpu.memory_space<hbm>>) target(%arg14 : memref<512xi32, #tpu.memory_space<vmem>>) target_semaphore(%arg27 : memref<!tpu.dma_semaphore, #tpu.memory_space<semaphore_mem>>)
    %dma_start3A_4 = tpu.memref_slice %arg3[%mul3A_2] : memref<16384xi32, #tpu.memory_space<hbm>> -> memref<512xi32, #tpu.memory_space<hbm>>
    %dma_start3A_5 = tpu.memref_slice %arg3[%mul3A_2] : memref<16384xi32, #tpu.memory_space<hbm>> -> memref<512xi32, #tpu.memory_space<hbm>>
    tpu.enqueue_dma source(%dma_start3A_5 : memref<512xi32, #tpu.memory_space<hbm>>) target(%arg15 : memref<512xi32, #tpu.memory_space<vmem>>) target_semaphore(%arg27 : memref<!tpu.dma_semaphore, #tpu.memory_space<semaphore_mem>>)
    %dma_start3A_6 = tpu.memref_slice %arg4[%mul3A_2] : memref<16384xi32, #tpu.memory_space<hbm>> -> memref<512xi32, #tpu.memory_space<hbm>>
    %dma_start3A_7 = tpu.memref_slice %arg4[%mul3A_2] : memref<16384xi32, #tpu.memory_space<hbm>> -> memref<512xi32, #tpu.memory_space<hbm>>
    tpu.enqueue_dma source(%dma_start3A_7 : memref<512xi32, #tpu.memory_space<hbm>>) target(%arg16 : memref<512xi32, #tpu.memory_space<vmem>>) target_semaphore(%arg27 : memref<!tpu.dma_semaphore, #tpu.memory_space<semaphore_mem>>)
    %dma_start3A_8 = tpu.memref_slice %arg11[%mul3A_2] : memref<16384xf32, #tpu.memory_space<hbm>> -> memref<512xf32, #tpu.memory_space<hbm>>
    %dma_start3A_9 = tpu.memref_slice %arg11[%mul3A_2] : memref<16384xf32, #tpu.memory_space<hbm>> -> memref<512xf32, #tpu.memory_space<hbm>>
    tpu.enqueue_dma source(%dma_start3A_9 : memref<512xf32, #tpu.memory_space<hbm>>) target(%arg23 : memref<512xf32, #tpu.memory_space<vmem>>) target_semaphore(%arg27 : memref<!tpu.dma_semaphore, #tpu.memory_space<semaphore_mem>>)
    %dma_start3A_10 = tpu.memref_slice %arg12[%mul3A_2] : memref<16384xf32, #tpu.memory_space<hbm>> -> memref<512xf32, #tpu.memory_space<hbm>>
    %dma_start3A_11 = tpu.memref_slice %arg12[%mul3A_2] : memref<16384xf32, #tpu.memory_space<hbm>> -> memref<512xf32, #tpu.memory_space<hbm>>
    tpu.enqueue_dma source(%dma_start3A_11 : memref<512xf32, #tpu.memory_space<hbm>>) target(%arg24 : memref<512xf32, #tpu.memory_space<vmem>>) target_semaphore(%arg27 : memref<!tpu.dma_semaphore, #tpu.memory_space<semaphore_mem>>)
    %dma_wait3A = tpu.memref_slice %arg2[%mul3A_2] : memref<16384xi32, #tpu.memory_space<hbm>> -> memref<512xi32, #tpu.memory_space<hbm>>
    %dma_wait3A_12 = tpu.memref_slice %arg2[%mul3A_2] : memref<16384xi32, #tpu.memory_space<hbm>> -> memref<512xi32, #tpu.memory_space<hbm>>
    tpu.wait_dma2 semaphore(%arg27 : memref<!tpu.dma_semaphore, #tpu.memory_space<semaphore_mem>>) src(%dma_wait3A_12 : memref<512xi32, #tpu.memory_space<hbm>>) dst(%arg14 : memref<512xi32, #tpu.memory_space<vmem>>)
    %dma_wait3A_13 = tpu.memref_slice %arg3[%mul3A_2] : memref<16384xi32, #tpu.memory_space<hbm>> -> memref<512xi32, #tpu.memory_space<hbm>>
    %dma_wait3A_14 = tpu.memref_slice %arg3[%mul3A_2] : memref<16384xi32, #tpu.memory_space<hbm>> -> memref<512xi32, #tpu.memory_space<hbm>>
    tpu.wait_dma2 semaphore(%arg27 : memref<!tpu.dma_semaphore, #tpu.memory_space<semaphore_mem>>) src(%dma_wait3A_14 : memref<512xi32, #tpu.memory_space<hbm>>) dst(%arg15 : memref<512xi32, #tpu.memory_space<vmem>>)
    %dma_wait3A_15 = tpu.memref_slice %arg4[%mul3A_2] : memref<16384xi32, #tpu.memory_space<hbm>> -> memref<512xi32, #tpu.memory_space<hbm>>
    %dma_wait3A_16 = tpu.memref_slice %arg4[%mul3A_2] : memref<16384xi32, #tpu.memory_space<hbm>> -> memref<512xi32, #tpu.memory_space<hbm>>
    tpu.wait_dma2 semaphore(%arg27 : memref<!tpu.dma_semaphore, #tpu.memory_space<semaphore_mem>>) src(%dma_wait3A_16 : memref<512xi32, #tpu.memory_space<hbm>>) dst(%arg16 : memref<512xi32, #tpu.memory_space<vmem>>)
    %dma_wait3A_17 = tpu.memref_slice %arg11[%mul3A_2] : memref<16384xf32, #tpu.memory_space<hbm>> -> memref<512xf32, #tpu.memory_space<hbm>>
    %dma_wait3A_18 = tpu.memref_slice %arg11[%mul3A_2] : memref<16384xf32, #tpu.memory_space<hbm>> -> memref<512xf32, #tpu.memory_space<hbm>>
    tpu.wait_dma2 semaphore(%arg27 : memref<!tpu.dma_semaphore, #tpu.memory_space<semaphore_mem>>) src(%dma_wait3A_18 : memref<512xf32, #tpu.memory_space<hbm>>) dst(%arg23 : memref<512xf32, #tpu.memory_space<vmem>>)
    %dma_wait3A_19 = tpu.memref_slice %arg12[%mul3A_2] : memref<16384xf32, #tpu.memory_space<hbm>> -> memref<512xf32, #tpu.memory_space<hbm>>
    %dma_wait3A_20 = tpu.memref_slice %arg12[%mul3A_2] : memref<16384xf32, #tpu.memory_space<hbm>> -> memref<512xf32, #tpu.memory_space<hbm>>
    tpu.wait_dma2 semaphore(%arg27 : memref<!tpu.dma_semaphore, #tpu.memory_space<semaphore_mem>>) src(%dma_wait3A_20 : memref<512xf32, #tpu.memory_space<hbm>>) dst(%arg24 : memref<512xf32, #tpu.memory_space<vmem>>)
    %dma_start3A_21 = arith.constant 0 : i32
    %dma_start3A_22 = tpu.memref_slice %arg17[%dma_start3A_21] : memref<512xf32, #tpu.memory_space<vmem>> -> memref<128xf32, #tpu.memory_space<vmem>>
    %dma_start3A_23 = arith.constant 0 : i32
    %dma_start3A_24 = tpu.memref_slice %arg14[%dma_start3A_23] : memref<512xi32, #tpu.memory_space<vmem>> -> memref<128xi32, #tpu.memory_space<vmem>>
    %dma_start3A_25 = arith.constant 0 : i32
    %dma_start3A_26 = tpu.memref_slice %arg5[%dma_start3A_25] : memref<102400xf32, #tpu.memory_space<hbm>> -> memref<102400xf32, #tpu.memory_space<hbm>>
    tpu.enqueue_indirect_dma source(%dma_start3A_26 : memref<102400xf32, #tpu.memory_space<hbm>>) target(%dma_start3A_22 : memref<128xf32, #tpu.memory_space<vmem>>) offsets(%dma_start3A_24 : memref<128xi32, #tpu.memory_space<vmem>>) semaphore(%arg27 : memref<!tpu.dma_semaphore, #tpu.memory_space<semaphore_mem>>)
    %dma_start3A_27 = arith.constant 0 : i32
    %dma_start3A_28 = tpu.memref_slice %arg18[%dma_start3A_27] : memref<512xf32, #tpu.memory_space<vmem>> -> memref<128xf32, #tpu.memory_space<vmem>>
    %dma_start3A_29 = arith.constant 0 : i32
    %dma_start3A_30 = tpu.memref_slice %arg14[%dma_start3A_29] : memref<512xi32, #tpu.memory_space<vmem>> -> memref<128xi32, #tpu.memory_space<vmem>>
    %dma_start3A_31 = arith.constant 0 : i32
    %dma_start3A_32 = tpu.memref_slice %arg6[%dma_start3A_31] : memref<102400xf32, #tpu.memory_space<hbm>> -> memref<102400xf32, #tpu.memory_space<hbm>>
    tpu.enqueue_indirect_dma source(%dma_start3A_32 : memref<102400xf32, #tpu.memory_space<hbm>>) target(%dma_start3A_28 : memref<128xf32, #tpu.memory_space<vmem>>) offsets(%dma_start3A_30 : memref<128xi32, #tpu.memory_space<vmem>>) semaphore(%arg27 : memref<!tpu.dma_semaphore, #tpu.memory_space<semaphore_mem>>)
    %dma_start3A_33 = arith.constant 0 : i32
    %dma_start3A_34 = tpu.memref_slice %arg19[%dma_start3A_33] : memref<512xf32, #tpu.memory_space<vmem>> -> memref<128xf32, #tpu.memory_space<vmem>>
    %dma_start3A_35 = arith.constant 0 : i32
    %dma_start3A_36 = tpu.memref_slice %arg15[%dma_start3A_35] : memref<512xi32, #tpu.memory_space<vmem>> -> memref<128xi32, #tpu.memory_space<vmem>>
    %dma_start3A_37 = arith.constant 0 : i32
    %dma_start3A_38 = tpu.memref_slice %arg7[%dma_start3A_37] : memref<102400xf32, #tpu.memory_space<hbm>> -> memref<102400xf32, #tpu.memory_space<hbm>>
    tpu.enqueue_indirect_dma source(%dma_start3A_38 : memref<102400xf32, #tpu.memory_space<hbm>>) target(%dma_start3A_34 : memref<128xf32, #tpu.memory_space<vmem>>) offsets(%dma_start3A_36 : memref<128xi32, #tpu.memory_space<vmem>>) semaphore(%arg27 : memref<!tpu.dma_semaphore, #tpu.memory_space<semaphore_mem>>)
    %dma_start3A_39 = arith.constant 0 : i32
    %dma_start3A_40 = tpu.memref_slice %arg20[%dma_start3A_39] : memref<512xf32, #tpu.memory_space<vmem>> -> memref<128xf32, #tpu.memory_space<vmem>>
    %dma_start3A_41 = arith.constant 0 : i32
    %dma_start3A_42 = tpu.memref_slice %arg15[%dma_start3A_41] : memref<512xi32, #tpu.memory_space<vmem>> -> memref<128xi32, #tpu.memory_space<vmem>>
    %dma_start3A_43 = arith.constant 0 : i32
    %dma_start3A_44 = tpu.memref_slice %arg8[%dma_start3A_43] : memref<102400xf32, #tpu.memory_space<hbm>> -> memref<102400xf32, #tpu.memory_space<hbm>>
    tpu.enqueue_indirect_dma source(%dma_start3A_44 : memref<102400xf32, #tpu.memory_space<hbm>>) target(%dma_start3A_40 : memref<128xf32, #tpu.memory_space<vmem>>) offsets(%dma_start3A_42 : memref<128xi32, #tpu.memory_space<vmem>>) semaphore(%arg27 : memref<!tpu.dma_semaphore, #tpu.memory_space<semaphore_mem>>)
    %dma_start3A_45 = arith.constant 0 : i32
    %dma_start3A_46 = tpu.memref_slice %arg21[%dma_start3A_45] : memref<512xf32, #tpu.memory_space<vmem>> -> memref<128xf32, #tpu.memory_space<vmem>>
    %dma_start3A_47 = arith.constant 0 : i32
    %dma_start3A_48 = tpu.memref_slice %arg16[%dma_start3A_47] : memref<512xi32, #tpu.memory_space<vmem>> -> memref<128xi32, #tpu.memory_space<vmem>>
    %dma_start3A_49 = arith.constant 0 : i32
    %dma_start3A_50 = tpu.memref_slice %arg9[%dma_start3A_49] : memref<10240xf32, #tpu.memory_space<hbm>> -> memref<10240xf32, #tpu.memory_space<hbm>>
    tpu.enqueue_indirect_dma source(%dma_start3A_50 : memref<10240xf32, #tpu.memory_space<hbm>>) target(%dma_start3A_46 : memref<128xf32, #tpu.memory_space<vmem>>) offsets(%dma_start3A_48 : memref<128xi32, #tpu.memory_space<vmem>>) semaphore(%arg27 : memref<!tpu.dma_semaphore, #tpu.memory_space<semaphore_mem>>)
    %dma_start3A_51 = arith.constant 0 : i32
    %dma_start3A_52 = tpu.memref_slice %arg22[%dma_start3A_51] : memref<512xf32, #tpu.memory_space<vmem>> -> memref<128xf32, #tpu.memory_space<vmem>>
    %dma_start3A_53 = arith.constant 0 : i32
    %dma_start3A_54 = tpu.memref_slice %arg16[%dma_start3A_53] : memref<512xi32, #tpu.memory_space<vmem>> -> memref<128xi32, #tpu.memory_space<vmem>>
    %dma_start3A_55 = arith.constant 0 : i32
    %dma_start3A_56 = tpu.memref_slice %arg10[%dma_start3A_55] : memref<10240xf32, #tpu.memory_space<hbm>> -> memref<10240xf32, #tpu.memory_space<hbm>>
    tpu.enqueue_indirect_dma source(%dma_start3A_56 : memref<10240xf32, #tpu.memory_space<hbm>>) target(%dma_start3A_52 : memref<128xf32, #tpu.memory_space<vmem>>) offsets(%dma_start3A_54 : memref<128xi32, #tpu.memory_space<vmem>>) semaphore(%arg27 : memref<!tpu.dma_semaphore, #tpu.memory_space<semaphore_mem>>)
    %dma_start3A_57 = arith.constant 128 : i32
    %dma_start3A_58 = tpu.memref_slice %arg17[%dma_start3A_57] : memref<512xf32, #tpu.memory_space<vmem>> -> memref<128xf32, #tpu.memory_space<vmem>>
    %dma_start3A_59 = arith.constant 128 : i32
    %dma_start3A_60 = tpu.memref_slice %arg14[%dma_start3A_59] : memref<512xi32, #tpu.memory_space<vmem>> -> memref<128xi32, #tpu.memory_space<vmem>>
    %dma_start3A_61 = arith.constant 0 : i32
    %dma_start3A_62 = tpu.memref_slice %arg5[%dma_start3A_61] : memref<102400xf32, #tpu.memory_space<hbm>> -> memref<102400xf32, #tpu.memory_space<hbm>>
    tpu.enqueue_indirect_dma source(%dma_start3A_62 : memref<102400xf32, #tpu.memory_space<hbm>>) target(%dma_start3A_58 : memref<128xf32, #tpu.memory_space<vmem>>) offsets(%dma_start3A_60 : memref<128xi32, #tpu.memory_space<vmem>>) semaphore(%arg27 : memref<!tpu.dma_semaphore, #tpu.memory_space<semaphore_mem>>)
    %dma_start3A_63 = arith.constant 128 : i32
    %dma_start3A_64 = tpu.memref_slice %arg18[%dma_start3A_63] : memref<512xf32, #tpu.memory_space<vmem>> -> memref<128xf32, #tpu.memory_space<vmem>>
    %dma_start3A_65 = arith.constant 128 : i32
    %dma_start3A_66 = tpu.memref_slice %arg14[%dma_start3A_65] : memref<512xi32, #tpu.memory_space<vmem>> -> memref<128xi32, #tpu.memory_space<vmem>>
    %dma_start3A_67 = arith.constant 0 : i32
    %dma_start3A_68 = tpu.memref_slice %arg6[%dma_start3A_67] : memref<102400xf32, #tpu.memory_space<hbm>> -> memref<102400xf32, #tpu.memory_space<hbm>>
    tpu.enqueue_indirect_dma source(%dma_start3A_68 : memref<102400xf32, #tpu.memory_space<hbm>>) target(%dma_start3A_64 : memref<128xf32, #tpu.memory_space<vmem>>) offsets(%dma_start3A_66 : memref<128xi32, #tpu.memory_space<vmem>>) semaphore(%arg27 : memref<!tpu.dma_semaphore, #tpu.memory_space<semaphore_mem>>)
    %dma_start3A_69 = arith.constant 128 : i32
    %dma_start3A_70 = tpu.memref_slice %arg19[%dma_start3A_69] : memref<512xf32, #tpu.memory_space<vmem>> -> memref<128xf32, #tpu.memory_space<vmem>>
    %dma_start3A_71 = arith.constant 128 : i32
    %dma_start3A_72 = tpu.memref_slice %arg15[%dma_start3A_71] : memref<512xi32, #tpu.memory_space<vmem>> -> memref<128xi32, #tpu.memory_space<vmem>>
    %dma_start3A_73 = arith.constant 0 : i32
    %dma_start3A_74 = tpu.memref_slice %arg7[%dma_start3A_73] : memref<102400xf32, #tpu.memory_space<hbm>> -> memref<102400xf32, #tpu.memory_space<hbm>>
    tpu.enqueue_indirect_dma source(%dma_start3A_74 : memref<102400xf32, #tpu.memory_space<hbm>>) target(%dma_start3A_70 : memref<128xf32, #tpu.memory_space<vmem>>) offsets(%dma_start3A_72 : memref<128xi32, #tpu.memory_space<vmem>>) semaphore(%arg27 : memref<!tpu.dma_semaphore, #tpu.memory_space<semaphore_mem>>)
    %dma_start3A_75 = arith.constant 128 : i32
    %dma_start3A_76 = tpu.memref_slice %arg20[%dma_start3A_75] : memref<512xf32, #tpu.memory_space<vmem>> -> memref<128xf32, #tpu.memory_space<vmem>>
    %dma_start3A_77 = arith.constant 128 : i32
    %dma_start3A_78 = tpu.memref_slice %arg15[%dma_start3A_77] : memref<512xi32, #tpu.memory_space<vmem>> -> memref<128xi32, #tpu.memory_space<vmem>>
    %dma_start3A_79 = arith.constant 0 : i32
    %dma_start3A_80 = tpu.memref_slice %arg8[%dma_start3A_79] : memref<102400xf32, #tpu.memory_space<hbm>> -> memref<102400xf32, #tpu.memory_space<hbm>>
    tpu.enqueue_indirect_dma source(%dma_start3A_80 : memref<102400xf32, #tpu.memory_space<hbm>>) target(%dma_start3A_76 : memref<128xf32, #tpu.memory_space<vmem>>) offsets(%dma_start3A_78 : memref<128xi32, #tpu.memory_space<vmem>>) semaphore(%arg27 : memref<!tpu.dma_semaphore, #tpu.memory_space<semaphore_mem>>)
    %dma_start3A_81 = arith.constant 128 : i32
    %dma_start3A_82 = tpu.memref_slice %arg21[%dma_start3A_81] : memref<512xf32, #tpu.memory_space<vmem>> -> memref<128xf32, #tpu.memory_space<vmem>>
    %dma_start3A_83 = arith.constant 128 : i32
    %dma_start3A_84 = tpu.memref_slice %arg16[%dma_start3A_83] : memref<512xi32, #tpu.memory_space<vmem>> -> memref<128xi32, #tpu.memory_space<vmem>>
    %dma_start3A_85 = arith.constant 0 : i32
    %dma_start3A_86 = tpu.memref_slice %arg9[%dma_start3A_85] : memref<10240xf32, #tpu.memory_space<hbm>> -> memref<10240xf32, #tpu.memory_space<hbm>>
    tpu.enqueue_indirect_dma source(%dma_start3A_86 : memref<10240xf32, #tpu.memory_space<hbm>>) target(%dma_start3A_82 : memref<128xf32, #tpu.memory_space<vmem>>) offsets(%dma_start3A_84 : memref<128xi32, #tpu.memory_space<vmem>>) semaphore(%arg27 : memref<!tpu.dma_semaphore, #tpu.memory_space<semaphore_mem>>)
    %dma_start3A_87 = arith.constant 128 : i32
    %dma_start3A_88 = tpu.memref_slice %arg22[%dma_start3A_87] : memref<512xf32, #tpu.memory_space<vmem>> -> memref<128xf32, #tpu.memory_space<vmem>>
    %dma_start3A_89 = arith.constant 128 : i32
    %dma_start3A_90 = tpu.memref_slice %arg16[%dma_start3A_89] : memref<512xi32, #tpu.memory_space<vmem>> -> memref<128xi32, #tpu.memory_space<vmem>>
    %dma_start3A_91 = arith.constant 0 : i32
    %dma_start3A_92 = tpu.memref_slice %arg10[%dma_start3A_91] : memref<10240xf32, #tpu.memory_space<hbm>> -> memref<10240xf32, #tpu.memory_space<hbm>>
    tpu.enqueue_indirect_dma source(%dma_start3A_92 : memref<10240xf32, #tpu.memory_space<hbm>>) target(%dma_start3A_88 : memref<128xf32, #tpu.memory_space<vmem>>) offsets(%dma_start3A_90 : memref<128xi32, #tpu.memory_space<vmem>>) semaphore(%arg27 : memref<!tpu.dma_semaphore, #tpu.memory_space<semaphore_mem>>)
    %dma_start3A_93 = arith.constant 256 : i32
    %dma_start3A_94 = tpu.memref_slice %arg17[%dma_start3A_93] : memref<512xf32, #tpu.memory_space<vmem>> -> memref<128xf32, #tpu.memory_space<vmem>>
    %dma_start3A_95 = arith.constant 256 : i32
    %dma_start3A_96 = tpu.memref_slice %arg14[%dma_start3A_95] : memref<512xi32, #tpu.memory_space<vmem>> -> memref<128xi32, #tpu.memory_space<vmem>>
    %dma_start3A_97 = arith.constant 0 : i32
    %dma_start3A_98 = tpu.memref_slice %arg5[%dma_start3A_97] : memref<102400xf32, #tpu.memory_space<hbm>> -> memref<102400xf32, #tpu.memory_space<hbm>>
    tpu.enqueue_indirect_dma source(%dma_start3A_98 : memref<102400xf32, #tpu.memory_space<hbm>>) target(%dma_start3A_94 : memref<128xf32, #tpu.memory_space<vmem>>) offsets(%dma_start3A_96 : memref<128xi32, #tpu.memory_space<vmem>>) semaphore(%arg27 : memref<!tpu.dma_semaphore, #tpu.memory_space<semaphore_mem>>)
    %dma_start3A_99 = arith.constant 256 : i32
    %dma_start3A_100 = tpu.memref_slice %arg18[%dma_start3A_99] : memref<512xf32, #tpu.memory_space<vmem>> -> memref<128xf32, #tpu.memory_space<vmem>>
    %dma_start3A_101 = arith.constant 256 : i32
    %dma_start3A_102 = tpu.memref_slice %arg14[%dma_start3A_101] : memref<512xi32, #tpu.memory_space<vmem>> -> memref<128xi32, #tpu.memory_space<vmem>>
    %dma_start3A_103 = arith.constant 0 : i32
    %dma_start3A_104 = tpu.memref_slice %arg6[%dma_start3A_103] : memref<102400xf32, #tpu.memory_space<hbm>> -> memref<102400xf32, #tpu.memory_space<hbm>>
    tpu.enqueue_indirect_dma source(%dma_start3A_104 : memref<102400xf32, #tpu.memory_space<hbm>>) target(%dma_start3A_100 : memref<128xf32, #tpu.memory_space<vmem>>) offsets(%dma_start3A_102 : memref<128xi32, #tpu.memory_space<vmem>>) semaphore(%arg27 : memref<!tpu.dma_semaphore, #tpu.memory_space<semaphore_mem>>)
    %dma_start3A_105 = arith.constant 256 : i32
    %dma_start3A_106 = tpu.memref_slice %arg19[%dma_start3A_105] : memref<512xf32, #tpu.memory_space<vmem>> -> memref<128xf32, #tpu.memory_space<vmem>>
    %dma_start3A_107 = arith.constant 256 : i32
    %dma_start3A_108 = tpu.memref_slice %arg15[%dma_start3A_107] : memref<512xi32, #tpu.memory_space<vmem>> -> memref<128xi32, #tpu.memory_space<vmem>>
    %dma_start3A_109 = arith.constant 0 : i32
    %dma_start3A_110 = tpu.memref_slice %arg7[%dma_start3A_109] : memref<102400xf32, #tpu.memory_space<hbm>> -> memref<102400xf32, #tpu.memory_space<hbm>>
    tpu.enqueue_indirect_dma source(%dma_start3A_110 : memref<102400xf32, #tpu.memory_space<hbm>>) target(%dma_start3A_106 : memref<128xf32, #tpu.memory_space<vmem>>) offsets(%dma_start3A_108 : memref<128xi32, #tpu.memory_space<vmem>>) semaphore(%arg27 : memref<!tpu.dma_semaphore, #tpu.memory_space<semaphore_mem>>)
    %dma_start3A_111 = arith.constant 256 : i32
    %dma_start3A_112 = tpu.memref_slice %arg20[%dma_start3A_111] : memref<512xf32, #tpu.memory_space<vmem>> -> memref<128xf32, #tpu.memory_space<vmem>>
    %dma_start3A_113 = arith.constant 256 : i32
    %dma_start3A_114 = tpu.memref_slice %arg15[%dma_start3A_113] : memref<512xi32, #tpu.memory_space<vmem>> -> memref<128xi32, #tpu.memory_space<vmem>>
    %dma_start3A_115 = arith.constant 0 : i32
    %dma_start3A_116 = tpu.memref_slice %arg8[%dma_start3A_115] : memref<102400xf32, #tpu.memory_space<hbm>> -> memref<102400xf32, #tpu.memory_space<hbm>>
    tpu.enqueue_indirect_dma source(%dma_start3A_116 : memref<102400xf32, #tpu.memory_space<hbm>>) target(%dma_start3A_112 : memref<128xf32, #tpu.memory_space<vmem>>) offsets(%dma_start3A_114 : memref<128xi32, #tpu.memory_space<vmem>>) semaphore(%arg27 : memref<!tpu.dma_semaphore, #tpu.memory_space<semaphore_mem>>)
    %dma_start3A_117 = arith.constant 256 : i32
    %dma_start3A_118 = tpu.memref_slice %arg21[%dma_start3A_117] : memref<512xf32, #tpu.memory_space<vmem>> -> memref<128xf32, #tpu.memory_space<vmem>>
    %dma_start3A_119 = arith.constant 256 : i32
    %dma_start3A_120 = tpu.memref_slice %arg16[%dma_start3A_119] : memref<512xi32, #tpu.memory_space<vmem>> -> memref<128xi32, #tpu.memory_space<vmem>>
    %dma_start3A_121 = arith.constant 0 : i32
    %dma_start3A_122 = tpu.memref_slice %arg9[%dma_start3A_121] : memref<10240xf32, #tpu.memory_space<hbm>> -> memref<10240xf32, #tpu.memory_space<hbm>>
    tpu.enqueue_indirect_dma source(%dma_start3A_122 : memref<10240xf32, #tpu.memory_space<hbm>>) target(%dma_start3A_118 : memref<128xf32, #tpu.memory_space<vmem>>) offsets(%dma_start3A_120 : memref<128xi32, #tpu.memory_space<vmem>>) semaphore(%arg27 : memref<!tpu.dma_semaphore, #tpu.memory_space<semaphore_mem>>)
    %dma_start3A_123 = arith.constant 256 : i32
    %dma_start3A_124 = tpu.memref_slice %arg22[%dma_start3A_123] : memref<512xf32, #tpu.memory_space<vmem>> -> memref<128xf32, #tpu.memory_space<vmem>>
    %dma_start3A_125 = arith.constant 256 : i32
    %dma_start3A_126 = tpu.memref_slice %arg16[%dma_start3A_125] : memref<512xi32, #tpu.memory_space<vmem>> -> memref<128xi32, #tpu.memory_space<vmem>>
    %dma_start3A_127 = arith.constant 0 : i32
    %dma_start3A_128 = tpu.memref_slice %arg10[%dma_start3A_127] : memref<10240xf32, #tpu.memory_space<hbm>> -> memref<10240xf32, #tpu.memory_space<hbm>>
    tpu.enqueue_indirect_dma source(%dma_start3A_128 : memref<10240xf32, #tpu.memory_space<hbm>>) target(%dma_start3A_124 : memref<128xf32, #tpu.memory_space<vmem>>) offsets(%dma_start3A_126 : memref<128xi32, #tpu.memory_space<vmem>>) semaphore(%arg27 : memref<!tpu.dma_semaphore, #tpu.memory_space<semaphore_mem>>)
    %dma_start3A_129 = arith.constant 384 : i32
    %dma_start3A_130 = tpu.memref_slice %arg17[%dma_start3A_129] : memref<512xf32, #tpu.memory_space<vmem>> -> memref<128xf32, #tpu.memory_space<vmem>>
    %dma_start3A_131 = arith.constant 384 : i32
    %dma_start3A_132 = tpu.memref_slice %arg14[%dma_start3A_131] : memref<512xi32, #tpu.memory_space<vmem>> -> memref<128xi32, #tpu.memory_space<vmem>>
    %dma_start3A_133 = arith.constant 0 : i32
    %dma_start3A_134 = tpu.memref_slice %arg5[%dma_start3A_133] : memref<102400xf32, #tpu.memory_space<hbm>> -> memref<102400xf32, #tpu.memory_space<hbm>>
    tpu.enqueue_indirect_dma source(%dma_start3A_134 : memref<102400xf32, #tpu.memory_space<hbm>>) target(%dma_start3A_130 : memref<128xf32, #tpu.memory_space<vmem>>) offsets(%dma_start3A_132 : memref<128xi32, #tpu.memory_space<vmem>>) semaphore(%arg27 : memref<!tpu.dma_semaphore, #tpu.memory_space<semaphore_mem>>)
    %dma_start3A_135 = arith.constant 384 : i32
    %dma_start3A_136 = tpu.memref_slice %arg18[%dma_start3A_135] : memref<512xf32, #tpu.memory_space<vmem>> -> memref<128xf32, #tpu.memory_space<vmem>>
    %dma_start3A_137 = arith.constant 384 : i32
    %dma_start3A_138 = tpu.memref_slice %arg14[%dma_start3A_137] : memref<512xi32, #tpu.memory_space<vmem>> -> memref<128xi32, #tpu.memory_space<vmem>>
    %dma_start3A_139 = arith.constant 0 : i32
    %dma_start3A_140 = tpu.memref_slice %arg6[%dma_start3A_139] : memref<102400xf32, #tpu.memory_space<hbm>> -> memref<102400xf32, #tpu.memory_space<hbm>>
    tpu.enqueue_indirect_dma source(%dma_start3A_140 : memref<102400xf32, #tpu.memory_space<hbm>>) target(%dma_start3A_136 : memref<128xf32, #tpu.memory_space<vmem>>) offsets(%dma_start3A_138 : memref<128xi32, #tpu.memory_space<vmem>>) semaphore(%arg27 : memref<!tpu.dma_semaphore, #tpu.memory_space<semaphore_mem>>)
    %dma_start3A_141 = arith.constant 384 : i32
    %dma_start3A_142 = tpu.memref_slice %arg19[%dma_start3A_141] : memref<512xf32, #tpu.memory_space<vmem>> -> memref<128xf32, #tpu.memory_space<vmem>>
    %dma_start3A_143 = arith.constant 384 : i32
    %dma_start3A_144 = tpu.memref_slice %arg15[%dma_start3A_143] : memref<512xi32, #tpu.memory_space<vmem>> -> memref<128xi32, #tpu.memory_space<vmem>>
    %dma_start3A_145 = arith.constant 0 : i32
    %dma_start3A_146 = tpu.memref_slice %arg7[%dma_start3A_145] : memref<102400xf32, #tpu.memory_space<hbm>> -> memref<102400xf32, #tpu.memory_space<hbm>>
    tpu.enqueue_indirect_dma source(%dma_start3A_146 : memref<102400xf32, #tpu.memory_space<hbm>>) target(%dma_start3A_142 : memref<128xf32, #tpu.memory_space<vmem>>) offsets(%dma_start3A_144 : memref<128xi32, #tpu.memory_space<vmem>>) semaphore(%arg27 : memref<!tpu.dma_semaphore, #tpu.memory_space<semaphore_mem>>)
    %dma_start3A_147 = arith.constant 384 : i32
    %dma_start3A_148 = tpu.memref_slice %arg20[%dma_start3A_147] : memref<512xf32, #tpu.memory_space<vmem>> -> memref<128xf32, #tpu.memory_space<vmem>>
    %dma_start3A_149 = arith.constant 384 : i32
    %dma_start3A_150 = tpu.memref_slice %arg15[%dma_start3A_149] : memref<512xi32, #tpu.memory_space<vmem>> -> memref<128xi32, #tpu.memory_space<vmem>>
    %dma_start3A_151 = arith.constant 0 : i32
    %dma_start3A_152 = tpu.memref_slice %arg8[%dma_start3A_151] : memref<102400xf32, #tpu.memory_space<hbm>> -> memref<102400xf32, #tpu.memory_space<hbm>>
    tpu.enqueue_indirect_dma source(%dma_start3A_152 : memref<102400xf32, #tpu.memory_space<hbm>>) target(%dma_start3A_148 : memref<128xf32, #tpu.memory_space<vmem>>) offsets(%dma_start3A_150 : memref<128xi32, #tpu.memory_space<vmem>>) semaphore(%arg27 : memref<!tpu.dma_semaphore, #tpu.memory_space<semaphore_mem>>)
    %dma_start3A_153 = arith.constant 384 : i32
    %dma_start3A_154 = tpu.memref_slice %arg21[%dma_start3A_153] : memref<512xf32, #tpu.memory_space<vmem>> -> memref<128xf32, #tpu.memory_space<vmem>>
    %dma_start3A_155 = arith.constant 384 : i32
    %dma_start3A_156 = tpu.memref_slice %arg16[%dma_start3A_155] : memref<512xi32, #tpu.memory_space<vmem>> -> memref<128xi32, #tpu.memory_space<vmem>>
    %dma_start3A_157 = arith.constant 0 : i32
    %dma_start3A_158 = tpu.memref_slice %arg9[%dma_start3A_157] : memref<10240xf32, #tpu.memory_space<hbm>> -> memref<10240xf32, #tpu.memory_space<hbm>>
    tpu.enqueue_indirect_dma source(%dma_start3A_158 : memref<10240xf32, #tpu.memory_space<hbm>>) target(%dma_start3A_154 : memref<128xf32, #tpu.memory_space<vmem>>) offsets(%dma_start3A_156 : memref<128xi32, #tpu.memory_space<vmem>>) semaphore(%arg27 : memref<!tpu.dma_semaphore, #tpu.memory_space<semaphore_mem>>)
    %dma_start3A_159 = arith.constant 384 : i32
    %dma_start3A_160 = tpu.memref_slice %arg22[%dma_start3A_159] : memref<512xf32, #tpu.memory_space<vmem>> -> memref<128xf32, #tpu.memory_space<vmem>>
    %dma_start3A_161 = arith.constant 384 : i32
    %dma_start3A_162 = tpu.memref_slice %arg16[%dma_start3A_161] : memref<512xi32, #tpu.memory_space<vmem>> -> memref<128xi32, #tpu.memory_space<vmem>>
    %dma_start3A_163 = arith.constant 0 : i32
    %dma_start3A_164 = tpu.memref_slice %arg10[%dma_start3A_163] : memref<10240xf32, #tpu.memory_space<hbm>> -> memref<10240xf32, #tpu.memory_space<hbm>>
    tpu.enqueue_indirect_dma source(%dma_start3A_164 : memref<10240xf32, #tpu.memory_space<hbm>>) target(%dma_start3A_160 : memref<128xf32, #tpu.memory_space<vmem>>) offsets(%dma_start3A_162 : memref<128xi32, #tpu.memory_space<vmem>>) semaphore(%arg27 : memref<!tpu.dma_semaphore, #tpu.memory_space<semaphore_mem>>)
    %dma_wait3A_165 = arith.constant 0 : i32
    %dma_wait3A_166 = tpu.memref_slice %arg17[%dma_wait3A_165] : memref<512xf32, #tpu.memory_space<vmem>> -> memref<128xf32, #tpu.memory_space<vmem>>
    %dma_wait3A_167 = arith.constant 0 : i32
    %dma_wait3A_168 = tpu.memref_slice %arg14[%dma_wait3A_167] : memref<512xi32, #tpu.memory_space<vmem>> -> memref<128xi32, #tpu.memory_space<vmem>>
    %dma_wait3A_169 = arith.constant 0 : i32
    %dma_wait3A_170 = tpu.memref_slice %arg5[%dma_wait3A_169] : memref<102400xf32, #tpu.memory_space<hbm>> -> memref<102400xf32, #tpu.memory_space<hbm>>
    tpu.wait_indirect_dma semaphore(%arg27 : memref<!tpu.dma_semaphore, #tpu.memory_space<semaphore_mem>>) src(%dma_wait3A_170 : memref<102400xf32, #tpu.memory_space<hbm>>) dst(%dma_wait3A_166 : memref<128xf32, #tpu.memory_space<vmem>>)
    %dma_wait3A_171 = arith.constant 0 : i32
    %dma_wait3A_172 = tpu.memref_slice %arg18[%dma_wait3A_171] : memref<512xf32, #tpu.memory_space<vmem>> -> memref<128xf32, #tpu.memory_space<vmem>>
    %dma_wait3A_173 = arith.constant 0 : i32
    %dma_wait3A_174 = tpu.memref_slice %arg14[%dma_wait3A_173] : memref<512xi32, #tpu.memory_space<vmem>> -> memref<128xi32, #tpu.memory_space<vmem>>
    %dma_wait3A_175 = arith.constant 0 : i32
    %dma_wait3A_176 = tpu.memref_slice %arg6[%dma_wait3A_175] : memref<102400xf32, #tpu.memory_space<hbm>> -> memref<102400xf32, #tpu.memory_space<hbm>>
    tpu.wait_indirect_dma semaphore(%arg27 : memref<!tpu.dma_semaphore, #tpu.memory_space<semaphore_mem>>) src(%dma_wait3A_176 : memref<102400xf32, #tpu.memory_space<hbm>>) dst(%dma_wait3A_172 : memref<128xf32, #tpu.memory_space<vmem>>)
    %dma_wait3A_177 = arith.constant 0 : i32
    %dma_wait3A_178 = tpu.memref_slice %arg19[%dma_wait3A_177] : memref<512xf32, #tpu.memory_space<vmem>> -> memref<128xf32, #tpu.memory_space<vmem>>
    %dma_wait3A_179 = arith.constant 0 : i32
    %dma_wait3A_180 = tpu.memref_slice %arg15[%dma_wait3A_179] : memref<512xi32, #tpu.memory_space<vmem>> -> memref<128xi32, #tpu.memory_space<vmem>>
    %dma_wait3A_181 = arith.constant 0 : i32
    %dma_wait3A_182 = tpu.memref_slice %arg7[%dma_wait3A_181] : memref<102400xf32, #tpu.memory_space<hbm>> -> memref<102400xf32, #tpu.memory_space<hbm>>
    tpu.wait_indirect_dma semaphore(%arg27 : memref<!tpu.dma_semaphore, #tpu.memory_space<semaphore_mem>>) src(%dma_wait3A_182 : memref<102400xf32, #tpu.memory_space<hbm>>) dst(%dma_wait3A_178 : memref<128xf32, #tpu.memory_space<vmem>>)
    %dma_wait3A_183 = arith.constant 0 : i32
    %dma_wait3A_184 = tpu.memref_slice %arg20[%dma_wait3A_183] : memref<512xf32, #tpu.memory_space<vmem>> -> memref<128xf32, #tpu.memory_space<vmem>>
    %dma_wait3A_185 = arith.constant 0 : i32
    %dma_wait3A_186 = tpu.memref_slice %arg15[%dma_wait3A_185] : memref<512xi32, #tpu.memory_space<vmem>> -> memref<128xi32, #tpu.memory_space<vmem>>
    %dma_wait3A_187 = arith.constant 0 : i32
    %dma_wait3A_188 = tpu.memref_slice %arg8[%dma_wait3A_187] : memref<102400xf32, #tpu.memory_space<hbm>> -> memref<102400xf32, #tpu.memory_space<hbm>>
    tpu.wait_indirect_dma semaphore(%arg27 : memref<!tpu.dma_semaphore, #tpu.memory_space<semaphore_mem>>) src(%dma_wait3A_188 : memref<102400xf32, #tpu.memory_space<hbm>>) dst(%dma_wait3A_184 : memref<128xf32, #tpu.memory_space<vmem>>)
    %dma_wait3A_189 = arith.constant 0 : i32
    %dma_wait3A_190 = tpu.memref_slice %arg21[%dma_wait3A_189] : memref<512xf32, #tpu.memory_space<vmem>> -> memref<128xf32, #tpu.memory_space<vmem>>
    %dma_wait3A_191 = arith.constant 0 : i32
    %dma_wait3A_192 = tpu.memref_slice %arg16[%dma_wait3A_191] : memref<512xi32, #tpu.memory_space<vmem>> -> memref<128xi32, #tpu.memory_space<vmem>>
    %dma_wait3A_193 = arith.constant 0 : i32
    %dma_wait3A_194 = tpu.memref_slice %arg9[%dma_wait3A_193] : memref<10240xf32, #tpu.memory_space<hbm>> -> memref<10240xf32, #tpu.memory_space<hbm>>
    tpu.wait_indirect_dma semaphore(%arg27 : memref<!tpu.dma_semaphore, #tpu.memory_space<semaphore_mem>>) src(%dma_wait3A_194 : memref<10240xf32, #tpu.memory_space<hbm>>) dst(%dma_wait3A_190 : memref<128xf32, #tpu.memory_space<vmem>>)
    %dma_wait3A_195 = arith.constant 0 : i32
    %dma_wait3A_196 = tpu.memref_slice %arg22[%dma_wait3A_195] : memref<512xf32, #tpu.memory_space<vmem>> -> memref<128xf32, #tpu.memory_space<vmem>>
    %dma_wait3A_197 = arith.constant 0 : i32
    %dma_wait3A_198 = tpu.memref_slice %arg16[%dma_wait3A_197] : memref<512xi32, #tpu.memory_space<vmem>> -> memref<128xi32, #tpu.memory_space<vmem>>
    %dma_wait3A_199 = arith.constant 0 : i32
    %dma_wait3A_200 = tpu.memref_slice %arg10[%dma_wait3A_199] : memref<10240xf32, #tpu.memory_space<hbm>> -> memref<10240xf32, #tpu.memory_space<hbm>>
    tpu.wait_indirect_dma semaphore(%arg27 : memref<!tpu.dma_semaphore, #tpu.memory_space<semaphore_mem>>) src(%dma_wait3A_200 : memref<10240xf32, #tpu.memory_space<hbm>>) dst(%dma_wait3A_196 : memref<128xf32, #tpu.memory_space<vmem>>)
    %dma_wait3A_201 = arith.constant 128 : i32
    %dma_wait3A_202 = tpu.memref_slice %arg17[%dma_wait3A_201] : memref<512xf32, #tpu.memory_space<vmem>> -> memref<128xf32, #tpu.memory_space<vmem>>
    %dma_wait3A_203 = arith.constant 128 : i32
    %dma_wait3A_204 = tpu.memref_slice %arg14[%dma_wait3A_203] : memref<512xi32, #tpu.memory_space<vmem>> -> memref<128xi32, #tpu.memory_space<vmem>>
    %dma_wait3A_205 = arith.constant 0 : i32
    %dma_wait3A_206 = tpu.memref_slice %arg5[%dma_wait3A_205] : memref<102400xf32, #tpu.memory_space<hbm>> -> memref<102400xf32, #tpu.memory_space<hbm>>
    tpu.wait_indirect_dma semaphore(%arg27 : memref<!tpu.dma_semaphore, #tpu.memory_space<semaphore_mem>>) src(%dma_wait3A_206 : memref<102400xf32, #tpu.memory_space<hbm>>) dst(%dma_wait3A_202 : memref<128xf32, #tpu.memory_space<vmem>>)
    %dma_wait3A_207 = arith.constant 128 : i32
    %dma_wait3A_208 = tpu.memref_slice %arg18[%dma_wait3A_207] : memref<512xf32, #tpu.memory_space<vmem>> -> memref<128xf32, #tpu.memory_space<vmem>>
    %dma_wait3A_209 = arith.constant 128 : i32
    %dma_wait3A_210 = tpu.memref_slice %arg14[%dma_wait3A_209] : memref<512xi32, #tpu.memory_space<vmem>> -> memref<128xi32, #tpu.memory_space<vmem>>
    %dma_wait3A_211 = arith.constant 0 : i32
    %dma_wait3A_212 = tpu.memref_slice %arg6[%dma_wait3A_211] : memref<102400xf32, #tpu.memory_space<hbm>> -> memref<102400xf32, #tpu.memory_space<hbm>>
    tpu.wait_indirect_dma semaphore(%arg27 : memref<!tpu.dma_semaphore, #tpu.memory_space<semaphore_mem>>) src(%dma_wait3A_212 : memref<102400xf32, #tpu.memory_space<hbm>>) dst(%dma_wait3A_208 : memref<128xf32, #tpu.memory_space<vmem>>)
    %dma_wait3A_213 = arith.constant 128 : i32
    %dma_wait3A_214 = tpu.memref_slice %arg19[%dma_wait3A_213] : memref<512xf32, #tpu.memory_space<vmem>> -> memref<128xf32, #tpu.memory_space<vmem>>
    %dma_wait3A_215 = arith.constant 128 : i32
    %dma_wait3A_216 = tpu.memref_slice %arg15[%dma_wait3A_215] : memref<512xi32, #tpu.memory_space<vmem>> -> memref<128xi32, #tpu.memory_space<vmem>>
    %dma_wait3A_217 = arith.constant 0 : i32
    %dma_wait3A_218 = tpu.memref_slice %arg7[%dma_wait3A_217] : memref<102400xf32, #tpu.memory_space<hbm>> -> memref<102400xf32, #tpu.memory_space<hbm>>
    tpu.wait_indirect_dma semaphore(%arg27 : memref<!tpu.dma_semaphore, #tpu.memory_space<semaphore_mem>>) src(%dma_wait3A_218 : memref<102400xf32, #tpu.memory_space<hbm>>) dst(%dma_wait3A_214 : memref<128xf32, #tpu.memory_space<vmem>>)
    %dma_wait3A_219 = arith.constant 128 : i32
    %dma_wait3A_220 = tpu.memref_slice %arg20[%dma_wait3A_219] : memref<512xf32, #tpu.memory_space<vmem>> -> memref<128xf32, #tpu.memory_space<vmem>>
    %dma_wait3A_221 = arith.constant 128 : i32
    %dma_wait3A_222 = tpu.memref_slice %arg15[%dma_wait3A_221] : memref<512xi32, #tpu.memory_space<vmem>> -> memref<128xi32, #tpu.memory_space<vmem>>
    %dma_wait3A_223 = arith.constant 0 : i32
    %dma_wait3A_224 = tpu.memref_slice %arg8[%dma_wait3A_223] : memref<102400xf32, #tpu.memory_space<hbm>> -> memref<102400xf32, #tpu.memory_space<hbm>>
    tpu.wait_indirect_dma semaphore(%arg27 : memref<!tpu.dma_semaphore, #tpu.memory_space<semaphore_mem>>) src(%dma_wait3A_224 : memref<102400xf32, #tpu.memory_space<hbm>>) dst(%dma_wait3A_220 : memref<128xf32, #tpu.memory_space<vmem>>)
    %dma_wait3A_225 = arith.constant 128 : i32
    %dma_wait3A_226 = tpu.memref_slice %arg21[%dma_wait3A_225] : memref<512xf32, #tpu.memory_space<vmem>> -> memref<128xf32, #tpu.memory_space<vmem>>
    %dma_wait3A_227 = arith.constant 128 : i32
    %dma_wait3A_228 = tpu.memref_slice %arg16[%dma_wait3A_227] : memref<512xi32, #tpu.memory_space<vmem>> -> memref<128xi32, #tpu.memory_space<vmem>>
    %dma_wait3A_229 = arith.constant 0 : i32
    %dma_wait3A_230 = tpu.memref_slice %arg9[%dma_wait3A_229] : memref<10240xf32, #tpu.memory_space<hbm>> -> memref<10240xf32, #tpu.memory_space<hbm>>
    tpu.wait_indirect_dma semaphore(%arg27 : memref<!tpu.dma_semaphore, #tpu.memory_space<semaphore_mem>>) src(%dma_wait3A_230 : memref<10240xf32, #tpu.memory_space<hbm>>) dst(%dma_wait3A_226 : memref<128xf32, #tpu.memory_space<vmem>>)
    %dma_wait3A_231 = arith.constant 128 : i32
    %dma_wait3A_232 = tpu.memref_slice %arg22[%dma_wait3A_231] : memref<512xf32, #tpu.memory_space<vmem>> -> memref<128xf32, #tpu.memory_space<vmem>>
    %dma_wait3A_233 = arith.constant 128 : i32
    %dma_wait3A_234 = tpu.memref_slice %arg16[%dma_wait3A_233] : memref<512xi32, #tpu.memory_space<vmem>> -> memref<128xi32, #tpu.memory_space<vmem>>
    %dma_wait3A_235 = arith.constant 0 : i32
    %dma_wait3A_236 = tpu.memref_slice %arg10[%dma_wait3A_235] : memref<10240xf32, #tpu.memory_space<hbm>> -> memref<10240xf32, #tpu.memory_space<hbm>>
    tpu.wait_indirect_dma semaphore(%arg27 : memref<!tpu.dma_semaphore, #tpu.memory_space<semaphore_mem>>) src(%dma_wait3A_236 : memref<10240xf32, #tpu.memory_space<hbm>>) dst(%dma_wait3A_232 : memref<128xf32, #tpu.memory_space<vmem>>)
    %dma_wait3A_237 = arith.constant 256 : i32
    %dma_wait3A_238 = tpu.memref_slice %arg17[%dma_wait3A_237] : memref<512xf32, #tpu.memory_space<vmem>> -> memref<128xf32, #tpu.memory_space<vmem>>
    %dma_wait3A_239 = arith.constant 256 : i32
    %dma_wait3A_240 = tpu.memref_slice %arg14[%dma_wait3A_239] : memref<512xi32, #tpu.memory_space<vmem>> -> memref<128xi32, #tpu.memory_space<vmem>>
    %dma_wait3A_241 = arith.constant 0 : i32
    %dma_wait3A_242 = tpu.memref_slice %arg5[%dma_wait3A_241] : memref<102400xf32, #tpu.memory_space<hbm>> -> memref<102400xf32, #tpu.memory_space<hbm>>
    tpu.wait_indirect_dma semaphore(%arg27 : memref<!tpu.dma_semaphore, #tpu.memory_space<semaphore_mem>>) src(%dma_wait3A_242 : memref<102400xf32, #tpu.memory_space<hbm>>) dst(%dma_wait3A_238 : memref<128xf32, #tpu.memory_space<vmem>>)
    %dma_wait3A_243 = arith.constant 256 : i32
    %dma_wait3A_244 = tpu.memref_slice %arg18[%dma_wait3A_243] : memref<512xf32, #tpu.memory_space<vmem>> -> memref<128xf32, #tpu.memory_space<vmem>>
    %dma_wait3A_245 = arith.constant 256 : i32
    %dma_wait3A_246 = tpu.memref_slice %arg14[%dma_wait3A_245] : memref<512xi32, #tpu.memory_space<vmem>> -> memref<128xi32, #tpu.memory_space<vmem>>
    %dma_wait3A_247 = arith.constant 0 : i32
    %dma_wait3A_248 = tpu.memref_slice %arg6[%dma_wait3A_247] : memref<102400xf32, #tpu.memory_space<hbm>> -> memref<102400xf32, #tpu.memory_space<hbm>>
    tpu.wait_indirect_dma semaphore(%arg27 : memref<!tpu.dma_semaphore, #tpu.memory_space<semaphore_mem>>) src(%dma_wait3A_248 : memref<102400xf32, #tpu.memory_space<hbm>>) dst(%dma_wait3A_244 : memref<128xf32, #tpu.memory_space<vmem>>)
    %dma_wait3A_249 = arith.constant 256 : i32
    %dma_wait3A_250 = tpu.memref_slice %arg19[%dma_wait3A_249] : memref<512xf32, #tpu.memory_space<vmem>> -> memref<128xf32, #tpu.memory_space<vmem>>
    %dma_wait3A_251 = arith.constant 256 : i32
    %dma_wait3A_252 = tpu.memref_slice %arg15[%dma_wait3A_251] : memref<512xi32, #tpu.memory_space<vmem>> -> memref<128xi32, #tpu.memory_space<vmem>>
    %dma_wait3A_253 = arith.constant 0 : i32
    %dma_wait3A_254 = tpu.memref_slice %arg7[%dma_wait3A_253] : memref<102400xf32, #tpu.memory_space<hbm>> -> memref<102400xf32, #tpu.memory_space<hbm>>
    tpu.wait_indirect_dma semaphore(%arg27 : memref<!tpu.dma_semaphore, #tpu.memory_space<semaphore_mem>>) src(%dma_wait3A_254 : memref<102400xf32, #tpu.memory_space<hbm>>) dst(%dma_wait3A_250 : memref<128xf32, #tpu.memory_space<vmem>>)
    %dma_wait3A_255 = arith.constant 256 : i32
    %dma_wait3A_256 = tpu.memref_slice %arg20[%dma_wait3A_255] : memref<512xf32, #tpu.memory_space<vmem>> -> memref<128xf32, #tpu.memory_space<vmem>>
    %dma_wait3A_257 = arith.constant 256 : i32
    %dma_wait3A_258 = tpu.memref_slice %arg15[%dma_wait3A_257] : memref<512xi32, #tpu.memory_space<vmem>> -> memref<128xi32, #tpu.memory_space<vmem>>
    %dma_wait3A_259 = arith.constant 0 : i32
    %dma_wait3A_260 = tpu.memref_slice %arg8[%dma_wait3A_259] : memref<102400xf32, #tpu.memory_space<hbm>> -> memref<102400xf32, #tpu.memory_space<hbm>>
    tpu.wait_indirect_dma semaphore(%arg27 : memref<!tpu.dma_semaphore, #tpu.memory_space<semaphore_mem>>) src(%dma_wait3A_260 : memref<102400xf32, #tpu.memory_space<hbm>>) dst(%dma_wait3A_256 : memref<128xf32, #tpu.memory_space<vmem>>)
    %dma_wait3A_261 = arith.constant 256 : i32
    %dma_wait3A_262 = tpu.memref_slice %arg21[%dma_wait3A_261] : memref<512xf32, #tpu.memory_space<vmem>> -> memref<128xf32, #tpu.memory_space<vmem>>
    %dma_wait3A_263 = arith.constant 256 : i32
    %dma_wait3A_264 = tpu.memref_slice %arg16[%dma_wait3A_263] : memref<512xi32, #tpu.memory_space<vmem>> -> memref<128xi32, #tpu.memory_space<vmem>>
    %dma_wait3A_265 = arith.constant 0 : i32
    %dma_wait3A_266 = tpu.memref_slice %arg9[%dma_wait3A_265] : memref<10240xf32, #tpu.memory_space<hbm>> -> memref<10240xf32, #tpu.memory_space<hbm>>
    tpu.wait_indirect_dma semaphore(%arg27 : memref<!tpu.dma_semaphore, #tpu.memory_space<semaphore_mem>>) src(%dma_wait3A_266 : memref<10240xf32, #tpu.memory_space<hbm>>) dst(%dma_wait3A_262 : memref<128xf32, #tpu.memory_space<vmem>>)
    %dma_wait3A_267 = arith.constant 256 : i32
    %dma_wait3A_268 = tpu.memref_slice %arg22[%dma_wait3A_267] : memref<512xf32, #tpu.memory_space<vmem>> -> memref<128xf32, #tpu.memory_space<vmem>>
    %dma_wait3A_269 = arith.constant 256 : i32
    %dma_wait3A_270 = tpu.memref_slice %arg16[%dma_wait3A_269] : memref<512xi32, #tpu.memory_space<vmem>> -> memref<128xi32, #tpu.memory_space<vmem>>
    %dma_wait3A_271 = arith.constant 0 : i32
    %dma_wait3A_272 = tpu.memref_slice %arg10[%dma_wait3A_271] : memref<10240xf32, #tpu.memory_space<hbm>> -> memref<10240xf32, #tpu.memory_space<hbm>>
    tpu.wait_indirect_dma semaphore(%arg27 : memref<!tpu.dma_semaphore, #tpu.memory_space<semaphore_mem>>) src(%dma_wait3A_272 : memref<10240xf32, #tpu.memory_space<hbm>>) dst(%dma_wait3A_268 : memref<128xf32, #tpu.memory_space<vmem>>)
    %dma_wait3A_273 = arith.constant 384 : i32
    %dma_wait3A_274 = tpu.memref_slice %arg17[%dma_wait3A_273] : memref<512xf32, #tpu.memory_space<vmem>> -> memref<128xf32, #tpu.memory_space<vmem>>
    %dma_wait3A_275 = arith.constant 384 : i32
    %dma_wait3A_276 = tpu.memref_slice %arg14[%dma_wait3A_275] : memref<512xi32, #tpu.memory_space<vmem>> -> memref<128xi32, #tpu.memory_space<vmem>>
    %dma_wait3A_277 = arith.constant 0 : i32
    %dma_wait3A_278 = tpu.memref_slice %arg5[%dma_wait3A_277] : memref<102400xf32, #tpu.memory_space<hbm>> -> memref<102400xf32, #tpu.memory_space<hbm>>
    tpu.wait_indirect_dma semaphore(%arg27 : memref<!tpu.dma_semaphore, #tpu.memory_space<semaphore_mem>>) src(%dma_wait3A_278 : memref<102400xf32, #tpu.memory_space<hbm>>) dst(%dma_wait3A_274 : memref<128xf32, #tpu.memory_space<vmem>>)
    %dma_wait3A_279 = arith.constant 384 : i32
    %dma_wait3A_280 = tpu.memref_slice %arg18[%dma_wait3A_279] : memref<512xf32, #tpu.memory_space<vmem>> -> memref<128xf32, #tpu.memory_space<vmem>>
    %dma_wait3A_281 = arith.constant 384 : i32
    %dma_wait3A_282 = tpu.memref_slice %arg14[%dma_wait3A_281] : memref<512xi32, #tpu.memory_space<vmem>> -> memref<128xi32, #tpu.memory_space<vmem>>
    %dma_wait3A_283 = arith.constant 0 : i32
    %dma_wait3A_284 = tpu.memref_slice %arg6[%dma_wait3A_283] : memref<102400xf32, #tpu.memory_space<hbm>> -> memref<102400xf32, #tpu.memory_space<hbm>>
    tpu.wait_indirect_dma semaphore(%arg27 : memref<!tpu.dma_semaphore, #tpu.memory_space<semaphore_mem>>) src(%dma_wait3A_284 : memref<102400xf32, #tpu.memory_space<hbm>>) dst(%dma_wait3A_280 : memref<128xf32, #tpu.memory_space<vmem>>)
    %dma_wait3A_285 = arith.constant 384 : i32
    %dma_wait3A_286 = tpu.memref_slice %arg19[%dma_wait3A_285] : memref<512xf32, #tpu.memory_space<vmem>> -> memref<128xf32, #tpu.memory_space<vmem>>
    %dma_wait3A_287 = arith.constant 384 : i32
    %dma_wait3A_288 = tpu.memref_slice %arg15[%dma_wait3A_287] : memref<512xi32, #tpu.memory_space<vmem>> -> memref<128xi32, #tpu.memory_space<vmem>>
    %dma_wait3A_289 = arith.constant 0 : i32
    %dma_wait3A_290 = tpu.memref_slice %arg7[%dma_wait3A_289] : memref<102400xf32, #tpu.memory_space<hbm>> -> memref<102400xf32, #tpu.memory_space<hbm>>
    tpu.wait_indirect_dma semaphore(%arg27 : memref<!tpu.dma_semaphore, #tpu.memory_space<semaphore_mem>>) src(%dma_wait3A_290 : memref<102400xf32, #tpu.memory_space<hbm>>) dst(%dma_wait3A_286 : memref<128xf32, #tpu.memory_space<vmem>>)
    %dma_wait3A_291 = arith.constant 384 : i32
    %dma_wait3A_292 = tpu.memref_slice %arg20[%dma_wait3A_291] : memref<512xf32, #tpu.memory_space<vmem>> -> memref<128xf32, #tpu.memory_space<vmem>>
    %dma_wait3A_293 = arith.constant 384 : i32
    %dma_wait3A_294 = tpu.memref_slice %arg15[%dma_wait3A_293] : memref<512xi32, #tpu.memory_space<vmem>> -> memref<128xi32, #tpu.memory_space<vmem>>
    %dma_wait3A_295 = arith.constant 0 : i32
    %dma_wait3A_296 = tpu.memref_slice %arg8[%dma_wait3A_295] : memref<102400xf32, #tpu.memory_space<hbm>> -> memref<102400xf32, #tpu.memory_space<hbm>>
    tpu.wait_indirect_dma semaphore(%arg27 : memref<!tpu.dma_semaphore, #tpu.memory_space<semaphore_mem>>) src(%dma_wait3A_296 : memref<102400xf32, #tpu.memory_space<hbm>>) dst(%dma_wait3A_292 : memref<128xf32, #tpu.memory_space<vmem>>)
    %dma_wait3A_297 = arith.constant 384 : i32
    %dma_wait3A_298 = tpu.memref_slice %arg21[%dma_wait3A_297] : memref<512xf32, #tpu.memory_space<vmem>> -> memref<128xf32, #tpu.memory_space<vmem>>
    %dma_wait3A_299 = arith.constant 384 : i32
    %dma_wait3A_300 = tpu.memref_slice %arg16[%dma_wait3A_299] : memref<512xi32, #tpu.memory_space<vmem>> -> memref<128xi32, #tpu.memory_space<vmem>>
    %dma_wait3A_301 = arith.constant 0 : i32
    %dma_wait3A_302 = tpu.memref_slice %arg9[%dma_wait3A_301] : memref<10240xf32, #tpu.memory_space<hbm>> -> memref<10240xf32, #tpu.memory_space<hbm>>
    tpu.wait_indirect_dma semaphore(%arg27 : memref<!tpu.dma_semaphore, #tpu.memory_space<semaphore_mem>>) src(%dma_wait3A_302 : memref<10240xf32, #tpu.memory_space<hbm>>) dst(%dma_wait3A_298 : memref<128xf32, #tpu.memory_space<vmem>>)
    %dma_wait3A_303 = arith.constant 384 : i32
    %dma_wait3A_304 = tpu.memref_slice %arg22[%dma_wait3A_303] : memref<512xf32, #tpu.memory_space<vmem>> -> memref<128xf32, #tpu.memory_space<vmem>>
    %dma_wait3A_305 = arith.constant 384 : i32
    %dma_wait3A_306 = tpu.memref_slice %arg16[%dma_wait3A_305] : memref<512xi32, #tpu.memory_space<vmem>> -> memref<128xi32, #tpu.memory_space<vmem>>
    %dma_wait3A_307 = arith.constant 0 : i32
    %dma_wait3A_308 = tpu.memref_slice %arg10[%dma_wait3A_307] : memref<10240xf32, #tpu.memory_space<hbm>> -> memref<10240xf32, #tpu.memory_space<hbm>>
    tpu.wait_indirect_dma semaphore(%arg27 : memref<!tpu.dma_semaphore, #tpu.memory_space<semaphore_mem>>) src(%dma_wait3A_308 : memref<10240xf32, #tpu.memory_space<hbm>>) dst(%dma_wait3A_304 : memref<128xf32, #tpu.memory_space<vmem>>)
    %get3A = arith.constant 0 : index
    %get3A_309 = tpu.vector_load %arg17[%get3A] {strides = array<i32>} : memref<512xf32, #tpu.memory_space<vmem>>, vector<16xf32>,
    %get3A_310 = vector.shape_cast %get3A_309 : vector<16xf32> to vector<16xf32>
    %get3A_311 = arith.constant 0 : index
    %get3A_312 = tpu.vector_load %arg19[%get3A_311] {strides = array<i32>} : memref<512xf32, #tpu.memory_space<vmem>>, vector<16xf32>,
    %get3A_313 = vector.shape_cast %get3A_312 : vector<16xf32> to vector<16xf32>
    %add3A_314 = arith.addf %get3A_310, %get3A_313 : vector<16xf32>
    %get3A_315 = arith.constant 0 : index
    %get3A_316 = tpu.vector_load %arg21[%get3A_315] {strides = array<i32>} : memref<512xf32, #tpu.memory_space<vmem>>, vector<16xf32>,
    %get3A_317 = vector.shape_cast %get3A_316 : vector<16xf32> to vector<16xf32>
    %add3A_318 = arith.addf %add3A_314, %get3A_317 : vector<16xf32>
    %get3A_319 = arith.constant 0 : index
    %get3A_320 = tpu.vector_load %arg23[%get3A_319] {strides = array<i32>} : memref<512xf32, #tpu.memory_space<vmem>>, vector<16xf32>,
    %get3A_321 = vector.shape_cast %get3A_320 : vector<16xf32> to vector<16xf32>
    %add3A_322 = arith.addf %add3A_318, %get3A_321 : vector<16xf32>
    %swap3A = arith.constant 0 : index
    %swap3A_323 = tpu.vector_load %arg25[%swap3A] {strides = array<i32>} : memref<512xf32, #tpu.memory_space<vmem>>, vector<16xf32>,
    %swap3A_324 = vector.shape_cast %swap3A_323 : vector<16xf32> to vector<16xf32>
    %swap3A_325 = vector.shape_cast %add3A_322 : vector<16xf32> to vector<16xf32>
    tpu.vector_store %arg25[%swap3A], %swap3A_325 {strides = array<i32>} : memref<512xf32, #tpu.memory_space<vmem>>, vector<16xf32>,
    %get3A_326 = arith.constant 0 : index
    %get3A_327 = tpu.vector_load %arg18[%get3A_326] {strides = array<i32>} : memref<512xf32, #tpu.memory_space<vmem>>, vector<16xf32>,
    %get3A_328 = vector.shape_cast %get3A_327 : vector<16xf32> to vector<16xf32>
    %get3A_329 = arith.constant 0 : index
    %get3A_330 = tpu.vector_load %arg20[%get3A_329] {strides = array<i32>} : memref<512xf32, #tpu.memory_space<vmem>>, vector<16xf32>,
    %get3A_331 = vector.shape_cast %get3A_330 : vector<16xf32> to vector<16xf32>
    %add3A_332 = arith.addf %get3A_328, %get3A_331 : vector<16xf32>
    %get3A_333 = arith.constant 0 : index
    %get3A_334 = tpu.vector_load %arg22[%get3A_333] {strides = array<i32>} : memref<512xf32, #tpu.memory_space<vmem>>, vector<16xf32>,
    %get3A_335 = vector.shape_cast %get3A_334 : vector<16xf32> to vector<16xf32>
    %add3A_336 = arith.addf %add3A_332, %get3A_335 : vector<16xf32>
    %get3A_337 = arith.constant 0 : index
    %get3A_338 = tpu.vector_load %arg24[%get3A_337] {strides = array<i32>} : memref<512xf32, #tpu.memory_space<vmem>>, vector<16xf32>,
    %get3A_339 = vector.shape_cast %get3A_338 : vector<16xf32> to vector<16xf32>
    %add3A_340 = arith.addf %add3A_336, %get3A_339 : vector<16xf32>
    %swap3A_341 = arith.constant 0 : index
    %swap3A_342 = tpu.vector_load %arg26[%swap3A_341] {strides = array<i32>} : memref<512xf32, #tpu.memory_space<vmem>>, vector<16xf32>,
    %swap3A_343 = vector.shape_cast %swap3A_342 : vector<16xf32> to vector<16xf32>
    %swap3A_344 = vector.shape_cast %add3A_340 : vector<16xf32> to vector<16xf32>
    tpu.vector_store %arg26[%swap3A_341], %swap3A_344 {strides = array<i32>} : memref<512xf32, #tpu.memory_space<vmem>>, vector<16xf32>,
    %get3A_345 = arith.constant 16 : index
    %get3A_346 = tpu.vector_load %arg17[%get3A_345] {strides = array<i32>} : memref<512xf32, #tpu.memory_space<vmem>>, vector<16xf32>,
    %get3A_347 = vector.shape_cast %get3A_346 : vector<16xf32> to vector<16xf32>
    %get3A_348 = arith.constant 16 : index
    %get3A_349 = tpu.vector_load %arg19[%get3A_348] {strides = array<i32>} : memref<512xf32, #tpu.memory_space<vmem>>, vector<16xf32>,
    %get3A_350 = vector.shape_cast %get3A_349 : vector<16xf32> to vector<16xf32>
    %add3A_351 = arith.addf %get3A_347, %get3A_350 : vector<16xf32>
    %get3A_352 = arith.constant 16 : index
    %get3A_353 = tpu.vector_load %arg21[%get3A_352] {strides = array<i32>} : memref<512xf32, #tpu.memory_space<vmem>>, vector<16xf32>,
    %get3A_354 = vector.shape_cast %get3A_353 : vector<16xf32> to vector<16xf32>
    %add3A_355 = arith.addf %add3A_351, %get3A_354 : vector<16xf32>
    %get3A_356 = arith.constant 16 : index
    %get3A_357 = tpu.vector_load %arg23[%get3A_356] {strides = array<i32>} : memref<512xf32, #tpu.memory_space<vmem>>, vector<16xf32>,
    %get3A_358 = vector.shape_cast %get3A_357 : vector<16xf32> to vector<16xf32>
    %add3A_359 = arith.addf %add3A_355, %get3A_358 : vector<16xf32>
    %swap3A_360 = arith.constant 16 : index
    %swap3A_361 = tpu.vector_load %arg25[%swap3A_360] {strides = array<i32>} : memref<512xf32, #tpu.memory_space<vmem>>, vector<16xf32>,
    %swap3A_362 = vector.shape_cast %swap3A_361 : vector<16xf32> to vector<16xf32>
    %swap3A_363 = vector.shape_cast %add3A_359 : vector<16xf32> to vector<16xf32>
    tpu.vector_store %arg25[%swap3A_360], %swap3A_363 {strides = array<i32>} : memref<512xf32, #tpu.memory_space<vmem>>, vector<16xf32>,
    %get3A_364 = arith.constant 16 : index
    %get3A_365 = tpu.vector_load %arg18[%get3A_364] {strides = array<i32>} : memref<512xf32, #tpu.memory_space<vmem>>, vector<16xf32>,
    %get3A_366 = vector.shape_cast %get3A_365 : vector<16xf32> to vector<16xf32>
    %get3A_367 = arith.constant 16 : index
    %get3A_368 = tpu.vector_load %arg20[%get3A_367] {strides = array<i32>} : memref<512xf32, #tpu.memory_space<vmem>>, vector<16xf32>,
    %get3A_369 = vector.shape_cast %get3A_368 : vector<16xf32> to vector<16xf32>
    %add3A_370 = arith.addf %get3A_366, %get3A_369 : vector<16xf32>
    %get3A_371 = arith.constant 16 : index
    %get3A_372 = tpu.vector_load %arg22[%get3A_371] {strides = array<i32>} : memref<512xf32, #tpu.memory_space<vmem>>, vector<16xf32>,
    %get3A_373 = vector.shape_cast %get3A_372 : vector<16xf32> to vector<16xf32>
    %add3A_374 = arith.addf %add3A_370, %get3A_373 : vector<16xf32>
    %get3A_375 = arith.constant 16 : index
    %get3A_376 = tpu.vector_load %arg24[%get3A_375] {strides = array<i32>} : memref<512xf32, #tpu.memory_space<vmem>>, vector<16xf32>,
    %get3A_377 = vector.shape_cast %get3A_376 : vector<16xf32> to vector<16xf32>
    %add3A_378 = arith.addf %add3A_374, %get3A_377 : vector<16xf32>
    %swap3A_379 = arith.constant 16 : index
    %swap3A_380 = tpu.vector_load %arg26[%swap3A_379] {strides = array<i32>} : memref<512xf32, #tpu.memory_space<vmem>>, vector<16xf32>,
    %swap3A_381 = vector.shape_cast %swap3A_380 : vector<16xf32> to vector<16xf32>
    %swap3A_382 = vector.shape_cast %add3A_378 : vector<16xf32> to vector<16xf32>
    tpu.vector_store %arg26[%swap3A_379], %swap3A_382 {strides = array<i32>} : memref<512xf32, #tpu.memory_space<vmem>>, vector<16xf32>,
    %get3A_383 = arith.constant 32 : index
    %get3A_384 = tpu.vector_load %arg17[%get3A_383] {strides = array<i32>} : memref<512xf32, #tpu.memory_space<vmem>>, vector<16xf32>,
    %get3A_385 = vector.shape_cast %get3A_384 : vector<16xf32> to vector<16xf32>
    %get3A_386 = arith.constant 32 : index
    %get3A_387 = tpu.vector_load %arg19[%get3A_386] {strides = array<i32>} : memref<512xf32, #tpu.memory_space<vmem>>, vector<16xf32>,
    %get3A_388 = vector.shape_cast %get3A_387 : vector<16xf32> to vector<16xf32>
    %add3A_389 = arith.addf %get3A_385, %get3A_388 : vector<16xf32>
    %get3A_390 = arith.constant 32 : index
    %get3A_391 = tpu.vector_load %arg21[%get3A_390] {strides = array<i32>} : memref<512xf32, #tpu.memory_space<vmem>>, vector<16xf32>,
    %get3A_392 = vector.shape_cast %get3A_391 : vector<16xf32> to vector<16xf32>
    %add3A_393 = arith.addf %add3A_389, %get3A_392 : vector<16xf32>
    %get3A_394 = arith.constant 32 : index
    %get3A_395 = tpu.vector_load %arg23[%get3A_394] {strides = array<i32>} : memref<512xf32, #tpu.memory_space<vmem>>, vector<16xf32>,
    %get3A_396 = vector.shape_cast %get3A_395 : vector<16xf32> to vector<16xf32>
    %add3A_397 = arith.addf %add3A_393, %get3A_396 : vector<16xf32>
    %swap3A_398 = arith.constant 32 : index
    %swap3A_399 = tpu.vector_load %arg25[%swap3A_398] {strides = array<i32>} : memref<512xf32, #tpu.memory_space<vmem>>, vector<16xf32>,
    %swap3A_400 = vector.shape_cast %swap3A_399 : vector<16xf32> to vector<16xf32>
    %swap3A_401 = vector.shape_cast %add3A_397 : vector<16xf32> to vector<16xf32>
    tpu.vector_store %arg25[%swap3A_398], %swap3A_401 {strides = array<i32>} : memref<512xf32, #tpu.memory_space<vmem>>, vector<16xf32>,
    %get3A_402 = arith.constant 32 : index
    %get3A_403 = tpu.vector_load %arg18[%get3A_402] {strides = array<i32>} : memref<512xf32, #tpu.memory_space<vmem>>, vector<16xf32>,
    %get3A_404 = vector.shape_cast %get3A_403 : vector<16xf32> to vector<16xf32>
    %get3A_405 = arith.constant 32 : index
    %get3A_406 = tpu.vector_load %arg20[%get3A_405] {strides = array<i32>} : memref<512xf32, #tpu.memory_space<vmem>>, vector<16xf32>,
    %get3A_407 = vector.shape_cast %get3A_406 : vector<16xf32> to vector<16xf32>
    %add3A_408 = arith.addf %get3A_404, %get3A_407 : vector<16xf32>
    %get3A_409 = arith.constant 32 : index
    %get3A_410 = tpu.vector_load %arg22[%get3A_409] {strides = array<i32>} : memref<512xf32, #tpu.memory_space<vmem>>, vector<16xf32>,
    %get3A_411 = vector.shape_cast %get3A_410 : vector<16xf32> to vector<16xf32>
    %add3A_412 = arith.addf %add3A_408, %get3A_411 : vector<16xf32>
    %get3A_413 = arith.constant 32 : index
    %get3A_414 = tpu.vector_load %arg24[%get3A_413] {strides = array<i32>} : memref<512xf32, #tpu.memory_space<vmem>>, vector<16xf32>,
    %get3A_415 = vector.shape_cast %get3A_414 : vector<16xf32> to vector<16xf32>
    %add3A_416 = arith.addf %add3A_412, %get3A_415 : vector<16xf32>
    %swap3A_417 = arith.constant 32 : index
    %swap3A_418 = tpu.vector_load %arg26[%swap3A_417] {strides = array<i32>} : memref<512xf32, #tpu.memory_space<vmem>>, vector<16xf32>,
    %swap3A_419 = vector.shape_cast %swap3A_418 : vector<16xf32> to vector<16xf32>
    %swap3A_420 = vector.shape_cast %add3A_416 : vector<16xf32> to vector<16xf32>
    tpu.vector_store %arg26[%swap3A_417], %swap3A_420 {strides = array<i32>} : memref<512xf32, #tpu.memory_space<vmem>>, vector<16xf32>,
    %get3A_421 = arith.constant 48 : index
    %get3A_422 = tpu.vector_load %arg17[%get3A_421] {strides = array<i32>} : memref<512xf32, #tpu.memory_space<vmem>>, vector<16xf32>,
    %get3A_423 = vector.shape_cast %get3A_422 : vector<16xf32> to vector<16xf32>
    %get3A_424 = arith.constant 48 : index
    %get3A_425 = tpu.vector_load %arg19[%get3A_424] {strides = array<i32>} : memref<512xf32, #tpu.memory_space<vmem>>, vector<16xf32>,
    %get3A_426 = vector.shape_cast %get3A_425 : vector<16xf32> to vector<16xf32>
    %add3A_427 = arith.addf %get3A_423, %get3A_426 : vector<16xf32>
    %get3A_428 = arith.constant 48 : index
    %get3A_429 = tpu.vector_load %arg21[%get3A_428] {strides = array<i32>} : memref<512xf32, #tpu.memory_space<vmem>>, vector<16xf32>,
    %get3A_430 = vector.shape_cast %get3A_429 : vector<16xf32> to vector<16xf32>
    %add3A_431 = arith.addf %add3A_427, %get3A_430 : vector<16xf32>
    %get3A_432 = arith.constant 48 : index
    %get3A_433 = tpu.vector_load %arg23[%get3A_432] {strides = array<i32>} : memref<512xf32, #tpu.memory_space<vmem>>, vector<16xf32>,
    %get3A_434 = vector.shape_cast %get3A_433 : vector<16xf32> to vector<16xf32>
    %add3A_435 = arith.addf %add3A_431, %get3A_434 : vector<16xf32>
    %swap3A_436 = arith.constant 48 : index
    %swap3A_437 = tpu.vector_load %arg25[%swap3A_436] {strides = array<i32>} : memref<512xf32, #tpu.memory_space<vmem>>, vector<16xf32>,
    %swap3A_438 = vector.shape_cast %swap3A_437 : vector<16xf32> to vector<16xf32>
    %swap3A_439 = vector.shape_cast %add3A_435 : vector<16xf32> to vector<16xf32>
    tpu.vector_store %arg25[%swap3A_436], %swap3A_439 {strides = array<i32>} : memref<512xf32, #tpu.memory_space<vmem>>, vector<16xf32>,
    %get3A_440 = arith.constant 48 : index
    %get3A_441 = tpu.vector_load %arg18[%get3A_440] {strides = array<i32>} : memref<512xf32, #tpu.memory_space<vmem>>, vector<16xf32>,
    %get3A_442 = vector.shape_cast %get3A_441 : vector<16xf32> to vector<16xf32>
    %get3A_443 = arith.constant 48 : index
    %get3A_444 = tpu.vector_load %arg20[%get3A_443] {strides = array<i32>} : memref<512xf32, #tpu.memory_space<vmem>>, vector<16xf32>,
    %get3A_445 = vector.shape_cast %get3A_444 : vector<16xf32> to vector<16xf32>
    %add3A_446 = arith.addf %get3A_442, %get3A_445 : vector<16xf32>
    %get3A_447 = arith.constant 48 : index
    %get3A_448 = tpu.vector_load %arg22[%get3A_447] {strides = array<i32>} : memref<512xf32, #tpu.memory_space<vmem>>, vector<16xf32>,
    %get3A_449 = vector.shape_cast %get3A_448 : vector<16xf32> to vector<16xf32>
    %add3A_450 = arith.addf %add3A_446, %get3A_449 : vector<16xf32>
    %get3A_451 = arith.constant 48 : index
    %get3A_452 = tpu.vector_load %arg24[%get3A_451] {strides = array<i32>} : memref<512xf32, #tpu.memory_space<vmem>>, vector<16xf32>,
    %get3A_453 = vector.shape_cast %get3A_452 : vector<16xf32> to vector<16xf32>
    %add3A_454 = arith.addf %add3A_450, %get3A_453 : vector<16xf32>
    %swap3A_455 = arith.constant 48 : index
    %swap3A_456 = tpu.vector_load %arg26[%swap3A_455] {strides = array<i32>} : memref<512xf32, #tpu.memory_space<vmem>>, vector<16xf32>,
    %swap3A_457 = vector.shape_cast %swap3A_456 : vector<16xf32> to vector<16xf32>
    %swap3A_458 = vector.shape_cast %add3A_454 : vector<16xf32> to vector<16xf32>
    tpu.vector_store %arg26[%swap3A_455], %swap3A_458 {strides = array<i32>} : memref<512xf32, #tpu.memory_space<vmem>>, vector<16xf32>,
    %get3A_459 = arith.constant 64 : index
    %get3A_460 = tpu.vector_load %arg17[%get3A_459] {strides = array<i32>} : memref<512xf32, #tpu.memory_space<vmem>>, vector<16xf32>,
    %get3A_461 = vector.shape_cast %get3A_460 : vector<16xf32> to vector<16xf32>
    %get3A_462 = arith.constant 64 : index
    %get3A_463 = tpu.vector_load %arg19[%get3A_462] {strides = array<i32>} : memref<512xf32, #tpu.memory_space<vmem>>, vector<16xf32>,
    %get3A_464 = vector.shape_cast %get3A_463 : vector<16xf32> to vector<16xf32>
    %add3A_465 = arith.addf %get3A_461, %get3A_464 : vector<16xf32>
    %get3A_466 = arith.constant 64 : index
    %get3A_467 = tpu.vector_load %arg21[%get3A_466] {strides = array<i32>} : memref<512xf32, #tpu.memory_space<vmem>>, vector<16xf32>,
    %get3A_468 = vector.shape_cast %get3A_467 : vector<16xf32> to vector<16xf32>
    %add3A_469 = arith.addf %add3A_465, %get3A_468 : vector<16xf32>
    %get3A_470 = arith.constant 64 : index
    %get3A_471 = tpu.vector_load %arg23[%get3A_470] {strides = array<i32>} : memref<512xf32, #tpu.memory_space<vmem>>, vector<16xf32>,
    %get3A_472 = vector.shape_cast %get3A_471 : vector<16xf32> to vector<16xf32>
    %add3A_473 = arith.addf %add3A_469, %get3A_472 : vector<16xf32>
    %swap3A_474 = arith.constant 64 : index
    %swap3A_475 = tpu.vector_load %arg25[%swap3A_474] {strides = array<i32>} : memref<512xf32, #tpu.memory_space<vmem>>, vector<16xf32>,
    %swap3A_476 = vector.shape_cast %swap3A_475 : vector<16xf32> to vector<16xf32>
    %swap3A_477 = vector.shape_cast %add3A_473 : vector<16xf32> to vector<16xf32>
    tpu.vector_store %arg25[%swap3A_474], %swap3A_477 {strides = array<i32>} : memref<512xf32, #tpu.memory_space<vmem>>, vector<16xf32>,
    %get3A_478 = arith.constant 64 : index
    %get3A_479 = tpu.vector_load %arg18[%get3A_478] {strides = array<i32>} : memref<512xf32, #tpu.memory_space<vmem>>, vector<16xf32>,
    %get3A_480 = vector.shape_cast %get3A_479 : vector<16xf32> to vector<16xf32>
    %get3A_481 = arith.constant 64 : index
    %get3A_482 = tpu.vector_load %arg20[%get3A_481] {strides = array<i32>} : memref<512xf32, #tpu.memory_space<vmem>>, vector<16xf32>,
    %get3A_483 = vector.shape_cast %get3A_482 : vector<16xf32> to vector<16xf32>
    %add3A_484 = arith.addf %get3A_480, %get3A_483 : vector<16xf32>
    %get3A_485 = arith.constant 64 : index
    %get3A_486 = tpu.vector_load %arg22[%get3A_485] {strides = array<i32>} : memref<512xf32, #tpu.memory_space<vmem>>, vector<16xf32>,
    %get3A_487 = vector.shape_cast %get3A_486 : vector<16xf32> to vector<16xf32>
    %add3A_488 = arith.addf %add3A_484, %get3A_487 : vector<16xf32>
    %get3A_489 = arith.constant 64 : index
    %get3A_490 = tpu.vector_load %arg24[%get3A_489] {strides = array<i32>} : memref<512xf32, #tpu.memory_space<vmem>>, vector<16xf32>,
    %get3A_491 = vector.shape_cast %get3A_490 : vector<16xf32> to vector<16xf32>
    %add3A_492 = arith.addf %add3A_488, %get3A_491 : vector<16xf32>
    %swap3A_493 = arith.constant 64 : index
    %swap3A_494 = tpu.vector_load %arg26[%swap3A_493] {strides = array<i32>} : memref<512xf32, #tpu.memory_space<vmem>>, vector<16xf32>,
    %swap3A_495 = vector.shape_cast %swap3A_494 : vector<16xf32> to vector<16xf32>
    %swap3A_496 = vector.shape_cast %add3A_492 : vector<16xf32> to vector<16xf32>
    tpu.vector_store %arg26[%swap3A_493], %swap3A_496 {strides = array<i32>} : memref<512xf32, #tpu.memory_space<vmem>>, vector<16xf32>,
    %get3A_497 = arith.constant 80 : index
    %get3A_498 = tpu.vector_load %arg17[%get3A_497] {strides = array<i32>} : memref<512xf32, #tpu.memory_space<vmem>>, vector<16xf32>,
    %get3A_499 = vector.shape_cast %get3A_498 : vector<16xf32> to vector<16xf32>
    %get3A_500 = arith.constant 80 : index
    %get3A_501 = tpu.vector_load %arg19[%get3A_500] {strides = array<i32>} : memref<512xf32, #tpu.memory_space<vmem>>, vector<16xf32>,
    %get3A_502 = vector.shape_cast %get3A_501 : vector<16xf32> to vector<16xf32>
    %add3A_503 = arith.addf %get3A_499, %get3A_502 : vector<16xf32>
    %get3A_504 = arith.constant 80 : index
    %get3A_505 = tpu.vector_load %arg21[%get3A_504] {strides = array<i32>} : memref<512xf32, #tpu.memory_space<vmem>>, vector<16xf32>,
    %get3A_506 = vector.shape_cast %get3A_505 : vector<16xf32> to vector<16xf32>
    %add3A_507 = arith.addf %add3A_503, %get3A_506 : vector<16xf32>
    %get3A_508 = arith.constant 80 : index
    %get3A_509 = tpu.vector_load %arg23[%get3A_508] {strides = array<i32>} : memref<512xf32, #tpu.memory_space<vmem>>, vector<16xf32>,
    %get3A_510 = vector.shape_cast %get3A_509 : vector<16xf32> to vector<16xf32>
    %add3A_511 = arith.addf %add3A_507, %get3A_510 : vector<16xf32>
    %swap3A_512 = arith.constant 80 : index
    %swap3A_513 = tpu.vector_load %arg25[%swap3A_512] {strides = array<i32>} : memref<512xf32, #tpu.memory_space<vmem>>, vector<16xf32>,
    %swap3A_514 = vector.shape_cast %swap3A_513 : vector<16xf32> to vector<16xf32>
    %swap3A_515 = vector.shape_cast %add3A_511 : vector<16xf32> to vector<16xf32>
    tpu.vector_store %arg25[%swap3A_512], %swap3A_515 {strides = array<i32>} : memref<512xf32, #tpu.memory_space<vmem>>, vector<16xf32>,
    %get3A_516 = arith.constant 80 : index
    %get3A_517 = tpu.vector_load %arg18[%get3A_516] {strides = array<i32>} : memref<512xf32, #tpu.memory_space<vmem>>, vector<16xf32>,
    %get3A_518 = vector.shape_cast %get3A_517 : vector<16xf32> to vector<16xf32>
    %get3A_519 = arith.constant 80 : index
    %get3A_520 = tpu.vector_load %arg20[%get3A_519] {strides = array<i32>} : memref<512xf32, #tpu.memory_space<vmem>>, vector<16xf32>,
    %get3A_521 = vector.shape_cast %get3A_520 : vector<16xf32> to vector<16xf32>
    %add3A_522 = arith.addf %get3A_518, %get3A_521 : vector<16xf32>
    %get3A_523 = arith.constant 80 : index
    %get3A_524 = tpu.vector_load %arg22[%get3A_523] {strides = array<i32>} : memref<512xf32, #tpu.memory_space<vmem>>, vector<16xf32>,
    %get3A_525 = vector.shape_cast %get3A_524 : vector<16xf32> to vector<16xf32>
    %add3A_526 = arith.addf %add3A_522, %get3A_525 : vector<16xf32>
    %get3A_527 = arith.constant 80 : index
    %get3A_528 = tpu.vector_load %arg24[%get3A_527] {strides = array<i32>} : memref<512xf32, #tpu.memory_space<vmem>>, vector<16xf32>,
    %get3A_529 = vector.shape_cast %get3A_528 : vector<16xf32> to vector<16xf32>
    %add3A_530 = arith.addf %add3A_526, %get3A_529 : vector<16xf32>
    %swap3A_531 = arith.constant 80 : index
    %swap3A_532 = tpu.vector_load %arg26[%swap3A_531] {strides = array<i32>} : memref<512xf32, #tpu.memory_space<vmem>>, vector<16xf32>,
    %swap3A_533 = vector.shape_cast %swap3A_532 : vector<16xf32> to vector<16xf32>
    %swap3A_534 = vector.shape_cast %add3A_530 : vector<16xf32> to vector<16xf32>
    tpu.vector_store %arg26[%swap3A_531], %swap3A_534 {strides = array<i32>} : memref<512xf32, #tpu.memory_space<vmem>>, vector<16xf32>,
    %get3A_535 = arith.constant 96 : index
    %get3A_536 = tpu.vector_load %arg17[%get3A_535] {strides = array<i32>} : memref<512xf32, #tpu.memory_space<vmem>>, vector<16xf32>,
    %get3A_537 = vector.shape_cast %get3A_536 : vector<16xf32> to vector<16xf32>
    %get3A_538 = arith.constant 96 : index
    %get3A_539 = tpu.vector_load %arg19[%get3A_538] {strides = array<i32>} : memref<512xf32, #tpu.memory_space<vmem>>, vector<16xf32>,
    %get3A_540 = vector.shape_cast %get3A_539 : vector<16xf32> to vector<16xf32>
    %add3A_541 = arith.addf %get3A_537, %get3A_540 : vector<16xf32>
    %get3A_542 = arith.constant 96 : index
    %get3A_543 = tpu.vector_load %arg21[%get3A_542] {strides = array<i32>} : memref<512xf32, #tpu.memory_space<vmem>>, vector<16xf32>,
    %get3A_544 = vector.shape_cast %get3A_543 : vector<16xf32> to vector<16xf32>
    %add3A_545 = arith.addf %add3A_541, %get3A_544 : vector<16xf32>
    %get3A_546 = arith.constant 96 : index
    %get3A_547 = tpu.vector_load %arg23[%get3A_546] {strides = array<i32>} : memref<512xf32, #tpu.memory_space<vmem>>, vector<16xf32>,
    %get3A_548 = vector.shape_cast %get3A_547 : vector<16xf32> to vector<16xf32>
    %add3A_549 = arith.addf %add3A_545, %get3A_548 : vector<16xf32>
    %swap3A_550 = arith.constant 96 : index
    %swap3A_551 = tpu.vector_load %arg25[%swap3A_550] {strides = array<i32>} : memref<512xf32, #tpu.memory_space<vmem>>, vector<16xf32>,
    %swap3A_552 = vector.shape_cast %swap3A_551 : vector<16xf32> to vector<16xf32>
    %swap3A_553 = vector.shape_cast %add3A_549 : vector<16xf32> to vector<16xf32>
    tpu.vector_store %arg25[%swap3A_550], %swap3A_553 {strides = array<i32>} : memref<512xf32, #tpu.memory_space<vmem>>, vector<16xf32>,
    %get3A_554 = arith.constant 96 : index
    %get3A_555 = tpu.vector_load %arg18[%get3A_554] {strides = array<i32>} : memref<512xf32, #tpu.memory_space<vmem>>, vector<16xf32>,
    %get3A_556 = vector.shape_cast %get3A_555 : vector<16xf32> to vector<16xf32>
    %get3A_557 = arith.constant 96 : index
    %get3A_558 = tpu.vector_load %arg20[%get3A_557] {strides = array<i32>} : memref<512xf32, #tpu.memory_space<vmem>>, vector<16xf32>,
    %get3A_559 = vector.shape_cast %get3A_558 : vector<16xf32> to vector<16xf32>
    %add3A_560 = arith.addf %get3A_556, %get3A_559 : vector<16xf32>
    %get3A_561 = arith.constant 96 : index
    %get3A_562 = tpu.vector_load %arg22[%get3A_561] {strides = array<i32>} : memref<512xf32, #tpu.memory_space<vmem>>, vector<16xf32>,
    %get3A_563 = vector.shape_cast %get3A_562 : vector<16xf32> to vector<16xf32>
    %add3A_564 = arith.addf %add3A_560, %get3A_563 : vector<16xf32>
    %get3A_565 = arith.constant 96 : index
    %get3A_566 = tpu.vector_load %arg24[%get3A_565] {strides = array<i32>} : memref<512xf32, #tpu.memory_space<vmem>>, vector<16xf32>,
    %get3A_567 = vector.shape_cast %get3A_566 : vector<16xf32> to vector<16xf32>
    %add3A_568 = arith.addf %add3A_564, %get3A_567 : vector<16xf32>
    %swap3A_569 = arith.constant 96 : index
    %swap3A_570 = tpu.vector_load %arg26[%swap3A_569] {strides = array<i32>} : memref<512xf32, #tpu.memory_space<vmem>>, vector<16xf32>,
    %swap3A_571 = vector.shape_cast %swap3A_570 : vector<16xf32> to vector<16xf32>
    %swap3A_572 = vector.shape_cast %add3A_568 : vector<16xf32> to vector<16xf32>
    tpu.vector_store %arg26[%swap3A_569], %swap3A_572 {strides = array<i32>} : memref<512xf32, #tpu.memory_space<vmem>>, vector<16xf32>,
    %get3A_573 = arith.constant 112 : index
    %get3A_574 = tpu.vector_load %arg17[%get3A_573] {strides = array<i32>} : memref<512xf32, #tpu.memory_space<vmem>>, vector<16xf32>,
    %get3A_575 = vector.shape_cast %get3A_574 : vector<16xf32> to vector<16xf32>
    %get3A_576 = arith.constant 112 : index
    %get3A_577 = tpu.vector_load %arg19[%get3A_576] {strides = array<i32>} : memref<512xf32, #tpu.memory_space<vmem>>, vector<16xf32>,
    %get3A_578 = vector.shape_cast %get3A_577 : vector<16xf32> to vector<16xf32>
    %add3A_579 = arith.addf %get3A_575, %get3A_578 : vector<16xf32>
    %get3A_580 = arith.constant 112 : index
    %get3A_581 = tpu.vector_load %arg21[%get3A_580] {strides = array<i32>} : memref<512xf32, #tpu.memory_space<vmem>>, vector<16xf32>,
    %get3A_582 = vector.shape_cast %get3A_581 : vector<16xf32> to vector<16xf32>
    %add3A_583 = arith.addf %add3A_579, %get3A_582 : vector<16xf32>
    %get3A_584 = arith.constant 112 : index
    %get3A_585 = tpu.vector_load %arg23[%get3A_584] {strides = array<i32>} : memref<512xf32, #tpu.memory_space<vmem>>, vector<16xf32>,
    %get3A_586 = vector.shape_cast %get3A_585 : vector<16xf32> to vector<16xf32>
    %add3A_587 = arith.addf %add3A_583, %get3A_586 : vector<16xf32>
    %swap3A_588 = arith.constant 112 : index
    %swap3A_589 = tpu.vector_load %arg25[%swap3A_588] {strides = array<i32>} : memref<512xf32, #tpu.memory_space<vmem>>, vector<16xf32>,
    %swap3A_590 = vector.shape_cast %swap3A_589 : vector<16xf32> to vector<16xf32>
    %swap3A_591 = vector.shape_cast %add3A_587 : vector<16xf32> to vector<16xf32>
    tpu.vector_store %arg25[%swap3A_588], %swap3A_591 {strides = array<i32>} : memref<512xf32, #tpu.memory_space<vmem>>, vector<16xf32>,
    %get3A_592 = arith.constant 112 : index
    %get3A_593 = tpu.vector_load %arg18[%get3A_592] {strides = array<i32>} : memref<512xf32, #tpu.memory_space<vmem>>, vector<16xf32>,
    %get3A_594 = vector.shape_cast %get3A_593 : vector<16xf32> to vector<16xf32>
    %get3A_595 = arith.constant 112 : index
    %get3A_596 = tpu.vector_load %arg20[%get3A_595] {strides = array<i32>} : memref<512xf32, #tpu.memory_space<vmem>>, vector<16xf32>,
    %get3A_597 = vector.shape_cast %get3A_596 : vector<16xf32> to vector<16xf32>
    %add3A_598 = arith.addf %get3A_594, %get3A_597 : vector<16xf32>
    %get3A_599 = arith.constant 112 : index
    %get3A_600 = tpu.vector_load %arg22[%get3A_599] {strides = array<i32>} : memref<512xf32, #tpu.memory_space<vmem>>, vector<16xf32>,
    %get3A_601 = vector.shape_cast %get3A_600 : vector<16xf32> to vector<16xf32>
    %add3A_602 = arith.addf %add3A_598, %get3A_601 : vector<16xf32>
    %get3A_603 = arith.constant 112 : index
    %get3A_604 = tpu.vector_load %arg24[%get3A_603] {strides = array<i32>} : memref<512xf32, #tpu.memory_space<vmem>>, vector<16xf32>,
    %get3A_605 = vector.shape_cast %get3A_604 : vector<16xf32> to vector<16xf32>
    %add3A_606 = arith.addf %add3A_602, %get3A_605 : vector<16xf32>
    %swap3A_607 = arith.constant 112 : index
    %swap3A_608 = tpu.vector_load %arg26[%swap3A_607] {strides = array<i32>} : memref<512xf32, #tpu.memory_space<vmem>>, vector<16xf32>,
    %swap3A_609 = vector.shape_cast %swap3A_608 : vector<16xf32> to vector<16xf32>
    %swap3A_610 = vector.shape_cast %add3A_606 : vector<16xf32> to vector<16xf32>
    tpu.vector_store %arg26[%swap3A_607], %swap3A_610 {strides = array<i32>} : memref<512xf32, #tpu.memory_space<vmem>>, vector<16xf32>,
    %get3A_611 = arith.constant 128 : index
    %get3A_612 = tpu.vector_load %arg17[%get3A_611] {strides = array<i32>} : memref<512xf32, #tpu.memory_space<vmem>>, vector<16xf32>,
    %get3A_613 = vector.shape_cast %get3A_612 : vector<16xf32> to vector<16xf32>
    %get3A_614 = arith.constant 128 : index
    %get3A_615 = tpu.vector_load %arg19[%get3A_614] {strides = array<i32>} : memref<512xf32, #tpu.memory_space<vmem>>, vector<16xf32>,
    %get3A_616 = vector.shape_cast %get3A_615 : vector<16xf32> to vector<16xf32>
    %add3A_617 = arith.addf %get3A_613, %get3A_616 : vector<16xf32>
    %get3A_618 = arith.constant 128 : index
    %get3A_619 = tpu.vector_load %arg21[%get3A_618] {strides = array<i32>} : memref<512xf32, #tpu.memory_space<vmem>>, vector<16xf32>,
    %get3A_620 = vector.shape_cast %get3A_619 : vector<16xf32> to vector<16xf32>
    %add3A_621 = arith.addf %add3A_617, %get3A_620 : vector<16xf32>
    %get3A_622 = arith.constant 128 : index
    %get3A_623 = tpu.vector_load %arg23[%get3A_622] {strides = array<i32>} : memref<512xf32, #tpu.memory_space<vmem>>, vector<16xf32>,
    %get3A_624 = vector.shape_cast %get3A_623 : vector<16xf32> to vector<16xf32>
    %add3A_625 = arith.addf %add3A_621, %get3A_624 : vector<16xf32>
    %swap3A_626 = arith.constant 128 : index
    %swap3A_627 = tpu.vector_load %arg25[%swap3A_626] {strides = array<i32>} : memref<512xf32, #tpu.memory_space<vmem>>, vector<16xf32>,
    %swap3A_628 = vector.shape_cast %swap3A_627 : vector<16xf32> to vector<16xf32>
    %swap3A_629 = vector.shape_cast %add3A_625 : vector<16xf32> to vector<16xf32>
    tpu.vector_store %arg25[%swap3A_626], %swap3A_629 {strides = array<i32>} : memref<512xf32, #tpu.memory_space<vmem>>, vector<16xf32>,
    %get3A_630 = arith.constant 128 : index
    %get3A_631 = tpu.vector_load %arg18[%get3A_630] {strides = array<i32>} : memref<512xf32, #tpu.memory_space<vmem>>, vector<16xf32>,
    %get3A_632 = vector.shape_cast %get3A_631 : vector<16xf32> to vector<16xf32>
    %get3A_633 = arith.constant 128 : index
    %get3A_634 = tpu.vector_load %arg20[%get3A_633] {strides = array<i32>} : memref<512xf32, #tpu.memory_space<vmem>>, vector<16xf32>,
    %get3A_635 = vector.shape_cast %get3A_634 : vector<16xf32> to vector<16xf32>
    %add3A_636 = arith.addf %get3A_632, %get3A_635 : vector<16xf32>
    %get3A_637 = arith.constant 128 : index
    %get3A_638 = tpu.vector_load %arg22[%get3A_637] {strides = array<i32>} : memref<512xf32, #tpu.memory_space<vmem>>, vector<16xf32>,
    %get3A_639 = vector.shape_cast %get3A_638 : vector<16xf32> to vector<16xf32>
    %add3A_640 = arith.addf %add3A_636, %get3A_639 : vector<16xf32>
    %get3A_641 = arith.constant 128 : index
    %get3A_642 = tpu.vector_load %arg24[%get3A_641] {strides = array<i32>} : memref<512xf32, #tpu.memory_space<vmem>>, vector<16xf32>,
    %get3A_643 = vector.shape_cast %get3A_642 : vector<16xf32> to vector<16xf32>
    %add3A_644 = arith.addf %add3A_640, %get3A_643 : vector<16xf32>
    %swap3A_645 = arith.constant 128 : index
    %swap3A_646 = tpu.vector_load %arg26[%swap3A_645] {strides = array<i32>} : memref<512xf32, #tpu.memory_space<vmem>>, vector<16xf32>,
    %swap3A_647 = vector.shape_cast %swap3A_646 : vector<16xf32> to vector<16xf32>
    %swap3A_648 = vector.shape_cast %add3A_644 : vector<16xf32> to vector<16xf32>
    tpu.vector_store %arg26[%swap3A_645], %swap3A_648 {strides = array<i32>} : memref<512xf32, #tpu.memory_space<vmem>>, vector<16xf32>,
    %get3A_649 = arith.constant 144 : index
    %get3A_650 = tpu.vector_load %arg17[%get3A_649] {strides = array<i32>} : memref<512xf32, #tpu.memory_space<vmem>>, vector<16xf32>,
    %get3A_651 = vector.shape_cast %get3A_650 : vector<16xf32> to vector<16xf32>
    %get3A_652 = arith.constant 144 : index
    %get3A_653 = tpu.vector_load %arg19[%get3A_652] {strides = array<i32>} : memref<512xf32, #tpu.memory_space<vmem>>, vector<16xf32>,
    %get3A_654 = vector.shape_cast %get3A_653 : vector<16xf32> to vector<16xf32>
    %add3A_655 = arith.addf %get3A_651, %get3A_654 : vector<16xf32>
    %get3A_656 = arith.constant 144 : index
    %get3A_657 = tpu.vector_load %arg21[%get3A_656] {strides = array<i32>} : memref<512xf32, #tpu.memory_space<vmem>>, vector<16xf32>,
    %get3A_658 = vector.shape_cast %get3A_657 : vector<16xf32> to vector<16xf32>
    %add3A_659 = arith.addf %add3A_655, %get3A_658 : vector<16xf32>
    %get3A_660 = arith.constant 144 : index
    %get3A_661 = tpu.vector_load %arg23[%get3A_660] {strides = array<i32>} : memref<512xf32, #tpu.memory_space<vmem>>, vector<16xf32>,
    %get3A_662 = vector.shape_cast %get3A_661 : vector<16xf32> to vector<16xf32>
    %add3A_663 = arith.addf %add3A_659, %get3A_662 : vector<16xf32>
    %swap3A_664 = arith.constant 144 : index
    %swap3A_665 = tpu.vector_load %arg25[%swap3A_664] {strides = array<i32>} : memref<512xf32, #tpu.memory_space<vmem>>, vector<16xf32>,
    %swap3A_666 = vector.shape_cast %swap3A_665 : vector<16xf32> to vector<16xf32>
    %swap3A_667 = vector.shape_cast %add3A_663 : vector<16xf32> to vector<16xf32>
    tpu.vector_store %arg25[%swap3A_664], %swap3A_667 {strides = array<i32>} : memref<512xf32, #tpu.memory_space<vmem>>, vector<16xf32>,
    %get3A_668 = arith.constant 144 : index
    %get3A_669 = tpu.vector_load %arg18[%get3A_668] {strides = array<i32>} : memref<512xf32, #tpu.memory_space<vmem>>, vector<16xf32>,
    %get3A_670 = vector.shape_cast %get3A_669 : vector<16xf32> to vector<16xf32>
    %get3A_671 = arith.constant 144 : index
    %get3A_672 = tpu.vector_load %arg20[%get3A_671] {strides = array<i32>} : memref<512xf32, #tpu.memory_space<vmem>>, vector<16xf32>,
    %get3A_673 = vector.shape_cast %get3A_672 : vector<16xf32> to vector<16xf32>
    %add3A_674 = arith.addf %get3A_670, %get3A_673 : vector<16xf32>
    %get3A_675 = arith.constant 144 : index
    %get3A_676 = tpu.vector_load %arg22[%get3A_675] {strides = array<i32>} : memref<512xf32, #tpu.memory_space<vmem>>, vector<16xf32>,
    %get3A_677 = vector.shape_cast %get3A_676 : vector<16xf32> to vector<16xf32>
    %add3A_678 = arith.addf %add3A_674, %get3A_677 : vector<16xf32>
    %get3A_679 = arith.constant 144 : index
    %get3A_680 = tpu.vector_load %arg24[%get3A_679] {strides = array<i32>} : memref<512xf32, #tpu.memory_space<vmem>>, vector<16xf32>,
    %get3A_681 = vector.shape_cast %get3A_680 : vector<16xf32> to vector<16xf32>
    %add3A_682 = arith.addf %add3A_678, %get3A_681 : vector<16xf32>
    %swap3A_683 = arith.constant 144 : index
    %swap3A_684 = tpu.vector_load %arg26[%swap3A_683] {strides = array<i32>} : memref<512xf32, #tpu.memory_space<vmem>>, vector<16xf32>,
    %swap3A_685 = vector.shape_cast %swap3A_684 : vector<16xf32> to vector<16xf32>
    %swap3A_686 = vector.shape_cast %add3A_682 : vector<16xf32> to vector<16xf32>
    tpu.vector_store %arg26[%swap3A_683], %swap3A_686 {strides = array<i32>} : memref<512xf32, #tpu.memory_space<vmem>>, vector<16xf32>,
    %get3A_687 = arith.constant 160 : index
    %get3A_688 = tpu.vector_load %arg17[%get3A_687] {strides = array<i32>} : memref<512xf32, #tpu.memory_space<vmem>>, vector<16xf32>,
    %get3A_689 = vector.shape_cast %get3A_688 : vector<16xf32> to vector<16xf32>
    %get3A_690 = arith.constant 160 : index
    %get3A_691 = tpu.vector_load %arg19[%get3A_690] {strides = array<i32>} : memref<512xf32, #tpu.memory_space<vmem>>, vector<16xf32>,
    %get3A_692 = vector.shape_cast %get3A_691 : vector<16xf32> to vector<16xf32>
    %add3A_693 = arith.addf %get3A_689, %get3A_692 : vector<16xf32>
    %get3A_694 = arith.constant 160 : index
    %get3A_695 = tpu.vector_load %arg21[%get3A_694] {strides = array<i32>} : memref<512xf32, #tpu.memory_space<vmem>>, vector<16xf32>,
    %get3A_696 = vector.shape_cast %get3A_695 : vector<16xf32> to vector<16xf32>
    %add3A_697 = arith.addf %add3A_693, %get3A_696 : vector<16xf32>
    %get3A_698 = arith.constant 160 : index
    %get3A_699 = tpu.vector_load %arg23[%get3A_698] {strides = array<i32>} : memref<512xf32, #tpu.memory_space<vmem>>, vector<16xf32>,
    %get3A_700 = vector.shape_cast %get3A_699 : vector<16xf32> to vector<16xf32>
    %add3A_701 = arith.addf %add3A_697, %get3A_700 : vector<16xf32>
    %swap3A_702 = arith.constant 160 : index
    %swap3A_703 = tpu.vector_load %arg25[%swap3A_702] {strides = array<i32>} : memref<512xf32, #tpu.memory_space<vmem>>, vector<16xf32>,
    %swap3A_704 = vector.shape_cast %swap3A_703 : vector<16xf32> to vector<16xf32>
    %swap3A_705 = vector.shape_cast %add3A_701 : vector<16xf32> to vector<16xf32>
    tpu.vector_store %arg25[%swap3A_702], %swap3A_705 {strides = array<i32>} : memref<512xf32, #tpu.memory_space<vmem>>, vector<16xf32>,
    %get3A_706 = arith.constant 160 : index
    %get3A_707 = tpu.vector_load %arg18[%get3A_706] {strides = array<i32>} : memref<512xf32, #tpu.memory_space<vmem>>, vector<16xf32>,
    %get3A_708 = vector.shape_cast %get3A_707 : vector<16xf32> to vector<16xf32>
    %get3A_709 = arith.constant 160 : index
    %get3A_710 = tpu.vector_load %arg20[%get3A_709] {strides = array<i32>} : memref<512xf32, #tpu.memory_space<vmem>>, vector<16xf32>,
    %get3A_711 = vector.shape_cast %get3A_710 : vector<16xf32> to vector<16xf32>
    %add3A_712 = arith.addf %get3A_708, %get3A_711 : vector<16xf32>
    %get3A_713 = arith.constant 160 : index
    %get3A_714 = tpu.vector_load %arg22[%get3A_713] {strides = array<i32>} : memref<512xf32, #tpu.memory_space<vmem>>, vector<16xf32>,
    %get3A_715 = vector.shape_cast %get3A_714 : vector<16xf32> to vector<16xf32>
    %add3A_716 = arith.addf %add3A_712, %get3A_715 : vector<16xf32>
    %get3A_717 = arith.constant 160 : index
    %get3A_718 = tpu.vector_load %arg24[%get3A_717] {strides = array<i32>} : memref<512xf32, #tpu.memory_space<vmem>>, vector<16xf32>,
    %get3A_719 = vector.shape_cast %get3A_718 : vector<16xf32> to vector<16xf32>
    %add3A_720 = arith.addf %add3A_716, %get3A_719 : vector<16xf32>
    %swap3A_721 = arith.constant 160 : index
    %swap3A_722 = tpu.vector_load %arg26[%swap3A_721] {strides = array<i32>} : memref<512xf32, #tpu.memory_space<vmem>>, vector<16xf32>,
    %swap3A_723 = vector.shape_cast %swap3A_722 : vector<16xf32> to vector<16xf32>
    %swap3A_724 = vector.shape_cast %add3A_720 : vector<16xf32> to vector<16xf32>
    tpu.vector_store %arg26[%swap3A_721], %swap3A_724 {strides = array<i32>} : memref<512xf32, #tpu.memory_space<vmem>>, vector<16xf32>,
    %get3A_725 = arith.constant 176 : index
    %get3A_726 = tpu.vector_load %arg17[%get3A_725] {strides = array<i32>} : memref<512xf32, #tpu.memory_space<vmem>>, vector<16xf32>,
    %get3A_727 = vector.shape_cast %get3A_726 : vector<16xf32> to vector<16xf32>
    %get3A_728 = arith.constant 176 : index
    %get3A_729 = tpu.vector_load %arg19[%get3A_728] {strides = array<i32>} : memref<512xf32, #tpu.memory_space<vmem>>, vector<16xf32>,
    %get3A_730 = vector.shape_cast %get3A_729 : vector<16xf32> to vector<16xf32>
    %add3A_731 = arith.addf %get3A_727, %get3A_730 : vector<16xf32>
    %get3A_732 = arith.constant 176 : index
    %get3A_733 = tpu.vector_load %arg21[%get3A_732] {strides = array<i32>} : memref<512xf32, #tpu.memory_space<vmem>>, vector<16xf32>,
    %get3A_734 = vector.shape_cast %get3A_733 : vector<16xf32> to vector<16xf32>
    %add3A_735 = arith.addf %add3A_731, %get3A_734 : vector<16xf32>
    %get3A_736 = arith.constant 176 : index
    %get3A_737 = tpu.vector_load %arg23[%get3A_736] {strides = array<i32>} : memref<512xf32, #tpu.memory_space<vmem>>, vector<16xf32>,
    %get3A_738 = vector.shape_cast %get3A_737 : vector<16xf32> to vector<16xf32>
    %add3A_739 = arith.addf %add3A_735, %get3A_738 : vector<16xf32>
    %swap3A_740 = arith.constant 176 : index
    %swap3A_741 = tpu.vector_load %arg25[%swap3A_740] {strides = array<i32>} : memref<512xf32, #tpu.memory_space<vmem>>, vector<16xf32>,
    %swap3A_742 = vector.shape_cast %swap3A_741 : vector<16xf32> to vector<16xf32>
    %swap3A_743 = vector.shape_cast %add3A_739 : vector<16xf32> to vector<16xf32>
    tpu.vector_store %arg25[%swap3A_740], %swap3A_743 {strides = array<i32>} : memref<512xf32, #tpu.memory_space<vmem>>, vector<16xf32>,
    %get3A_744 = arith.constant 176 : index
    %get3A_745 = tpu.vector_load %arg18[%get3A_744] {strides = array<i32>} : memref<512xf32, #tpu.memory_space<vmem>>, vector<16xf32>,
    %get3A_746 = vector.shape_cast %get3A_745 : vector<16xf32> to vector<16xf32>
    %get3A_747 = arith.constant 176 : index
    %get3A_748 = tpu.vector_load %arg20[%get3A_747] {strides = array<i32>} : memref<512xf32, #tpu.memory_space<vmem>>, vector<16xf32>,
    %get3A_749 = vector.shape_cast %get3A_748 : vector<16xf32> to vector<16xf32>
    %add3A_750 = arith.addf %get3A_746, %get3A_749 : vector<16xf32>
    %get3A_751 = arith.constant 176 : index
    %get3A_752 = tpu.vector_load %arg22[%get3A_751] {strides = array<i32>} : memref<512xf32, #tpu.memory_space<vmem>>, vector<16xf32>,
    %get3A_753 = vector.shape_cast %get3A_752 : vector<16xf32> to vector<16xf32>
    %add3A_754 = arith.addf %add3A_750, %get3A_753 : vector<16xf32>
    %get3A_755 = arith.constant 176 : index
    %get3A_756 = tpu.vector_load %arg24[%get3A_755] {strides = array<i32>} : memref<512xf32, #tpu.memory_space<vmem>>, vector<16xf32>,
    %get3A_757 = vector.shape_cast %get3A_756 : vector<16xf32> to vector<16xf32>
    %add3A_758 = arith.addf %add3A_754, %get3A_757 : vector<16xf32>
    %swap3A_759 = arith.constant 176 : index
    %swap3A_760 = tpu.vector_load %arg26[%swap3A_759] {strides = array<i32>} : memref<512xf32, #tpu.memory_space<vmem>>, vector<16xf32>,
    %swap3A_761 = vector.shape_cast %swap3A_760 : vector<16xf32> to vector<16xf32>
    %swap3A_762 = vector.shape_cast %add3A_758 : vector<16xf32> to vector<16xf32>
    tpu.vector_store %arg26[%swap3A_759], %swap3A_762 {strides = array<i32>} : memref<512xf32, #tpu.memory_space<vmem>>, vector<16xf32>,
    %get3A_763 = arith.constant 192 : index
    %get3A_764 = tpu.vector_load %arg17[%get3A_763] {strides = array<i32>} : memref<512xf32, #tpu.memory_space<vmem>>, vector<16xf32>,
    %get3A_765 = vector.shape_cast %get3A_764 : vector<16xf32> to vector<16xf32>
    %get3A_766 = arith.constant 192 : index
    %get3A_767 = tpu.vector_load %arg19[%get3A_766] {strides = array<i32>} : memref<512xf32, #tpu.memory_space<vmem>>, vector<16xf32>,
    %get3A_768 = vector.shape_cast %get3A_767 : vector<16xf32> to vector<16xf32>
    %add3A_769 = arith.addf %get3A_765, %get3A_768 : vector<16xf32>
    %get3A_770 = arith.constant 192 : index
    %get3A_771 = tpu.vector_load %arg21[%get3A_770] {strides = array<i32>} : memref<512xf32, #tpu.memory_space<vmem>>, vector<16xf32>,
    %get3A_772 = vector.shape_cast %get3A_771 : vector<16xf32> to vector<16xf32>
    %add3A_773 = arith.addf %add3A_769, %get3A_772 : vector<16xf32>
    %get3A_774 = arith.constant 192 : index
    %get3A_775 = tpu.vector_load %arg23[%get3A_774] {strides = array<i32>} : memref<512xf32, #tpu.memory_space<vmem>>, vector<16xf32>,
    %get3A_776 = vector.shape_cast %get3A_775 : vector<16xf32> to vector<16xf32>
    %add3A_777 = arith.addf %add3A_773, %get3A_776 : vector<16xf32>
    %swap3A_778 = arith.constant 192 : index
    %swap3A_779 = tpu.vector_load %arg25[%swap3A_778] {strides = array<i32>} : memref<512xf32, #tpu.memory_space<vmem>>, vector<16xf32>,
    %swap3A_780 = vector.shape_cast %swap3A_779 : vector<16xf32> to vector<16xf32>
    %swap3A_781 = vector.shape_cast %add3A_777 : vector<16xf32> to vector<16xf32>
    tpu.vector_store %arg25[%swap3A_778], %swap3A_781 {strides = array<i32>} : memref<512xf32, #tpu.memory_space<vmem>>, vector<16xf32>,
    %get3A_782 = arith.constant 192 : index
    %get3A_783 = tpu.vector_load %arg18[%get3A_782] {strides = array<i32>} : memref<512xf32, #tpu.memory_space<vmem>>, vector<16xf32>,
    %get3A_784 = vector.shape_cast %get3A_783 : vector<16xf32> to vector<16xf32>
    %get3A_785 = arith.constant 192 : index
    %get3A_786 = tpu.vector_load %arg20[%get3A_785] {strides = array<i32>} : memref<512xf32, #tpu.memory_space<vmem>>, vector<16xf32>,
    %get3A_787 = vector.shape_cast %get3A_786 : vector<16xf32> to vector<16xf32>
    %add3A_788 = arith.addf %get3A_784, %get3A_787 : vector<16xf32>
    %get3A_789 = arith.constant 192 : index
    %get3A_790 = tpu.vector_load %arg22[%get3A_789] {strides = array<i32>} : memref<512xf32, #tpu.memory_space<vmem>>, vector<16xf32>,
    %get3A_791 = vector.shape_cast %get3A_790 : vector<16xf32> to vector<16xf32>
    %add3A_792 = arith.addf %add3A_788, %get3A_791 : vector<16xf32>
    %get3A_793 = arith.constant 192 : index
    %get3A_794 = tpu.vector_load %arg24[%get3A_793] {strides = array<i32>} : memref<512xf32, #tpu.memory_space<vmem>>, vector<16xf32>,
    %get3A_795 = vector.shape_cast %get3A_794 : vector<16xf32> to vector<16xf32>
    %add3A_796 = arith.addf %add3A_792, %get3A_795 : vector<16xf32>
    %swap3A_797 = arith.constant 192 : index
    %swap3A_798 = tpu.vector_load %arg26[%swap3A_797] {strides = array<i32>} : memref<512xf32, #tpu.memory_space<vmem>>, vector<16xf32>,
    %swap3A_799 = vector.shape_cast %swap3A_798 : vector<16xf32> to vector<16xf32>
    %swap3A_800 = vector.shape_cast %add3A_796 : vector<16xf32> to vector<16xf32>
    tpu.vector_store %arg26[%swap3A_797], %swap3A_800 {strides = array<i32>} : memref<512xf32, #tpu.memory_space<vmem>>, vector<16xf32>,
    %get3A_801 = arith.constant 208 : index
    %get3A_802 = tpu.vector_load %arg17[%get3A_801] {strides = array<i32>} : memref<512xf32, #tpu.memory_space<vmem>>, vector<16xf32>,
    %get3A_803 = vector.shape_cast %get3A_802 : vector<16xf32> to vector<16xf32>
    %get3A_804 = arith.constant 208 : index
    %get3A_805 = tpu.vector_load %arg19[%get3A_804] {strides = array<i32>} : memref<512xf32, #tpu.memory_space<vmem>>, vector<16xf32>,
    %get3A_806 = vector.shape_cast %get3A_805 : vector<16xf32> to vector<16xf32>
    %add3A_807 = arith.addf %get3A_803, %get3A_806 : vector<16xf32>
    %get3A_808 = arith.constant 208 : index
    %get3A_809 = tpu.vector_load %arg21[%get3A_808] {strides = array<i32>} : memref<512xf32, #tpu.memory_space<vmem>>, vector<16xf32>,
    %get3A_810 = vector.shape_cast %get3A_809 : vector<16xf32> to vector<16xf32>
    %add3A_811 = arith.addf %add3A_807, %get3A_810 : vector<16xf32>
    %get3A_812 = arith.constant 208 : index
    %get3A_813 = tpu.vector_load %arg23[%get3A_812] {strides = array<i32>} : memref<512xf32, #tpu.memory_space<vmem>>, vector<16xf32>,
    %get3A_814 = vector.shape_cast %get3A_813 : vector<16xf32> to vector<16xf32>
    %add3A_815 = arith.addf %add3A_811, %get3A_814 : vector<16xf32>
    %swap3A_816 = arith.constant 208 : index
    %swap3A_817 = tpu.vector_load %arg25[%swap3A_816] {strides = array<i32>} : memref<512xf32, #tpu.memory_space<vmem>>, vector<16xf32>,
    %swap3A_818 = vector.shape_cast %swap3A_817 : vector<16xf32> to vector<16xf32>
    %swap3A_819 = vector.shape_cast %add3A_815 : vector<16xf32> to vector<16xf32>
    tpu.vector_store %arg25[%swap3A_816], %swap3A_819 {strides = array<i32>} : memref<512xf32, #tpu.memory_space<vmem>>, vector<16xf32>,
    %get3A_820 = arith.constant 208 : index
    %get3A_821 = tpu.vector_load %arg18[%get3A_820] {strides = array<i32>} : memref<512xf32, #tpu.memory_space<vmem>>, vector<16xf32>,
    %get3A_822 = vector.shape_cast %get3A_821 : vector<16xf32> to vector<16xf32>
    %get3A_823 = arith.constant 208 : index
    %get3A_824 = tpu.vector_load %arg20[%get3A_823] {strides = array<i32>} : memref<512xf32, #tpu.memory_space<vmem>>, vector<16xf32>,
    %get3A_825 = vector.shape_cast %get3A_824 : vector<16xf32> to vector<16xf32>
    %add3A_826 = arith.addf %get3A_822, %get3A_825 : vector<16xf32>
    %get3A_827 = arith.constant 208 : index
    %get3A_828 = tpu.vector_load %arg22[%get3A_827] {strides = array<i32>} : memref<512xf32, #tpu.memory_space<vmem>>, vector<16xf32>,
    %get3A_829 = vector.shape_cast %get3A_828 : vector<16xf32> to vector<16xf32>
    %add3A_830 = arith.addf %add3A_826, %get3A_829 : vector<16xf32>
    %get3A_831 = arith.constant 208 : index
    %get3A_832 = tpu.vector_load %arg24[%get3A_831] {strides = array<i32>} : memref<512xf32, #tpu.memory_space<vmem>>, vector<16xf32>,
    %get3A_833 = vector.shape_cast %get3A_832 : vector<16xf32> to vector<16xf32>
    %add3A_834 = arith.addf %add3A_830, %get3A_833 : vector<16xf32>
    %swap3A_835 = arith.constant 208 : index
    %swap3A_836 = tpu.vector_load %arg26[%swap3A_835] {strides = array<i32>} : memref<512xf32, #tpu.memory_space<vmem>>, vector<16xf32>,
    %swap3A_837 = vector.shape_cast %swap3A_836 : vector<16xf32> to vector<16xf32>
    %swap3A_838 = vector.shape_cast %add3A_834 : vector<16xf32> to vector<16xf32>
    tpu.vector_store %arg26[%swap3A_835], %swap3A_838 {strides = array<i32>} : memref<512xf32, #tpu.memory_space<vmem>>, vector<16xf32>,
    %get3A_839 = arith.constant 224 : index
    %get3A_840 = tpu.vector_load %arg17[%get3A_839] {strides = array<i32>} : memref<512xf32, #tpu.memory_space<vmem>>, vector<16xf32>,
    %get3A_841 = vector.shape_cast %get3A_840 : vector<16xf32> to vector<16xf32>
    %get3A_842 = arith.constant 224 : index
    %get3A_843 = tpu.vector_load %arg19[%get3A_842] {strides = array<i32>} : memref<512xf32, #tpu.memory_space<vmem>>, vector<16xf32>,
    %get3A_844 = vector.shape_cast %get3A_843 : vector<16xf32> to vector<16xf32>
    %add3A_845 = arith.addf %get3A_841, %get3A_844 : vector<16xf32>
    %get3A_846 = arith.constant 224 : index
    %get3A_847 = tpu.vector_load %arg21[%get3A_846] {strides = array<i32>} : memref<512xf32, #tpu.memory_space<vmem>>, vector<16xf32>,
    %get3A_848 = vector.shape_cast %get3A_847 : vector<16xf32> to vector<16xf32>
    %add3A_849 = arith.addf %add3A_845, %get3A_848 : vector<16xf32>
    %get3A_850 = arith.constant 224 : index
    %get3A_851 = tpu.vector_load %arg23[%get3A_850] {strides = array<i32>} : memref<512xf32, #tpu.memory_space<vmem>>, vector<16xf32>,
    %get3A_852 = vector.shape_cast %get3A_851 : vector<16xf32> to vector<16xf32>
    %add3A_853 = arith.addf %add3A_849, %get3A_852 : vector<16xf32>
    %swap3A_854 = arith.constant 224 : index
    %swap3A_855 = tpu.vector_load %arg25[%swap3A_854] {strides = array<i32>} : memref<512xf32, #tpu.memory_space<vmem>>, vector<16xf32>,
    %swap3A_856 = vector.shape_cast %swap3A_855 : vector<16xf32> to vector<16xf32>
    %swap3A_857 = vector.shape_cast %add3A_853 : vector<16xf32> to vector<16xf32>
    tpu.vector_store %arg25[%swap3A_854], %swap3A_857 {strides = array<i32>} : memref<512xf32, #tpu.memory_space<vmem>>, vector<16xf32>,
    %get3A_858 = arith.constant 224 : index
    %get3A_859 = tpu.vector_load %arg18[%get3A_858] {strides = array<i32>} : memref<512xf32, #tpu.memory_space<vmem>>, vector<16xf32>,
    %get3A_860 = vector.shape_cast %get3A_859 : vector<16xf32> to vector<16xf32>
    %get3A_861 = arith.constant 224 : index
    %get3A_862 = tpu.vector_load %arg20[%get3A_861] {strides = array<i32>} : memref<512xf32, #tpu.memory_space<vmem>>, vector<16xf32>,
    %get3A_863 = vector.shape_cast %get3A_862 : vector<16xf32> to vector<16xf32>
    %add3A_864 = arith.addf %get3A_860, %get3A_863 : vector<16xf32>
    %get3A_865 = arith.constant 224 : index
    %get3A_866 = tpu.vector_load %arg22[%get3A_865] {strides = array<i32>} : memref<512xf32, #tpu.memory_space<vmem>>, vector<16xf32>,
    %get3A_867 = vector.shape_cast %get3A_866 : vector<16xf32> to vector<16xf32>
    %add3A_868 = arith.addf %add3A_864, %get3A_867 : vector<16xf32>
    %get3A_869 = arith.constant 224 : index
    %get3A_870 = tpu.vector_load %arg24[%get3A_869] {strides = array<i32>} : memref<512xf32, #tpu.memory_space<vmem>>, vector<16xf32>,
    %get3A_871 = vector.shape_cast %get3A_870 : vector<16xf32> to vector<16xf32>
    %add3A_872 = arith.addf %add3A_868, %get3A_871 : vector<16xf32>
    %swap3A_873 = arith.constant 224 : index
    %swap3A_874 = tpu.vector_load %arg26[%swap3A_873] {strides = array<i32>} : memref<512xf32, #tpu.memory_space<vmem>>, vector<16xf32>,
    %swap3A_875 = vector.shape_cast %swap3A_874 : vector<16xf32> to vector<16xf32>
    %swap3A_876 = vector.shape_cast %add3A_872 : vector<16xf32> to vector<16xf32>
    tpu.vector_store %arg26[%swap3A_873], %swap3A_876 {strides = array<i32>} : memref<512xf32, #tpu.memory_space<vmem>>, vector<16xf32>,
    %get3A_877 = arith.constant 240 : index
    %get3A_878 = tpu.vector_load %arg17[%get3A_877] {strides = array<i32>} : memref<512xf32, #tpu.memory_space<vmem>>, vector<16xf32>,
    %get3A_879 = vector.shape_cast %get3A_878 : vector<16xf32> to vector<16xf32>
    %get3A_880 = arith.constant 240 : index
    %get3A_881 = tpu.vector_load %arg19[%get3A_880] {strides = array<i32>} : memref<512xf32, #tpu.memory_space<vmem>>, vector<16xf32>,
    %get3A_882 = vector.shape_cast %get3A_881 : vector<16xf32> to vector<16xf32>
    %add3A_883 = arith.addf %get3A_879, %get3A_882 : vector<16xf32>
    %get3A_884 = arith.constant 240 : index
    %get3A_885 = tpu.vector_load %arg21[%get3A_884] {strides = array<i32>} : memref<512xf32, #tpu.memory_space<vmem>>, vector<16xf32>,
    %get3A_886 = vector.shape_cast %get3A_885 : vector<16xf32> to vector<16xf32>
    %add3A_887 = arith.addf %add3A_883, %get3A_886 : vector<16xf32>
    %get3A_888 = arith.constant 240 : index
    %get3A_889 = tpu.vector_load %arg23[%get3A_888] {strides = array<i32>} : memref<512xf32, #tpu.memory_space<vmem>>, vector<16xf32>,
    %get3A_890 = vector.shape_cast %get3A_889 : vector<16xf32> to vector<16xf32>
    %add3A_891 = arith.addf %add3A_887, %get3A_890 : vector<16xf32>
    %swap3A_892 = arith.constant 240 : index
    %swap3A_893 = tpu.vector_load %arg25[%swap3A_892] {strides = array<i32>} : memref<512xf32, #tpu.memory_space<vmem>>, vector<16xf32>,
    %swap3A_894 = vector.shape_cast %swap3A_893 : vector<16xf32> to vector<16xf32>
    %swap3A_895 = vector.shape_cast %add3A_891 : vector<16xf32> to vector<16xf32>
    tpu.vector_store %arg25[%swap3A_892], %swap3A_895 {strides = array<i32>} : memref<512xf32, #tpu.memory_space<vmem>>, vector<16xf32>,
    %get3A_896 = arith.constant 240 : index
    %get3A_897 = tpu.vector_load %arg18[%get3A_896] {strides = array<i32>} : memref<512xf32, #tpu.memory_space<vmem>>, vector<16xf32>,
    %get3A_898 = vector.shape_cast %get3A_897 : vector<16xf32> to vector<16xf32>
    %get3A_899 = arith.constant 240 : index
    %get3A_900 = tpu.vector_load %arg20[%get3A_899] {strides = array<i32>} : memref<512xf32, #tpu.memory_space<vmem>>, vector<16xf32>,
    %get3A_901 = vector.shape_cast %get3A_900 : vector<16xf32> to vector<16xf32>
    %add3A_902 = arith.addf %get3A_898, %get3A_901 : vector<16xf32>
    %get3A_903 = arith.constant 240 : index
    %get3A_904 = tpu.vector_load %arg22[%get3A_903] {strides = array<i32>} : memref<512xf32, #tpu.memory_space<vmem>>, vector<16xf32>,
    %get3A_905 = vector.shape_cast %get3A_904 : vector<16xf32> to vector<16xf32>
    %add3A_906 = arith.addf %add3A_902, %get3A_905 : vector<16xf32>
    %get3A_907 = arith.constant 240 : index
    %get3A_908 = tpu.vector_load %arg24[%get3A_907] {strides = array<i32>} : memref<512xf32, #tpu.memory_space<vmem>>, vector<16xf32>,
    %get3A_909 = vector.shape_cast %get3A_908 : vector<16xf32> to vector<16xf32>
    %add3A_910 = arith.addf %add3A_906, %get3A_909 : vector<16xf32>
    %swap3A_911 = arith.constant 240 : index
    %swap3A_912 = tpu.vector_load %arg26[%swap3A_911] {strides = array<i32>} : memref<512xf32, #tpu.memory_space<vmem>>, vector<16xf32>,
    %swap3A_913 = vector.shape_cast %swap3A_912 : vector<16xf32> to vector<16xf32>
    %swap3A_914 = vector.shape_cast %add3A_910 : vector<16xf32> to vector<16xf32>
    tpu.vector_store %arg26[%swap3A_911], %swap3A_914 {strides = array<i32>} : memref<512xf32, #tpu.memory_space<vmem>>, vector<16xf32>,
    %get3A_915 = arith.constant 256 : index
    %get3A_916 = tpu.vector_load %arg17[%get3A_915] {strides = array<i32>} : memref<512xf32, #tpu.memory_space<vmem>>, vector<16xf32>,
    %get3A_917 = vector.shape_cast %get3A_916 : vector<16xf32> to vector<16xf32>
    %get3A_918 = arith.constant 256 : index
    %get3A_919 = tpu.vector_load %arg19[%get3A_918] {strides = array<i32>} : memref<512xf32, #tpu.memory_space<vmem>>, vector<16xf32>,
    %get3A_920 = vector.shape_cast %get3A_919 : vector<16xf32> to vector<16xf32>
    %add3A_921 = arith.addf %get3A_917, %get3A_920 : vector<16xf32>
    %get3A_922 = arith.constant 256 : index
    %get3A_923 = tpu.vector_load %arg21[%get3A_922] {strides = array<i32>} : memref<512xf32, #tpu.memory_space<vmem>>, vector<16xf32>,
    %get3A_924 = vector.shape_cast %get3A_923 : vector<16xf32> to vector<16xf32>
    %add3A_925 = arith.addf %add3A_921, %get3A_924 : vector<16xf32>
    %get3A_926 = arith.constant 256 : index
    %get3A_927 = tpu.vector_load %arg23[%get3A_926] {strides = array<i32>} : memref<512xf32, #tpu.memory_space<vmem>>, vector<16xf32>,
    %get3A_928 = vector.shape_cast %get3A_927 : vector<16xf32> to vector<16xf32>
    %add3A_929 = arith.addf %add3A_925, %get3A_928 : vector<16xf32>
    %swap3A_930 = arith.constant 256 : index
    %swap3A_931 = tpu.vector_load %arg25[%swap3A_930] {strides = array<i32>} : memref<512xf32, #tpu.memory_space<vmem>>, vector<16xf32>,
    %swap3A_932 = vector.shape_cast %swap3A_931 : vector<16xf32> to vector<16xf32>
    %swap3A_933 = vector.shape_cast %add3A_929 : vector<16xf32> to vector<16xf32>
    tpu.vector_store %arg25[%swap3A_930], %swap3A_933 {strides = array<i32>} : memref<512xf32, #tpu.memory_space<vmem>>, vector<16xf32>,
    %get3A_934 = arith.constant 256 : index
    %get3A_935 = tpu.vector_load %arg18[%get3A_934] {strides = array<i32>} : memref<512xf32, #tpu.memory_space<vmem>>, vector<16xf32>,
    %get3A_936 = vector.shape_cast %get3A_935 : vector<16xf32> to vector<16xf32>
    %get3A_937 = arith.constant 256 : index
    %get3A_938 = tpu.vector_load %arg20[%get3A_937] {strides = array<i32>} : memref<512xf32, #tpu.memory_space<vmem>>, vector<16xf32>,
    %get3A_939 = vector.shape_cast %get3A_938 : vector<16xf32> to vector<16xf32>
    %add3A_940 = arith.addf %get3A_936, %get3A_939 : vector<16xf32>
    %get3A_941 = arith.constant 256 : index
    %get3A_942 = tpu.vector_load %arg22[%get3A_941] {strides = array<i32>} : memref<512xf32, #tpu.memory_space<vmem>>, vector<16xf32>,
    %get3A_943 = vector.shape_cast %get3A_942 : vector<16xf32> to vector<16xf32>
    %add3A_944 = arith.addf %add3A_940, %get3A_943 : vector<16xf32>
    %get3A_945 = arith.constant 256 : index
    %get3A_946 = tpu.vector_load %arg24[%get3A_945] {strides = array<i32>} : memref<512xf32, #tpu.memory_space<vmem>>, vector<16xf32>,
    %get3A_947 = vector.shape_cast %get3A_946 : vector<16xf32> to vector<16xf32>
    %add3A_948 = arith.addf %add3A_944, %get3A_947 : vector<16xf32>
    %swap3A_949 = arith.constant 256 : index
    %swap3A_950 = tpu.vector_load %arg26[%swap3A_949] {strides = array<i32>} : memref<512xf32, #tpu.memory_space<vmem>>, vector<16xf32>,
    %swap3A_951 = vector.shape_cast %swap3A_950 : vector<16xf32> to vector<16xf32>
    %swap3A_952 = vector.shape_cast %add3A_948 : vector<16xf32> to vector<16xf32>
    tpu.vector_store %arg26[%swap3A_949], %swap3A_952 {strides = array<i32>} : memref<512xf32, #tpu.memory_space<vmem>>, vector<16xf32>,
    %get3A_953 = arith.constant 272 : index
    %get3A_954 = tpu.vector_load %arg17[%get3A_953] {strides = array<i32>} : memref<512xf32, #tpu.memory_space<vmem>>, vector<16xf32>,
    %get3A_955 = vector.shape_cast %get3A_954 : vector<16xf32> to vector<16xf32>
    %get3A_956 = arith.constant 272 : index
    %get3A_957 = tpu.vector_load %arg19[%get3A_956] {strides = array<i32>} : memref<512xf32, #tpu.memory_space<vmem>>, vector<16xf32>,
    %get3A_958 = vector.shape_cast %get3A_957 : vector<16xf32> to vector<16xf32>
    %add3A_959 = arith.addf %get3A_955, %get3A_958 : vector<16xf32>
    %get3A_960 = arith.constant 272 : index
    %get3A_961 = tpu.vector_load %arg21[%get3A_960] {strides = array<i32>} : memref<512xf32, #tpu.memory_space<vmem>>, vector<16xf32>,
    %get3A_962 = vector.shape_cast %get3A_961 : vector<16xf32> to vector<16xf32>
    %add3A_963 = arith.addf %add3A_959, %get3A_962 : vector<16xf32>
    %get3A_964 = arith.constant 272 : index
    %get3A_965 = tpu.vector_load %arg23[%get3A_964] {strides = array<i32>} : memref<512xf32, #tpu.memory_space<vmem>>, vector<16xf32>,
    %get3A_966 = vector.shape_cast %get3A_965 : vector<16xf32> to vector<16xf32>
    %add3A_967 = arith.addf %add3A_963, %get3A_966 : vector<16xf32>
    %swap3A_968 = arith.constant 272 : index
    %swap3A_969 = tpu.vector_load %arg25[%swap3A_968] {strides = array<i32>} : memref<512xf32, #tpu.memory_space<vmem>>, vector<16xf32>,
    %swap3A_970 = vector.shape_cast %swap3A_969 : vector<16xf32> to vector<16xf32>
    %swap3A_971 = vector.shape_cast %add3A_967 : vector<16xf32> to vector<16xf32>
    tpu.vector_store %arg25[%swap3A_968], %swap3A_971 {strides = array<i32>} : memref<512xf32, #tpu.memory_space<vmem>>, vector<16xf32>,
    %get3A_972 = arith.constant 272 : index
    %get3A_973 = tpu.vector_load %arg18[%get3A_972] {strides = array<i32>} : memref<512xf32, #tpu.memory_space<vmem>>, vector<16xf32>,
    %get3A_974 = vector.shape_cast %get3A_973 : vector<16xf32> to vector<16xf32>
    %get3A_975 = arith.constant 272 : index
    %get3A_976 = tpu.vector_load %arg20[%get3A_975] {strides = array<i32>} : memref<512xf32, #tpu.memory_space<vmem>>, vector<16xf32>,
    %get3A_977 = vector.shape_cast %get3A_976 : vector<16xf32> to vector<16xf32>
    %add3A_978 = arith.addf %get3A_974, %get3A_977 : vector<16xf32>
    %get3A_979 = arith.constant 272 : index
    %get3A_980 = tpu.vector_load %arg22[%get3A_979] {strides = array<i32>} : memref<512xf32, #tpu.memory_space<vmem>>, vector<16xf32>,
    %get3A_981 = vector.shape_cast %get3A_980 : vector<16xf32> to vector<16xf32>
    %add3A_982 = arith.addf %add3A_978, %get3A_981 : vector<16xf32>
    %get3A_983 = arith.constant 272 : index
    %get3A_984 = tpu.vector_load %arg24[%get3A_983] {strides = array<i32>} : memref<512xf32, #tpu.memory_space<vmem>>, vector<16xf32>,
    %get3A_985 = vector.shape_cast %get3A_984 : vector<16xf32> to vector<16xf32>
    %add3A_986 = arith.addf %add3A_982, %get3A_985 : vector<16xf32>
    %swap3A_987 = arith.constant 272 : index
    %swap3A_988 = tpu.vector_load %arg26[%swap3A_987] {strides = array<i32>} : memref<512xf32, #tpu.memory_space<vmem>>, vector<16xf32>,
    %swap3A_989 = vector.shape_cast %swap3A_988 : vector<16xf32> to vector<16xf32>
    %swap3A_990 = vector.shape_cast %add3A_986 : vector<16xf32> to vector<16xf32>
    tpu.vector_store %arg26[%swap3A_987], %swap3A_990 {strides = array<i32>} : memref<512xf32, #tpu.memory_space<vmem>>, vector<16xf32>,
    %get3A_991 = arith.constant 288 : index
    %get3A_992 = tpu.vector_load %arg17[%get3A_991] {strides = array<i32>} : memref<512xf32, #tpu.memory_space<vmem>>, vector<16xf32>,
    %get3A_993 = vector.shape_cast %get3A_992 : vector<16xf32> to vector<16xf32>
    %get3A_994 = arith.constant 288 : index
    %get3A_995 = tpu.vector_load %arg19[%get3A_994] {strides = array<i32>} : memref<512xf32, #tpu.memory_space<vmem>>, vector<16xf32>,
    %get3A_996 = vector.shape_cast %get3A_995 : vector<16xf32> to vector<16xf32>
    %add3A_997 = arith.addf %get3A_993, %get3A_996 : vector<16xf32>
    %get3A_998 = arith.constant 288 : index
    %get3A_999 = tpu.vector_load %arg21[%get3A_998] {strides = array<i32>} : memref<512xf32, #tpu.memory_space<vmem>>, vector<16xf32>,
    %get3A_1000 = vector.shape_cast %get3A_999 : vector<16xf32> to vector<16xf32>
    %add3A_1001 = arith.addf %add3A_997, %get3A_1000 : vector<16xf32>
    %get3A_1002 = arith.constant 288 : index
    %get3A_1003 = tpu.vector_load %arg23[%get3A_1002] {strides = array<i32>} : memref<512xf32, #tpu.memory_space<vmem>>, vector<16xf32>,
    %get3A_1004 = vector.shape_cast %get3A_1003 : vector<16xf32> to vector<16xf32>
    %add3A_1005 = arith.addf %add3A_1001, %get3A_1004 : vector<16xf32>
    %swap3A_1006 = arith.constant 288 : index
    %swap3A_1007 = tpu.vector_load %arg25[%swap3A_1006] {strides = array<i32>} : memref<512xf32, #tpu.memory_space<vmem>>, vector<16xf32>,
    %swap3A_1008 = vector.shape_cast %swap3A_1007 : vector<16xf32> to vector<16xf32>
    %swap3A_1009 = vector.shape_cast %add3A_1005 : vector<16xf32> to vector<16xf32>
    tpu.vector_store %arg25[%swap3A_1006], %swap3A_1009 {strides = array<i32>} : memref<512xf32, #tpu.memory_space<vmem>>, vector<16xf32>,
    %get3A_1010 = arith.constant 288 : index
    %get3A_1011 = tpu.vector_load %arg18[%get3A_1010] {strides = array<i32>} : memref<512xf32, #tpu.memory_space<vmem>>, vector<16xf32>,
    %get3A_1012 = vector.shape_cast %get3A_1011 : vector<16xf32> to vector<16xf32>
    %get3A_1013 = arith.constant 288 : index
    %get3A_1014 = tpu.vector_load %arg20[%get3A_1013] {strides = array<i32>} : memref<512xf32, #tpu.memory_space<vmem>>, vector<16xf32>,
    %get3A_1015 = vector.shape_cast %get3A_1014 : vector<16xf32> to vector<16xf32>
    %add3A_1016 = arith.addf %get3A_1012, %get3A_1015 : vector<16xf32>
    %get3A_1017 = arith.constant 288 : index
    %get3A_1018 = tpu.vector_load %arg22[%get3A_1017] {strides = array<i32>} : memref<512xf32, #tpu.memory_space<vmem>>, vector<16xf32>,
    %get3A_1019 = vector.shape_cast %get3A_1018 : vector<16xf32> to vector<16xf32>
    %add3A_1020 = arith.addf %add3A_1016, %get3A_1019 : vector<16xf32>
    %get3A_1021 = arith.constant 288 : index
    %get3A_1022 = tpu.vector_load %arg24[%get3A_1021] {strides = array<i32>} : memref<512xf32, #tpu.memory_space<vmem>>, vector<16xf32>,
    %get3A_1023 = vector.shape_cast %get3A_1022 : vector<16xf32> to vector<16xf32>
    %add3A_1024 = arith.addf %add3A_1020, %get3A_1023 : vector<16xf32>
    %swap3A_1025 = arith.constant 288 : index
    %swap3A_1026 = tpu.vector_load %arg26[%swap3A_1025] {strides = array<i32>} : memref<512xf32, #tpu.memory_space<vmem>>, vector<16xf32>,
    %swap3A_1027 = vector.shape_cast %swap3A_1026 : vector<16xf32> to vector<16xf32>
    %swap3A_1028 = vector.shape_cast %add3A_1024 : vector<16xf32> to vector<16xf32>
    tpu.vector_store %arg26[%swap3A_1025], %swap3A_1028 {strides = array<i32>} : memref<512xf32, #tpu.memory_space<vmem>>, vector<16xf32>,
    %get3A_1029 = arith.constant 304 : index
    %get3A_1030 = tpu.vector_load %arg17[%get3A_1029] {strides = array<i32>} : memref<512xf32, #tpu.memory_space<vmem>>, vector<16xf32>,
    %get3A_1031 = vector.shape_cast %get3A_1030 : vector<16xf32> to vector<16xf32>
    %get3A_1032 = arith.constant 304 : index
    %get3A_1033 = tpu.vector_load %arg19[%get3A_1032] {strides = array<i32>} : memref<512xf32, #tpu.memory_space<vmem>>, vector<16xf32>,
    %get3A_1034 = vector.shape_cast %get3A_1033 : vector<16xf32> to vector<16xf32>
    %add3A_1035 = arith.addf %get3A_1031, %get3A_1034 : vector<16xf32>
    %get3A_1036 = arith.constant 304 : index
    %get3A_1037 = tpu.vector_load %arg21[%get3A_1036] {strides = array<i32>} : memref<512xf32, #tpu.memory_space<vmem>>, vector<16xf32>,
    %get3A_1038 = vector.shape_cast %get3A_1037 : vector<16xf32> to vector<16xf32>
    %add3A_1039 = arith.addf %add3A_1035, %get3A_1038 : vector<16xf32>
    %get3A_1040 = arith.constant 304 : index
    %get3A_1041 = tpu.vector_load %arg23[%get3A_1040] {strides = array<i32>} : memref<512xf32, #tpu.memory_space<vmem>>, vector<16xf32>,
    %get3A_1042 = vector.shape_cast %get3A_1041 : vector<16xf32> to vector<16xf32>
    %add3A_1043 = arith.addf %add3A_1039, %get3A_1042 : vector<16xf32>
    %swap3A_1044 = arith.constant 304 : index
    %swap3A_1045 = tpu.vector_load %arg25[%swap3A_1044] {strides = array<i32>} : memref<512xf32, #tpu.memory_space<vmem>>, vector<16xf32>,
    %swap3A_1046 = vector.shape_cast %swap3A_1045 : vector<16xf32> to vector<16xf32>
    %swap3A_1047 = vector.shape_cast %add3A_1043 : vector<16xf32> to vector<16xf32>
    tpu.vector_store %arg25[%swap3A_1044], %swap3A_1047 {strides = array<i32>} : memref<512xf32, #tpu.memory_space<vmem>>, vector<16xf32>,
    %get3A_1048 = arith.constant 304 : index
    %get3A_1049 = tpu.vector_load %arg18[%get3A_1048] {strides = array<i32>} : memref<512xf32, #tpu.memory_space<vmem>>, vector<16xf32>,
    %get3A_1050 = vector.shape_cast %get3A_1049 : vector<16xf32> to vector<16xf32>
    %get3A_1051 = arith.constant 304 : index
    %get3A_1052 = tpu.vector_load %arg20[%get3A_1051] {strides = array<i32>} : memref<512xf32, #tpu.memory_space<vmem>>, vector<16xf32>,
    %get3A_1053 = vector.shape_cast %get3A_1052 : vector<16xf32> to vector<16xf32>
    %add3A_1054 = arith.addf %get3A_1050, %get3A_1053 : vector<16xf32>
    %get3A_1055 = arith.constant 304 : index
    %get3A_1056 = tpu.vector_load %arg22[%get3A_1055] {strides = array<i32>} : memref<512xf32, #tpu.memory_space<vmem>>, vector<16xf32>,
    %get3A_1057 = vector.shape_cast %get3A_1056 : vector<16xf32> to vector<16xf32>
    %add3A_1058 = arith.addf %add3A_1054, %get3A_1057 : vector<16xf32>
    %get3A_1059 = arith.constant 304 : index
    %get3A_1060 = tpu.vector_load %arg24[%get3A_1059] {strides = array<i32>} : memref<512xf32, #tpu.memory_space<vmem>>, vector<16xf32>,
    %get3A_1061 = vector.shape_cast %get3A_1060 : vector<16xf32> to vector<16xf32>
    %add3A_1062 = arith.addf %add3A_1058, %get3A_1061 : vector<16xf32>
    %swap3A_1063 = arith.constant 304 : index
    %swap3A_1064 = tpu.vector_load %arg26[%swap3A_1063] {strides = array<i32>} : memref<512xf32, #tpu.memory_space<vmem>>, vector<16xf32>,
    %swap3A_1065 = vector.shape_cast %swap3A_1064 : vector<16xf32> to vector<16xf32>
    %swap3A_1066 = vector.shape_cast %add3A_1062 : vector<16xf32> to vector<16xf32>
    tpu.vector_store %arg26[%swap3A_1063], %swap3A_1066 {strides = array<i32>} : memref<512xf32, #tpu.memory_space<vmem>>, vector<16xf32>,
    %get3A_1067 = arith.constant 320 : index
    %get3A_1068 = tpu.vector_load %arg17[%get3A_1067] {strides = array<i32>} : memref<512xf32, #tpu.memory_space<vmem>>, vector<16xf32>,
    %get3A_1069 = vector.shape_cast %get3A_1068 : vector<16xf32> to vector<16xf32>
    %get3A_1070 = arith.constant 320 : index
    %get3A_1071 = tpu.vector_load %arg19[%get3A_1070] {strides = array<i32>} : memref<512xf32, #tpu.memory_space<vmem>>, vector<16xf32>,
    %get3A_1072 = vector.shape_cast %get3A_1071 : vector<16xf32> to vector<16xf32>
    %add3A_1073 = arith.addf %get3A_1069, %get3A_1072 : vector<16xf32>
    %get3A_1074 = arith.constant 320 : index
    %get3A_1075 = tpu.vector_load %arg21[%get3A_1074] {strides = array<i32>} : memref<512xf32, #tpu.memory_space<vmem>>, vector<16xf32>,
    %get3A_1076 = vector.shape_cast %get3A_1075 : vector<16xf32> to vector<16xf32>
    %add3A_1077 = arith.addf %add3A_1073, %get3A_1076 : vector<16xf32>
    %get3A_1078 = arith.constant 320 : index
    %get3A_1079 = tpu.vector_load %arg23[%get3A_1078] {strides = array<i32>} : memref<512xf32, #tpu.memory_space<vmem>>, vector<16xf32>,
    %get3A_1080 = vector.shape_cast %get3A_1079 : vector<16xf32> to vector<16xf32>
    %add3A_1081 = arith.addf %add3A_1077, %get3A_1080 : vector<16xf32>
    %swap3A_1082 = arith.constant 320 : index
    %swap3A_1083 = tpu.vector_load %arg25[%swap3A_1082] {strides = array<i32>} : memref<512xf32, #tpu.memory_space<vmem>>, vector<16xf32>,
    %swap3A_1084 = vector.shape_cast %swap3A_1083 : vector<16xf32> to vector<16xf32>
    %swap3A_1085 = vector.shape_cast %add3A_1081 : vector<16xf32> to vector<16xf32>
    tpu.vector_store %arg25[%swap3A_1082], %swap3A_1085 {strides = array<i32>} : memref<512xf32, #tpu.memory_space<vmem>>, vector<16xf32>,
    %get3A_1086 = arith.constant 320 : index
    %get3A_1087 = tpu.vector_load %arg18[%get3A_1086] {strides = array<i32>} : memref<512xf32, #tpu.memory_space<vmem>>, vector<16xf32>,
    %get3A_1088 = vector.shape_cast %get3A_1087 : vector<16xf32> to vector<16xf32>
    %get3A_1089 = arith.constant 320 : index
    %get3A_1090 = tpu.vector_load %arg20[%get3A_1089] {strides = array<i32>} : memref<512xf32, #tpu.memory_space<vmem>>, vector<16xf32>,
    %get3A_1091 = vector.shape_cast %get3A_1090 : vector<16xf32> to vector<16xf32>
    %add3A_1092 = arith.addf %get3A_1088, %get3A_1091 : vector<16xf32>
    %get3A_1093 = arith.constant 320 : index
    %get3A_1094 = tpu.vector_load %arg22[%get3A_1093] {strides = array<i32>} : memref<512xf32, #tpu.memory_space<vmem>>, vector<16xf32>,
    %get3A_1095 = vector.shape_cast %get3A_1094 : vector<16xf32> to vector<16xf32>
    %add3A_1096 = arith.addf %add3A_1092, %get3A_1095 : vector<16xf32>
    %get3A_1097 = arith.constant 320 : index
    %get3A_1098 = tpu.vector_load %arg24[%get3A_1097] {strides = array<i32>} : memref<512xf32, #tpu.memory_space<vmem>>, vector<16xf32>,
    %get3A_1099 = vector.shape_cast %get3A_1098 : vector<16xf32> to vector<16xf32>
    %add3A_1100 = arith.addf %add3A_1096, %get3A_1099 : vector<16xf32>
    %swap3A_1101 = arith.constant 320 : index
    %swap3A_1102 = tpu.vector_load %arg26[%swap3A_1101] {strides = array<i32>} : memref<512xf32, #tpu.memory_space<vmem>>, vector<16xf32>,
    %swap3A_1103 = vector.shape_cast %swap3A_1102 : vector<16xf32> to vector<16xf32>
    %swap3A_1104 = vector.shape_cast %add3A_1100 : vector<16xf32> to vector<16xf32>
    tpu.vector_store %arg26[%swap3A_1101], %swap3A_1104 {strides = array<i32>} : memref<512xf32, #tpu.memory_space<vmem>>, vector<16xf32>,
    %get3A_1105 = arith.constant 336 : index
    %get3A_1106 = tpu.vector_load %arg17[%get3A_1105] {strides = array<i32>} : memref<512xf32, #tpu.memory_space<vmem>>, vector<16xf32>,
    %get3A_1107 = vector.shape_cast %get3A_1106 : vector<16xf32> to vector<16xf32>
    %get3A_1108 = arith.constant 336 : index
    %get3A_1109 = tpu.vector_load %arg19[%get3A_1108] {strides = array<i32>} : memref<512xf32, #tpu.memory_space<vmem>>, vector<16xf32>,
    %get3A_1110 = vector.shape_cast %get3A_1109 : vector<16xf32> to vector<16xf32>
    %add3A_1111 = arith.addf %get3A_1107, %get3A_1110 : vector<16xf32>
    %get3A_1112 = arith.constant 336 : index
    %get3A_1113 = tpu.vector_load %arg21[%get3A_1112] {strides = array<i32>} : memref<512xf32, #tpu.memory_space<vmem>>, vector<16xf32>,
    %get3A_1114 = vector.shape_cast %get3A_1113 : vector<16xf32> to vector<16xf32>
    %add3A_1115 = arith.addf %add3A_1111, %get3A_1114 : vector<16xf32>
    %get3A_1116 = arith.constant 336 : index
    %get3A_1117 = tpu.vector_load %arg23[%get3A_1116] {strides = array<i32>} : memref<512xf32, #tpu.memory_space<vmem>>, vector<16xf32>,
    %get3A_1118 = vector.shape_cast %get3A_1117 : vector<16xf32> to vector<16xf32>
    %add3A_1119 = arith.addf %add3A_1115, %get3A_1118 : vector<16xf32>
    %swap3A_1120 = arith.constant 336 : index
    %swap3A_1121 = tpu.vector_load %arg25[%swap3A_1120] {strides = array<i32>} : memref<512xf32, #tpu.memory_space<vmem>>, vector<16xf32>,
    %swap3A_1122 = vector.shape_cast %swap3A_1121 : vector<16xf32> to vector<16xf32>
    %swap3A_1123 = vector.shape_cast %add3A_1119 : vector<16xf32> to vector<16xf32>
    tpu.vector_store %arg25[%swap3A_1120], %swap3A_1123 {strides = array<i32>} : memref<512xf32, #tpu.memory_space<vmem>>, vector<16xf32>,
    %get3A_1124 = arith.constant 336 : index
    %get3A_1125 = tpu.vector_load %arg18[%get3A_1124] {strides = array<i32>} : memref<512xf32, #tpu.memory_space<vmem>>, vector<16xf32>,
    %get3A_1126 = vector.shape_cast %get3A_1125 : vector<16xf32> to vector<16xf32>
    %get3A_1127 = arith.constant 336 : index
    %get3A_1128 = tpu.vector_load %arg20[%get3A_1127] {strides = array<i32>} : memref<512xf32, #tpu.memory_space<vmem>>, vector<16xf32>,
    %get3A_1129 = vector.shape_cast %get3A_1128 : vector<16xf32> to vector<16xf32>
    %add3A_1130 = arith.addf %get3A_1126, %get3A_1129 : vector<16xf32>
    %get3A_1131 = arith.constant 336 : index
    %get3A_1132 = tpu.vector_load %arg22[%get3A_1131] {strides = array<i32>} : memref<512xf32, #tpu.memory_space<vmem>>, vector<16xf32>,
    %get3A_1133 = vector.shape_cast %get3A_1132 : vector<16xf32> to vector<16xf32>
    %add3A_1134 = arith.addf %add3A_1130, %get3A_1133 : vector<16xf32>
    %get3A_1135 = arith.constant 336 : index
    %get3A_1136 = tpu.vector_load %arg24[%get3A_1135] {strides = array<i32>} : memref<512xf32, #tpu.memory_space<vmem>>, vector<16xf32>,
    %get3A_1137 = vector.shape_cast %get3A_1136 : vector<16xf32> to vector<16xf32>
    %add3A_1138 = arith.addf %add3A_1134, %get3A_1137 : vector<16xf32>
    %swap3A_1139 = arith.constant 336 : index
    %swap3A_1140 = tpu.vector_load %arg26[%swap3A_1139] {strides = array<i32>} : memref<512xf32, #tpu.memory_space<vmem>>, vector<16xf32>,
    %swap3A_1141 = vector.shape_cast %swap3A_1140 : vector<16xf32> to vector<16xf32>
    %swap3A_1142 = vector.shape_cast %add3A_1138 : vector<16xf32> to vector<16xf32>
    tpu.vector_store %arg26[%swap3A_1139], %swap3A_1142 {strides = array<i32>} : memref<512xf32, #tpu.memory_space<vmem>>, vector<16xf32>,
    %get3A_1143 = arith.constant 352 : index
    %get3A_1144 = tpu.vector_load %arg17[%get3A_1143] {strides = array<i32>} : memref<512xf32, #tpu.memory_space<vmem>>, vector<16xf32>,
    %get3A_1145 = vector.shape_cast %get3A_1144 : vector<16xf32> to vector<16xf32>
    %get3A_1146 = arith.constant 352 : index
    %get3A_1147 = tpu.vector_load %arg19[%get3A_1146] {strides = array<i32>} : memref<512xf32, #tpu.memory_space<vmem>>, vector<16xf32>,
    %get3A_1148 = vector.shape_cast %get3A_1147 : vector<16xf32> to vector<16xf32>
    %add3A_1149 = arith.addf %get3A_1145, %get3A_1148 : vector<16xf32>
    %get3A_1150 = arith.constant 352 : index
    %get3A_1151 = tpu.vector_load %arg21[%get3A_1150] {strides = array<i32>} : memref<512xf32, #tpu.memory_space<vmem>>, vector<16xf32>,
    %get3A_1152 = vector.shape_cast %get3A_1151 : vector<16xf32> to vector<16xf32>
    %add3A_1153 = arith.addf %add3A_1149, %get3A_1152 : vector<16xf32>
    %get3A_1154 = arith.constant 352 : index
    %get3A_1155 = tpu.vector_load %arg23[%get3A_1154] {strides = array<i32>} : memref<512xf32, #tpu.memory_space<vmem>>, vector<16xf32>,
    %get3A_1156 = vector.shape_cast %get3A_1155 : vector<16xf32> to vector<16xf32>
    %add3A_1157 = arith.addf %add3A_1153, %get3A_1156 : vector<16xf32>
    %swap3A_1158 = arith.constant 352 : index
    %swap3A_1159 = tpu.vector_load %arg25[%swap3A_1158] {strides = array<i32>} : memref<512xf32, #tpu.memory_space<vmem>>, vector<16xf32>,
    %swap3A_1160 = vector.shape_cast %swap3A_1159 : vector<16xf32> to vector<16xf32>
    %swap3A_1161 = vector.shape_cast %add3A_1157 : vector<16xf32> to vector<16xf32>
    tpu.vector_store %arg25[%swap3A_1158], %swap3A_1161 {strides = array<i32>} : memref<512xf32, #tpu.memory_space<vmem>>, vector<16xf32>,
    %get3A_1162 = arith.constant 352 : index
    %get3A_1163 = tpu.vector_load %arg18[%get3A_1162] {strides = array<i32>} : memref<512xf32, #tpu.memory_space<vmem>>, vector<16xf32>,
    %get3A_1164 = vector.shape_cast %get3A_1163 : vector<16xf32> to vector<16xf32>
    %get3A_1165 = arith.constant 352 : index
    %get3A_1166 = tpu.vector_load %arg20[%get3A_1165] {strides = array<i32>} : memref<512xf32, #tpu.memory_space<vmem>>, vector<16xf32>,
    %get3A_1167 = vector.shape_cast %get3A_1166 : vector<16xf32> to vector<16xf32>
    %add3A_1168 = arith.addf %get3A_1164, %get3A_1167 : vector<16xf32>
    %get3A_1169 = arith.constant 352 : index
    %get3A_1170 = tpu.vector_load %arg22[%get3A_1169] {strides = array<i32>} : memref<512xf32, #tpu.memory_space<vmem>>, vector<16xf32>,
    %get3A_1171 = vector.shape_cast %get3A_1170 : vector<16xf32> to vector<16xf32>
    %add3A_1172 = arith.addf %add3A_1168, %get3A_1171 : vector<16xf32>
    %get3A_1173 = arith.constant 352 : index
    %get3A_1174 = tpu.vector_load %arg24[%get3A_1173] {strides = array<i32>} : memref<512xf32, #tpu.memory_space<vmem>>, vector<16xf32>,
    %get3A_1175 = vector.shape_cast %get3A_1174 : vector<16xf32> to vector<16xf32>
    %add3A_1176 = arith.addf %add3A_1172, %get3A_1175 : vector<16xf32>
    %swap3A_1177 = arith.constant 352 : index
    %swap3A_1178 = tpu.vector_load %arg26[%swap3A_1177] {strides = array<i32>} : memref<512xf32, #tpu.memory_space<vmem>>, vector<16xf32>,
    %swap3A_1179 = vector.shape_cast %swap3A_1178 : vector<16xf32> to vector<16xf32>
    %swap3A_1180 = vector.shape_cast %add3A_1176 : vector<16xf32> to vector<16xf32>
    tpu.vector_store %arg26[%swap3A_1177], %swap3A_1180 {strides = array<i32>} : memref<512xf32, #tpu.memory_space<vmem>>, vector<16xf32>,
    %get3A_1181 = arith.constant 368 : index
    %get3A_1182 = tpu.vector_load %arg17[%get3A_1181] {strides = array<i32>} : memref<512xf32, #tpu.memory_space<vmem>>, vector<16xf32>,
    %get3A_1183 = vector.shape_cast %get3A_1182 : vector<16xf32> to vector<16xf32>
    %get3A_1184 = arith.constant 368 : index
    %get3A_1185 = tpu.vector_load %arg19[%get3A_1184] {strides = array<i32>} : memref<512xf32, #tpu.memory_space<vmem>>, vector<16xf32>,
    %get3A_1186 = vector.shape_cast %get3A_1185 : vector<16xf32> to vector<16xf32>
    %add3A_1187 = arith.addf %get3A_1183, %get3A_1186 : vector<16xf32>
    %get3A_1188 = arith.constant 368 : index
    %get3A_1189 = tpu.vector_load %arg21[%get3A_1188] {strides = array<i32>} : memref<512xf32, #tpu.memory_space<vmem>>, vector<16xf32>,
    %get3A_1190 = vector.shape_cast %get3A_1189 : vector<16xf32> to vector<16xf32>
    %add3A_1191 = arith.addf %add3A_1187, %get3A_1190 : vector<16xf32>
    %get3A_1192 = arith.constant 368 : index
    %get3A_1193 = tpu.vector_load %arg23[%get3A_1192] {strides = array<i32>} : memref<512xf32, #tpu.memory_space<vmem>>, vector<16xf32>,
    %get3A_1194 = vector.shape_cast %get3A_1193 : vector<16xf32> to vector<16xf32>
    %add3A_1195 = arith.addf %add3A_1191, %get3A_1194 : vector<16xf32>
    %swap3A_1196 = arith.constant 368 : index
    %swap3A_1197 = tpu.vector_load %arg25[%swap3A_1196] {strides = array<i32>} : memref<512xf32, #tpu.memory_space<vmem>>, vector<16xf32>,
    %swap3A_1198 = vector.shape_cast %swap3A_1197 : vector<16xf32> to vector<16xf32>
    %swap3A_1199 = vector.shape_cast %add3A_1195 : vector<16xf32> to vector<16xf32>
    tpu.vector_store %arg25[%swap3A_1196], %swap3A_1199 {strides = array<i32>} : memref<512xf32, #tpu.memory_space<vmem>>, vector<16xf32>,
    %get3A_1200 = arith.constant 368 : index
    %get3A_1201 = tpu.vector_load %arg18[%get3A_1200] {strides = array<i32>} : memref<512xf32, #tpu.memory_space<vmem>>, vector<16xf32>,
    %get3A_1202 = vector.shape_cast %get3A_1201 : vector<16xf32> to vector<16xf32>
    %get3A_1203 = arith.constant 368 : index
    %get3A_1204 = tpu.vector_load %arg20[%get3A_1203] {strides = array<i32>} : memref<512xf32, #tpu.memory_space<vmem>>, vector<16xf32>,
    %get3A_1205 = vector.shape_cast %get3A_1204 : vector<16xf32> to vector<16xf32>
    %add3A_1206 = arith.addf %get3A_1202, %get3A_1205 : vector<16xf32>
    %get3A_1207 = arith.constant 368 : index
    %get3A_1208 = tpu.vector_load %arg22[%get3A_1207] {strides = array<i32>} : memref<512xf32, #tpu.memory_space<vmem>>, vector<16xf32>,
    %get3A_1209 = vector.shape_cast %get3A_1208 : vector<16xf32> to vector<16xf32>
    %add3A_1210 = arith.addf %add3A_1206, %get3A_1209 : vector<16xf32>
    %get3A_1211 = arith.constant 368 : index
    %get3A_1212 = tpu.vector_load %arg24[%get3A_1211] {strides = array<i32>} : memref<512xf32, #tpu.memory_space<vmem>>, vector<16xf32>,
    %get3A_1213 = vector.shape_cast %get3A_1212 : vector<16xf32> to vector<16xf32>
    %add3A_1214 = arith.addf %add3A_1210, %get3A_1213 : vector<16xf32>
    %swap3A_1215 = arith.constant 368 : index
    %swap3A_1216 = tpu.vector_load %arg26[%swap3A_1215] {strides = array<i32>} : memref<512xf32, #tpu.memory_space<vmem>>, vector<16xf32>,
    %swap3A_1217 = vector.shape_cast %swap3A_1216 : vector<16xf32> to vector<16xf32>
    %swap3A_1218 = vector.shape_cast %add3A_1214 : vector<16xf32> to vector<16xf32>
    tpu.vector_store %arg26[%swap3A_1215], %swap3A_1218 {strides = array<i32>} : memref<512xf32, #tpu.memory_space<vmem>>, vector<16xf32>,
    %get3A_1219 = arith.constant 384 : index
    %get3A_1220 = tpu.vector_load %arg17[%get3A_1219] {strides = array<i32>} : memref<512xf32, #tpu.memory_space<vmem>>, vector<16xf32>,
    %get3A_1221 = vector.shape_cast %get3A_1220 : vector<16xf32> to vector<16xf32>
    %get3A_1222 = arith.constant 384 : index
    %get3A_1223 = tpu.vector_load %arg19[%get3A_1222] {strides = array<i32>} : memref<512xf32, #tpu.memory_space<vmem>>, vector<16xf32>,
    %get3A_1224 = vector.shape_cast %get3A_1223 : vector<16xf32> to vector<16xf32>
    %add3A_1225 = arith.addf %get3A_1221, %get3A_1224 : vector<16xf32>
    %get3A_1226 = arith.constant 384 : index
    %get3A_1227 = tpu.vector_load %arg21[%get3A_1226] {strides = array<i32>} : memref<512xf32, #tpu.memory_space<vmem>>, vector<16xf32>,
    %get3A_1228 = vector.shape_cast %get3A_1227 : vector<16xf32> to vector<16xf32>
    %add3A_1229 = arith.addf %add3A_1225, %get3A_1228 : vector<16xf32>
    %get3A_1230 = arith.constant 384 : index
    %get3A_1231 = tpu.vector_load %arg23[%get3A_1230] {strides = array<i32>} : memref<512xf32, #tpu.memory_space<vmem>>, vector<16xf32>,
    %get3A_1232 = vector.shape_cast %get3A_1231 : vector<16xf32> to vector<16xf32>
    %add3A_1233 = arith.addf %add3A_1229, %get3A_1232 : vector<16xf32>
    %swap3A_1234 = arith.constant 384 : index
    %swap3A_1235 = tpu.vector_load %arg25[%swap3A_1234] {strides = array<i32>} : memref<512xf32, #tpu.memory_space<vmem>>, vector<16xf32>,
    %swap3A_1236 = vector.shape_cast %swap3A_1235 : vector<16xf32> to vector<16xf32>
    %swap3A_1237 = vector.shape_cast %add3A_1233 : vector<16xf32> to vector<16xf32>
    tpu.vector_store %arg25[%swap3A_1234], %swap3A_1237 {strides = array<i32>} : memref<512xf32, #tpu.memory_space<vmem>>, vector<16xf32>,
    %get3A_1238 = arith.constant 384 : index
    %get3A_1239 = tpu.vector_load %arg18[%get3A_1238] {strides = array<i32>} : memref<512xf32, #tpu.memory_space<vmem>>, vector<16xf32>,
    %get3A_1240 = vector.shape_cast %get3A_1239 : vector<16xf32> to vector<16xf32>
    %get3A_1241 = arith.constant 384 : index
    %get3A_1242 = tpu.vector_load %arg20[%get3A_1241] {strides = array<i32>} : memref<512xf32, #tpu.memory_space<vmem>>, vector<16xf32>,
    %get3A_1243 = vector.shape_cast %get3A_1242 : vector<16xf32> to vector<16xf32>
    %add3A_1244 = arith.addf %get3A_1240, %get3A_1243 : vector<16xf32>
    %get3A_1245 = arith.constant 384 : index
    %get3A_1246 = tpu.vector_load %arg22[%get3A_1245] {strides = array<i32>} : memref<512xf32, #tpu.memory_space<vmem>>, vector<16xf32>,
    %get3A_1247 = vector.shape_cast %get3A_1246 : vector<16xf32> to vector<16xf32>
    %add3A_1248 = arith.addf %add3A_1244, %get3A_1247 : vector<16xf32>
    %get3A_1249 = arith.constant 384 : index
    %get3A_1250 = tpu.vector_load %arg24[%get3A_1249] {strides = array<i32>} : memref<512xf32, #tpu.memory_space<vmem>>, vector<16xf32>,
    %get3A_1251 = vector.shape_cast %get3A_1250 : vector<16xf32> to vector<16xf32>
    %add3A_1252 = arith.addf %add3A_1248, %get3A_1251 : vector<16xf32>
    %swap3A_1253 = arith.constant 384 : index
    %swap3A_1254 = tpu.vector_load %arg26[%swap3A_1253] {strides = array<i32>} : memref<512xf32, #tpu.memory_space<vmem>>, vector<16xf32>,
    %swap3A_1255 = vector.shape_cast %swap3A_1254 : vector<16xf32> to vector<16xf32>
    %swap3A_1256 = vector.shape_cast %add3A_1252 : vector<16xf32> to vector<16xf32>
    tpu.vector_store %arg26[%swap3A_1253], %swap3A_1256 {strides = array<i32>} : memref<512xf32, #tpu.memory_space<vmem>>, vector<16xf32>,
    %get3A_1257 = arith.constant 400 : index
    %get3A_1258 = tpu.vector_load %arg17[%get3A_1257] {strides = array<i32>} : memref<512xf32, #tpu.memory_space<vmem>>, vector<16xf32>,
    %get3A_1259 = vector.shape_cast %get3A_1258 : vector<16xf32> to vector<16xf32>
    %get3A_1260 = arith.constant 400 : index
    %get3A_1261 = tpu.vector_load %arg19[%get3A_1260] {strides = array<i32>} : memref<512xf32, #tpu.memory_space<vmem>>, vector<16xf32>,
    %get3A_1262 = vector.shape_cast %get3A_1261 : vector<16xf32> to vector<16xf32>
    %add3A_1263 = arith.addf %get3A_1259, %get3A_1262 : vector<16xf32>
    %get3A_1264 = arith.constant 400 : index
    %get3A_1265 = tpu.vector_load %arg21[%get3A_1264] {strides = array<i32>} : memref<512xf32, #tpu.memory_space<vmem>>, vector<16xf32>,
    %get3A_1266 = vector.shape_cast %get3A_1265 : vector<16xf32> to vector<16xf32>
    %add3A_1267 = arith.addf %add3A_1263, %get3A_1266 : vector<16xf32>
    %get3A_1268 = arith.constant 400 : index
    %get3A_1269 = tpu.vector_load %arg23[%get3A_1268] {strides = array<i32>} : memref<512xf32, #tpu.memory_space<vmem>>, vector<16xf32>,
    %get3A_1270 = vector.shape_cast %get3A_1269 : vector<16xf32> to vector<16xf32>
    %add3A_1271 = arith.addf %add3A_1267, %get3A_1270 : vector<16xf32>
    %swap3A_1272 = arith.constant 400 : index
    %swap3A_1273 = tpu.vector_load %arg25[%swap3A_1272] {strides = array<i32>} : memref<512xf32, #tpu.memory_space<vmem>>, vector<16xf32>,
    %swap3A_1274 = vector.shape_cast %swap3A_1273 : vector<16xf32> to vector<16xf32>
    %swap3A_1275 = vector.shape_cast %add3A_1271 : vector<16xf32> to vector<16xf32>
    tpu.vector_store %arg25[%swap3A_1272], %swap3A_1275 {strides = array<i32>} : memref<512xf32, #tpu.memory_space<vmem>>, vector<16xf32>,
    %get3A_1276 = arith.constant 400 : index
    %get3A_1277 = tpu.vector_load %arg18[%get3A_1276] {strides = array<i32>} : memref<512xf32, #tpu.memory_space<vmem>>, vector<16xf32>,
    %get3A_1278 = vector.shape_cast %get3A_1277 : vector<16xf32> to vector<16xf32>
    %get3A_1279 = arith.constant 400 : index
    %get3A_1280 = tpu.vector_load %arg20[%get3A_1279] {strides = array<i32>} : memref<512xf32, #tpu.memory_space<vmem>>, vector<16xf32>,
    %get3A_1281 = vector.shape_cast %get3A_1280 : vector<16xf32> to vector<16xf32>
    %add3A_1282 = arith.addf %get3A_1278, %get3A_1281 : vector<16xf32>
    %get3A_1283 = arith.constant 400 : index
    %get3A_1284 = tpu.vector_load %arg22[%get3A_1283] {strides = array<i32>} : memref<512xf32, #tpu.memory_space<vmem>>, vector<16xf32>,
    %get3A_1285 = vector.shape_cast %get3A_1284 : vector<16xf32> to vector<16xf32>
    %add3A_1286 = arith.addf %add3A_1282, %get3A_1285 : vector<16xf32>
    %get3A_1287 = arith.constant 400 : index
    %get3A_1288 = tpu.vector_load %arg24[%get3A_1287] {strides = array<i32>} : memref<512xf32, #tpu.memory_space<vmem>>, vector<16xf32>,
    %get3A_1289 = vector.shape_cast %get3A_1288 : vector<16xf32> to vector<16xf32>
    %add3A_1290 = arith.addf %add3A_1286, %get3A_1289 : vector<16xf32>
    %swap3A_1291 = arith.constant 400 : index
    %swap3A_1292 = tpu.vector_load %arg26[%swap3A_1291] {strides = array<i32>} : memref<512xf32, #tpu.memory_space<vmem>>, vector<16xf32>,
    %swap3A_1293 = vector.shape_cast %swap3A_1292 : vector<16xf32> to vector<16xf32>
    %swap3A_1294 = vector.shape_cast %add3A_1290 : vector<16xf32> to vector<16xf32>
    tpu.vector_store %arg26[%swap3A_1291], %swap3A_1294 {strides = array<i32>} : memref<512xf32, #tpu.memory_space<vmem>>, vector<16xf32>,
    %get3A_1295 = arith.constant 416 : index
    %get3A_1296 = tpu.vector_load %arg17[%get3A_1295] {strides = array<i32>} : memref<512xf32, #tpu.memory_space<vmem>>, vector<16xf32>,
    %get3A_1297 = vector.shape_cast %get3A_1296 : vector<16xf32> to vector<16xf32>
    %get3A_1298 = arith.constant 416 : index
    %get3A_1299 = tpu.vector_load %arg19[%get3A_1298] {strides = array<i32>} : memref<512xf32, #tpu.memory_space<vmem>>, vector<16xf32>,
    %get3A_1300 = vector.shape_cast %get3A_1299 : vector<16xf32> to vector<16xf32>
    %add3A_1301 = arith.addf %get3A_1297, %get3A_1300 : vector<16xf32>
    %get3A_1302 = arith.constant 416 : index
    %get3A_1303 = tpu.vector_load %arg21[%get3A_1302] {strides = array<i32>} : memref<512xf32, #tpu.memory_space<vmem>>, vector<16xf32>,
    %get3A_1304 = vector.shape_cast %get3A_1303 : vector<16xf32> to vector<16xf32>
    %add3A_1305 = arith.addf %add3A_1301, %get3A_1304 : vector<16xf32>
    %get3A_1306 = arith.constant 416 : index
    %get3A_1307 = tpu.vector_load %arg23[%get3A_1306] {strides = array<i32>} : memref<512xf32, #tpu.memory_space<vmem>>, vector<16xf32>,
    %get3A_1308 = vector.shape_cast %get3A_1307 : vector<16xf32> to vector<16xf32>
    %add3A_1309 = arith.addf %add3A_1305, %get3A_1308 : vector<16xf32>
    %swap3A_1310 = arith.constant 416 : index
    %swap3A_1311 = tpu.vector_load %arg25[%swap3A_1310] {strides = array<i32>} : memref<512xf32, #tpu.memory_space<vmem>>, vector<16xf32>,
    %swap3A_1312 = vector.shape_cast %swap3A_1311 : vector<16xf32> to vector<16xf32>
    %swap3A_1313 = vector.shape_cast %add3A_1309 : vector<16xf32> to vector<16xf32>
    tpu.vector_store %arg25[%swap3A_1310], %swap3A_1313 {strides = array<i32>} : memref<512xf32, #tpu.memory_space<vmem>>, vector<16xf32>,
    %get3A_1314 = arith.constant 416 : index
    %get3A_1315 = tpu.vector_load %arg18[%get3A_1314] {strides = array<i32>} : memref<512xf32, #tpu.memory_space<vmem>>, vector<16xf32>,
    %get3A_1316 = vector.shape_cast %get3A_1315 : vector<16xf32> to vector<16xf32>
    %get3A_1317 = arith.constant 416 : index
    %get3A_1318 = tpu.vector_load %arg20[%get3A_1317] {strides = array<i32>} : memref<512xf32, #tpu.memory_space<vmem>>, vector<16xf32>,
    %get3A_1319 = vector.shape_cast %get3A_1318 : vector<16xf32> to vector<16xf32>
    %add3A_1320 = arith.addf %get3A_1316, %get3A_1319 : vector<16xf32>
    %get3A_1321 = arith.constant 416 : index
    %get3A_1322 = tpu.vector_load %arg22[%get3A_1321] {strides = array<i32>} : memref<512xf32, #tpu.memory_space<vmem>>, vector<16xf32>,
    %get3A_1323 = vector.shape_cast %get3A_1322 : vector<16xf32> to vector<16xf32>
    %add3A_1324 = arith.addf %add3A_1320, %get3A_1323 : vector<16xf32>
    %get3A_1325 = arith.constant 416 : index
    %get3A_1326 = tpu.vector_load %arg24[%get3A_1325] {strides = array<i32>} : memref<512xf32, #tpu.memory_space<vmem>>, vector<16xf32>,
    %get3A_1327 = vector.shape_cast %get3A_1326 : vector<16xf32> to vector<16xf32>
    %add3A_1328 = arith.addf %add3A_1324, %get3A_1327 : vector<16xf32>
    %swap3A_1329 = arith.constant 416 : index
    %swap3A_1330 = tpu.vector_load %arg26[%swap3A_1329] {strides = array<i32>} : memref<512xf32, #tpu.memory_space<vmem>>, vector<16xf32>,
    %swap3A_1331 = vector.shape_cast %swap3A_1330 : vector<16xf32> to vector<16xf32>
    %swap3A_1332 = vector.shape_cast %add3A_1328 : vector<16xf32> to vector<16xf32>
    tpu.vector_store %arg26[%swap3A_1329], %swap3A_1332 {strides = array<i32>} : memref<512xf32, #tpu.memory_space<vmem>>, vector<16xf32>,
    %get3A_1333 = arith.constant 432 : index
    %get3A_1334 = tpu.vector_load %arg17[%get3A_1333] {strides = array<i32>} : memref<512xf32, #tpu.memory_space<vmem>>, vector<16xf32>,
    %get3A_1335 = vector.shape_cast %get3A_1334 : vector<16xf32> to vector<16xf32>
    %get3A_1336 = arith.constant 432 : index
    %get3A_1337 = tpu.vector_load %arg19[%get3A_1336] {strides = array<i32>} : memref<512xf32, #tpu.memory_space<vmem>>, vector<16xf32>,
    %get3A_1338 = vector.shape_cast %get3A_1337 : vector<16xf32> to vector<16xf32>
    %add3A_1339 = arith.addf %get3A_1335, %get3A_1338 : vector<16xf32>
    %get3A_1340 = arith.constant 432 : index
    %get3A_1341 = tpu.vector_load %arg21[%get3A_1340] {strides = array<i32>} : memref<512xf32, #tpu.memory_space<vmem>>, vector<16xf32>,
    %get3A_1342 = vector.shape_cast %get3A_1341 : vector<16xf32> to vector<16xf32>
    %add3A_1343 = arith.addf %add3A_1339, %get3A_1342 : vector<16xf32>
    %get3A_1344 = arith.constant 432 : index
    %get3A_1345 = tpu.vector_load %arg23[%get3A_1344] {strides = array<i32>} : memref<512xf32, #tpu.memory_space<vmem>>, vector<16xf32>,
    %get3A_1346 = vector.shape_cast %get3A_1345 : vector<16xf32> to vector<16xf32>
    %add3A_1347 = arith.addf %add3A_1343, %get3A_1346 : vector<16xf32>
    %swap3A_1348 = arith.constant 432 : index
    %swap3A_1349 = tpu.vector_load %arg25[%swap3A_1348] {strides = array<i32>} : memref<512xf32, #tpu.memory_space<vmem>>, vector<16xf32>,
    %swap3A_1350 = vector.shape_cast %swap3A_1349 : vector<16xf32> to vector<16xf32>
    %swap3A_1351 = vector.shape_cast %add3A_1347 : vector<16xf32> to vector<16xf32>
    tpu.vector_store %arg25[%swap3A_1348], %swap3A_1351 {strides = array<i32>} : memref<512xf32, #tpu.memory_space<vmem>>, vector<16xf32>,
    %get3A_1352 = arith.constant 432 : index
    %get3A_1353 = tpu.vector_load %arg18[%get3A_1352] {strides = array<i32>} : memref<512xf32, #tpu.memory_space<vmem>>, vector<16xf32>,
    %get3A_1354 = vector.shape_cast %get3A_1353 : vector<16xf32> to vector<16xf32>
    %get3A_1355 = arith.constant 432 : index
    %get3A_1356 = tpu.vector_load %arg20[%get3A_1355] {strides = array<i32>} : memref<512xf32, #tpu.memory_space<vmem>>, vector<16xf32>,
    %get3A_1357 = vector.shape_cast %get3A_1356 : vector<16xf32> to vector<16xf32>
    %add3A_1358 = arith.addf %get3A_1354, %get3A_1357 : vector<16xf32>
    %get3A_1359 = arith.constant 432 : index
    %get3A_1360 = tpu.vector_load %arg22[%get3A_1359] {strides = array<i32>} : memref<512xf32, #tpu.memory_space<vmem>>, vector<16xf32>,
    %get3A_1361 = vector.shape_cast %get3A_1360 : vector<16xf32> to vector<16xf32>
    %add3A_1362 = arith.addf %add3A_1358, %get3A_1361 : vector<16xf32>
    %get3A_1363 = arith.constant 432 : index
    %get3A_1364 = tpu.vector_load %arg24[%get3A_1363] {strides = array<i32>} : memref<512xf32, #tpu.memory_space<vmem>>, vector<16xf32>,
    %get3A_1365 = vector.shape_cast %get3A_1364 : vector<16xf32> to vector<16xf32>
    %add3A_1366 = arith.addf %add3A_1362, %get3A_1365 : vector<16xf32>
    %swap3A_1367 = arith.constant 432 : index
    %swap3A_1368 = tpu.vector_load %arg26[%swap3A_1367] {strides = array<i32>} : memref<512xf32, #tpu.memory_space<vmem>>, vector<16xf32>,
    %swap3A_1369 = vector.shape_cast %swap3A_1368 : vector<16xf32> to vector<16xf32>
    %swap3A_1370 = vector.shape_cast %add3A_1366 : vector<16xf32> to vector<16xf32>
    tpu.vector_store %arg26[%swap3A_1367], %swap3A_1370 {strides = array<i32>} : memref<512xf32, #tpu.memory_space<vmem>>, vector<16xf32>,
    %get3A_1371 = arith.constant 448 : index
    %get3A_1372 = tpu.vector_load %arg17[%get3A_1371] {strides = array<i32>} : memref<512xf32, #tpu.memory_space<vmem>>, vector<16xf32>,
    %get3A_1373 = vector.shape_cast %get3A_1372 : vector<16xf32> to vector<16xf32>
    %get3A_1374 = arith.constant 448 : index
    %get3A_1375 = tpu.vector_load %arg19[%get3A_1374] {strides = array<i32>} : memref<512xf32, #tpu.memory_space<vmem>>, vector<16xf32>,
    %get3A_1376 = vector.shape_cast %get3A_1375 : vector<16xf32> to vector<16xf32>
    %add3A_1377 = arith.addf %get3A_1373, %get3A_1376 : vector<16xf32>
    %get3A_1378 = arith.constant 448 : index
    %get3A_1379 = tpu.vector_load %arg21[%get3A_1378] {strides = array<i32>} : memref<512xf32, #tpu.memory_space<vmem>>, vector<16xf32>,
    %get3A_1380 = vector.shape_cast %get3A_1379 : vector<16xf32> to vector<16xf32>
    %add3A_1381 = arith.addf %add3A_1377, %get3A_1380 : vector<16xf32>
    %get3A_1382 = arith.constant 448 : index
    %get3A_1383 = tpu.vector_load %arg23[%get3A_1382] {strides = array<i32>} : memref<512xf32, #tpu.memory_space<vmem>>, vector<16xf32>,
    %get3A_1384 = vector.shape_cast %get3A_1383 : vector<16xf32> to vector<16xf32>
    %add3A_1385 = arith.addf %add3A_1381, %get3A_1384 : vector<16xf32>
    %swap3A_1386 = arith.constant 448 : index
    %swap3A_1387 = tpu.vector_load %arg25[%swap3A_1386] {strides = array<i32>} : memref<512xf32, #tpu.memory_space<vmem>>, vector<16xf32>,
    %swap3A_1388 = vector.shape_cast %swap3A_1387 : vector<16xf32> to vector<16xf32>
    %swap3A_1389 = vector.shape_cast %add3A_1385 : vector<16xf32> to vector<16xf32>
    tpu.vector_store %arg25[%swap3A_1386], %swap3A_1389 {strides = array<i32>} : memref<512xf32, #tpu.memory_space<vmem>>, vector<16xf32>,
    %get3A_1390 = arith.constant 448 : index
    %get3A_1391 = tpu.vector_load %arg18[%get3A_1390] {strides = array<i32>} : memref<512xf32, #tpu.memory_space<vmem>>, vector<16xf32>,
    %get3A_1392 = vector.shape_cast %get3A_1391 : vector<16xf32> to vector<16xf32>
    %get3A_1393 = arith.constant 448 : index
    %get3A_1394 = tpu.vector_load %arg20[%get3A_1393] {strides = array<i32>} : memref<512xf32, #tpu.memory_space<vmem>>, vector<16xf32>,
    %get3A_1395 = vector.shape_cast %get3A_1394 : vector<16xf32> to vector<16xf32>
    %add3A_1396 = arith.addf %get3A_1392, %get3A_1395 : vector<16xf32>
    %get3A_1397 = arith.constant 448 : index
    %get3A_1398 = tpu.vector_load %arg22[%get3A_1397] {strides = array<i32>} : memref<512xf32, #tpu.memory_space<vmem>>, vector<16xf32>,
    %get3A_1399 = vector.shape_cast %get3A_1398 : vector<16xf32> to vector<16xf32>
    %add3A_1400 = arith.addf %add3A_1396, %get3A_1399 : vector<16xf32>
    %get3A_1401 = arith.constant 448 : index
    %get3A_1402 = tpu.vector_load %arg24[%get3A_1401] {strides = array<i32>} : memref<512xf32, #tpu.memory_space<vmem>>, vector<16xf32>,
    %get3A_1403 = vector.shape_cast %get3A_1402 : vector<16xf32> to vector<16xf32>
    %add3A_1404 = arith.addf %add3A_1400, %get3A_1403 : vector<16xf32>
    %swap3A_1405 = arith.constant 448 : index
    %swap3A_1406 = tpu.vector_load %arg26[%swap3A_1405] {strides = array<i32>} : memref<512xf32, #tpu.memory_space<vmem>>, vector<16xf32>,
    %swap3A_1407 = vector.shape_cast %swap3A_1406 : vector<16xf32> to vector<16xf32>
    %swap3A_1408 = vector.shape_cast %add3A_1404 : vector<16xf32> to vector<16xf32>
    tpu.vector_store %arg26[%swap3A_1405], %swap3A_1408 {strides = array<i32>} : memref<512xf32, #tpu.memory_space<vmem>>, vector<16xf32>,
    %get3A_1409 = arith.constant 464 : index
    %get3A_1410 = tpu.vector_load %arg17[%get3A_1409] {strides = array<i32>} : memref<512xf32, #tpu.memory_space<vmem>>, vector<16xf32>,
    %get3A_1411 = vector.shape_cast %get3A_1410 : vector<16xf32> to vector<16xf32>
    %get3A_1412 = arith.constant 464 : index
    %get3A_1413 = tpu.vector_load %arg19[%get3A_1412] {strides = array<i32>} : memref<512xf32, #tpu.memory_space<vmem>>, vector<16xf32>,
    %get3A_1414 = vector.shape_cast %get3A_1413 : vector<16xf32> to vector<16xf32>
    %add3A_1415 = arith.addf %get3A_1411, %get3A_1414 : vector<16xf32>
    %get3A_1416 = arith.constant 464 : index
    %get3A_1417 = tpu.vector_load %arg21[%get3A_1416] {strides = array<i32>} : memref<512xf32, #tpu.memory_space<vmem>>, vector<16xf32>,
    %get3A_1418 = vector.shape_cast %get3A_1417 : vector<16xf32> to vector<16xf32>
    %add3A_1419 = arith.addf %add3A_1415, %get3A_1418 : vector<16xf32>
    %get3A_1420 = arith.constant 464 : index
    %get3A_1421 = tpu.vector_load %arg23[%get3A_1420] {strides = array<i32>} : memref<512xf32, #tpu.memory_space<vmem>>, vector<16xf32>,
    %get3A_1422 = vector.shape_cast %get3A_1421 : vector<16xf32> to vector<16xf32>
    %add3A_1423 = arith.addf %add3A_1419, %get3A_1422 : vector<16xf32>
    %swap3A_1424 = arith.constant 464 : index
    %swap3A_1425 = tpu.vector_load %arg25[%swap3A_1424] {strides = array<i32>} : memref<512xf32, #tpu.memory_space<vmem>>, vector<16xf32>,
    %swap3A_1426 = vector.shape_cast %swap3A_1425 : vector<16xf32> to vector<16xf32>
    %swap3A_1427 = vector.shape_cast %add3A_1423 : vector<16xf32> to vector<16xf32>
    tpu.vector_store %arg25[%swap3A_1424], %swap3A_1427 {strides = array<i32>} : memref<512xf32, #tpu.memory_space<vmem>>, vector<16xf32>,
    %get3A_1428 = arith.constant 464 : index
    %get3A_1429 = tpu.vector_load %arg18[%get3A_1428] {strides = array<i32>} : memref<512xf32, #tpu.memory_space<vmem>>, vector<16xf32>,
    %get3A_1430 = vector.shape_cast %get3A_1429 : vector<16xf32> to vector<16xf32>
    %get3A_1431 = arith.constant 464 : index
    %get3A_1432 = tpu.vector_load %arg20[%get3A_1431] {strides = array<i32>} : memref<512xf32, #tpu.memory_space<vmem>>, vector<16xf32>,
    %get3A_1433 = vector.shape_cast %get3A_1432 : vector<16xf32> to vector<16xf32>
    %add3A_1434 = arith.addf %get3A_1430, %get3A_1433 : vector<16xf32>
    %get3A_1435 = arith.constant 464 : index
    %get3A_1436 = tpu.vector_load %arg22[%get3A_1435] {strides = array<i32>} : memref<512xf32, #tpu.memory_space<vmem>>, vector<16xf32>,
    %get3A_1437 = vector.shape_cast %get3A_1436 : vector<16xf32> to vector<16xf32>
    %add3A_1438 = arith.addf %add3A_1434, %get3A_1437 : vector<16xf32>
    %get3A_1439 = arith.constant 464 : index
    %get3A_1440 = tpu.vector_load %arg24[%get3A_1439] {strides = array<i32>} : memref<512xf32, #tpu.memory_space<vmem>>, vector<16xf32>,
    %get3A_1441 = vector.shape_cast %get3A_1440 : vector<16xf32> to vector<16xf32>
    %add3A_1442 = arith.addf %add3A_1438, %get3A_1441 : vector<16xf32>
    %swap3A_1443 = arith.constant 464 : index
    %swap3A_1444 = tpu.vector_load %arg26[%swap3A_1443] {strides = array<i32>} : memref<512xf32, #tpu.memory_space<vmem>>, vector<16xf32>,
    %swap3A_1445 = vector.shape_cast %swap3A_1444 : vector<16xf32> to vector<16xf32>
    %swap3A_1446 = vector.shape_cast %add3A_1442 : vector<16xf32> to vector<16xf32>
    tpu.vector_store %arg26[%swap3A_1443], %swap3A_1446 {strides = array<i32>} : memref<512xf32, #tpu.memory_space<vmem>>, vector<16xf32>,
    %get3A_1447 = arith.constant 480 : index
    %get3A_1448 = tpu.vector_load %arg17[%get3A_1447] {strides = array<i32>} : memref<512xf32, #tpu.memory_space<vmem>>, vector<16xf32>,
    %get3A_1449 = vector.shape_cast %get3A_1448 : vector<16xf32> to vector<16xf32>
    %get3A_1450 = arith.constant 480 : index
    %get3A_1451 = tpu.vector_load %arg19[%get3A_1450] {strides = array<i32>} : memref<512xf32, #tpu.memory_space<vmem>>, vector<16xf32>,
    %get3A_1452 = vector.shape_cast %get3A_1451 : vector<16xf32> to vector<16xf32>
    %add3A_1453 = arith.addf %get3A_1449, %get3A_1452 : vector<16xf32>
    %get3A_1454 = arith.constant 480 : index
    %get3A_1455 = tpu.vector_load %arg21[%get3A_1454] {strides = array<i32>} : memref<512xf32, #tpu.memory_space<vmem>>, vector<16xf32>,
    %get3A_1456 = vector.shape_cast %get3A_1455 : vector<16xf32> to vector<16xf32>
    %add3A_1457 = arith.addf %add3A_1453, %get3A_1456 : vector<16xf32>
    %get3A_1458 = arith.constant 480 : index
    %get3A_1459 = tpu.vector_load %arg23[%get3A_1458] {strides = array<i32>} : memref<512xf32, #tpu.memory_space<vmem>>, vector<16xf32>,
    %get3A_1460 = vector.shape_cast %get3A_1459 : vector<16xf32> to vector<16xf32>
    %add3A_1461 = arith.addf %add3A_1457, %get3A_1460 : vector<16xf32>
    %swap3A_1462 = arith.constant 480 : index
    %swap3A_1463 = tpu.vector_load %arg25[%swap3A_1462] {strides = array<i32>} : memref<512xf32, #tpu.memory_space<vmem>>, vector<16xf32>,
    %swap3A_1464 = vector.shape_cast %swap3A_1463 : vector<16xf32> to vector<16xf32>
    %swap3A_1465 = vector.shape_cast %add3A_1461 : vector<16xf32> to vector<16xf32>
    tpu.vector_store %arg25[%swap3A_1462], %swap3A_1465 {strides = array<i32>} : memref<512xf32, #tpu.memory_space<vmem>>, vector<16xf32>,
    %get3A_1466 = arith.constant 480 : index
    %get3A_1467 = tpu.vector_load %arg18[%get3A_1466] {strides = array<i32>} : memref<512xf32, #tpu.memory_space<vmem>>, vector<16xf32>,
    %get3A_1468 = vector.shape_cast %get3A_1467 : vector<16xf32> to vector<16xf32>
    %get3A_1469 = arith.constant 480 : index
    %get3A_1470 = tpu.vector_load %arg20[%get3A_1469] {strides = array<i32>} : memref<512xf32, #tpu.memory_space<vmem>>, vector<16xf32>,
    %get3A_1471 = vector.shape_cast %get3A_1470 : vector<16xf32> to vector<16xf32>
    %add3A_1472 = arith.addf %get3A_1468, %get3A_1471 : vector<16xf32>
    %get3A_1473 = arith.constant 480 : index
    %get3A_1474 = tpu.vector_load %arg22[%get3A_1473] {strides = array<i32>} : memref<512xf32, #tpu.memory_space<vmem>>, vector<16xf32>,
    %get3A_1475 = vector.shape_cast %get3A_1474 : vector<16xf32> to vector<16xf32>
    %add3A_1476 = arith.addf %add3A_1472, %get3A_1475 : vector<16xf32>
    %get3A_1477 = arith.constant 480 : index
    %get3A_1478 = tpu.vector_load %arg24[%get3A_1477] {strides = array<i32>} : memref<512xf32, #tpu.memory_space<vmem>>, vector<16xf32>,
    %get3A_1479 = vector.shape_cast %get3A_1478 : vector<16xf32> to vector<16xf32>
    %add3A_1480 = arith.addf %add3A_1476, %get3A_1479 : vector<16xf32>
    %swap3A_1481 = arith.constant 480 : index
    %swap3A_1482 = tpu.vector_load %arg26[%swap3A_1481] {strides = array<i32>} : memref<512xf32, #tpu.memory_space<vmem>>, vector<16xf32>,
    %swap3A_1483 = vector.shape_cast %swap3A_1482 : vector<16xf32> to vector<16xf32>
    %swap3A_1484 = vector.shape_cast %add3A_1480 : vector<16xf32> to vector<16xf32>
    tpu.vector_store %arg26[%swap3A_1481], %swap3A_1484 {strides = array<i32>} : memref<512xf32, #tpu.memory_space<vmem>>, vector<16xf32>,
    %get3A_1485 = arith.constant 496 : index
    %get3A_1486 = tpu.vector_load %arg17[%get3A_1485] {strides = array<i32>} : memref<512xf32, #tpu.memory_space<vmem>>, vector<16xf32>,
    %get3A_1487 = vector.shape_cast %get3A_1486 : vector<16xf32> to vector<16xf32>
    %get3A_1488 = arith.constant 496 : index
    %get3A_1489 = tpu.vector_load %arg19[%get3A_1488] {strides = array<i32>} : memref<512xf32, #tpu.memory_space<vmem>>, vector<16xf32>,
    %get3A_1490 = vector.shape_cast %get3A_1489 : vector<16xf32> to vector<16xf32>
    %add3A_1491 = arith.addf %get3A_1487, %get3A_1490 : vector<16xf32>
    %get3A_1492 = arith.constant 496 : index
    %get3A_1493 = tpu.vector_load %arg21[%get3A_1492] {strides = array<i32>} : memref<512xf32, #tpu.memory_space<vmem>>, vector<16xf32>,
    %get3A_1494 = vector.shape_cast %get3A_1493 : vector<16xf32> to vector<16xf32>
    %add3A_1495 = arith.addf %add3A_1491, %get3A_1494 : vector<16xf32>
    %get3A_1496 = arith.constant 496 : index
    %get3A_1497 = tpu.vector_load %arg23[%get3A_1496] {strides = array<i32>} : memref<512xf32, #tpu.memory_space<vmem>>, vector<16xf32>,
    %get3A_1498 = vector.shape_cast %get3A_1497 : vector<16xf32> to vector<16xf32>
    %add3A_1499 = arith.addf %add3A_1495, %get3A_1498 : vector<16xf32>
    %swap3A_1500 = arith.constant 496 : index
    %swap3A_1501 = tpu.vector_load %arg25[%swap3A_1500] {strides = array<i32>} : memref<512xf32, #tpu.memory_space<vmem>>, vector<16xf32>,
    %swap3A_1502 = vector.shape_cast %swap3A_1501 : vector<16xf32> to vector<16xf32>
    %swap3A_1503 = vector.shape_cast %add3A_1499 : vector<16xf32> to vector<16xf32>
    tpu.vector_store %arg25[%swap3A_1500], %swap3A_1503 {strides = array<i32>} : memref<512xf32, #tpu.memory_space<vmem>>, vector<16xf32>,
    %get3A_1504 = arith.constant 496 : index
    %get3A_1505 = tpu.vector_load %arg18[%get3A_1504] {strides = array<i32>} : memref<512xf32, #tpu.memory_space<vmem>>, vector<16xf32>,
    %get3A_1506 = vector.shape_cast %get3A_1505 : vector<16xf32> to vector<16xf32>
    %get3A_1507 = arith.constant 496 : index
    %get3A_1508 = tpu.vector_load %arg20[%get3A_1507] {strides = array<i32>} : memref<512xf32, #tpu.memory_space<vmem>>, vector<16xf32>,
    %get3A_1509 = vector.shape_cast %get3A_1508 : vector<16xf32> to vector<16xf32>
    %add3A_1510 = arith.addf %get3A_1506, %get3A_1509 : vector<16xf32>
    %get3A_1511 = arith.constant 496 : index
    %get3A_1512 = tpu.vector_load %arg22[%get3A_1511] {strides = array<i32>} : memref<512xf32, #tpu.memory_space<vmem>>, vector<16xf32>,
    %get3A_1513 = vector.shape_cast %get3A_1512 : vector<16xf32> to vector<16xf32>
    %add3A_1514 = arith.addf %add3A_1510, %get3A_1513 : vector<16xf32>
    %get3A_1515 = arith.constant 496 : index
    %get3A_1516 = tpu.vector_load %arg24[%get3A_1515] {strides = array<i32>} : memref<512xf32, #tpu.memory_space<vmem>>, vector<16xf32>,
    %get3A_1517 = vector.shape_cast %get3A_1516 : vector<16xf32> to vector<16xf32>
    %add3A_1518 = arith.addf %add3A_1514, %get3A_1517 : vector<16xf32>
    %swap3A_1519 = arith.constant 496 : index
    %swap3A_1520 = tpu.vector_load %arg26[%swap3A_1519] {strides = array<i32>} : memref<512xf32, #tpu.memory_space<vmem>>, vector<16xf32>,
    %swap3A_1521 = vector.shape_cast %swap3A_1520 : vector<16xf32> to vector<16xf32>
    %swap3A_1522 = vector.shape_cast %add3A_1518 : vector<16xf32> to vector<16xf32>
    tpu.vector_store %arg26[%swap3A_1519], %swap3A_1522 {strides = array<i32>} : memref<512xf32, #tpu.memory_space<vmem>>, vector<16xf32>,
    %dma_start3A_1523 = tpu.memref_slice %arg13[%mul3A_2] : memref<32768xf32, #tpu.memory_space<hbm>> -> memref<512xf32, #tpu.memory_space<hbm>>
    %dma_start3A_1524 = tpu.memref_slice %arg13[%mul3A_2] : memref<32768xf32, #tpu.memory_space<hbm>> -> memref<512xf32, #tpu.memory_space<hbm>>
    tpu.enqueue_dma source(%arg25 : memref<512xf32, #tpu.memory_space<vmem>>) target(%dma_start3A_1524 : memref<512xf32, #tpu.memory_space<hbm>>) target_semaphore(%arg27 : memref<!tpu.dma_semaphore, #tpu.memory_space<semaphore_mem>>)
    %add3A_1525 = arith.constant 16384 : i32
    %add3A_1526 = arith.addi %add3A_1525, %mul3A_2 : i32
    %dma_start3A_1527 = tpu.memref_slice %arg13[%add3A_1526] : memref<32768xf32, #tpu.memory_space<hbm>> -> memref<512xf32, #tpu.memory_space<hbm>>
    %dma_start3A_1528 = tpu.memref_slice %arg13[%add3A_1526] : memref<32768xf32, #tpu.memory_space<hbm>> -> memref<512xf32, #tpu.memory_space<hbm>>
    tpu.enqueue_dma source(%arg26 : memref<512xf32, #tpu.memory_space<vmem>>) target(%dma_start3A_1528 : memref<512xf32, #tpu.memory_space<hbm>>) target_semaphore(%arg27 : memref<!tpu.dma_semaphore, #tpu.memory_space<semaphore_mem>>)
    %dma_wait3A_1529 = tpu.memref_slice %arg13[%mul3A_2] : memref<32768xf32, #tpu.memory_space<hbm>> -> memref<512xf32, #tpu.memory_space<hbm>>
    %dma_wait3A_1530 = tpu.memref_slice %arg13[%mul3A_2] : memref<32768xf32, #tpu.memory_space<hbm>> -> memref<512xf32, #tpu.memory_space<hbm>>
    tpu.wait_dma2 semaphore(%arg27 : memref<!tpu.dma_semaphore, #tpu.memory_space<semaphore_mem>>) src(%arg25 : memref<512xf32, #tpu.memory_space<vmem>>) dst(%dma_wait3A_1530 : memref<512xf32, #tpu.memory_space<hbm>>)
    %dma_wait3A_1531 = tpu.memref_slice %arg13[%add3A_1526] : memref<32768xf32, #tpu.memory_space<hbm>> -> memref<512xf32, #tpu.memory_space<hbm>>
    %dma_wait3A_1532 = tpu.memref_slice %arg13[%add3A_1526] : memref<32768xf32, #tpu.memory_space<hbm>> -> memref<512xf32, #tpu.memory_space<hbm>>
    tpu.wait_dma2 semaphore(%arg27 : memref<!tpu.dma_semaphore, #tpu.memory_space<semaphore_mem>>) src(%arg26 : memref<512xf32, #tpu.memory_space<vmem>>) dst(%dma_wait3A_1532 : memref<512xf32, #tpu.memory_space<hbm>>)
    return
  }
}

module attributes {stable_mosaic.version = 14 : i64} {
  func.func @_fold_body(%arg0: i32, %arg1: memref<64x10240xf32, #tpu.memory_space<vmem>>, %arg2: memref<64x10240xf32, #tpu.memory_space<vmem>>, %arg3: memref<1x16384xf32, #tpu.memory_space<vmem>>, %arg4: memref<1x32xf32, #tpu.memory_space<vmem>>, %arg5: memref<1x32xf32, #tpu.memory_space<vmem>>, %arg6: memref<2x224xf32, #tpu.memory_space<vmem>>, %arg7: memref<1x2xf32, #tpu.memory_space<vmem>>, %arg8: memref<80x128xf32, #tpu.memory_space<vmem>>, %arg9: memref<80x128xf32, #tpu.memory_space<vmem>>, %arg10: memref<80x128xf32, #tpu.memory_space<vmem>>, %arg11: memref<80x128xf32, #tpu.memory_space<vmem>>, %arg12: memref<80x128xf32, #tpu.memory_space<vmem>>, %arg13: memref<80x128xf32, #tpu.memory_space<vmem>>, %arg14: memref<128x128xf32, #tpu.memory_space<vmem>>, %arg15: memref<128x128xf32, #tpu.memory_space<vmem>>) attributes {dimension_semantics = [#tpu.dimension_semantics<arbitrary>], iteration_bounds = array<i64: 10>, scalar_prefetch = 0 : i64, scratch_operands = 0 : i64, tpu.core_type = #tpu.core_type<tc>, window_params = [{transform_indices = @transform_0, window_bounds = array<i64: 64, 10240>}, {transform_indices = @transform_1, window_bounds = array<i64: 64, 10240>}, {pipeline_mode = #tpu.pipeline_mode<synchronous>, transform_indices = @transform_2, window_bounds = array<i64: 1, 16384>}, {pipeline_mode = #tpu.pipeline_mode<synchronous>, transform_indices = @transform_3, window_bounds = array<i64: 1, 32>}, {pipeline_mode = #tpu.pipeline_mode<synchronous>, transform_indices = @transform_4, window_bounds = array<i64: 1, 32>}, {pipeline_mode = #tpu.pipeline_mode<synchronous>, transform_indices = @transform_5, window_bounds = array<i64: 2, 224>}, {pipeline_mode = #tpu.pipeline_mode<synchronous>, transform_indices = @transform_6, window_bounds = array<i64: 1, 2>}, {transform_indices = @transform_7, window_bounds = array<i64: 80, 128>}, {transform_indices = @transform_8, window_bounds = array<i64: 80, 128>}, {transform_indices = @transform_9, window_bounds = array<i64: 80, 128>}, {transform_indices = @transform_10, window_bounds = array<i64: 80, 128>}, {pipeline_mode = #tpu.pipeline_mode<synchronous>, transform_indices = @transform_11, window_bounds = array<i64: 80, 128>}, {pipeline_mode = #tpu.pipeline_mode<synchronous>, transform_indices = @transform_12, window_bounds = array<i64: 80, 128>}, {pipeline_mode = #tpu.pipeline_mode<synchronous>, transform_indices = @transform_13, window_bounds = array<i64: 128, 128>}, {pipeline_mode = #tpu.pipeline_mode<synchronous>, transform_indices = @transform_14, window_bounds = array<i64: 128, 128>}]} {
    %broadcast_in_dim3A = arith.constant 0.000000e+00 : f32
    %broadcast_in_dim3A_0 = vector.broadcast %broadcast_in_dim3A : f32 to vector<4x64xf32>
    %get3A = arith.constant 0 : index
    %get3A_1 = arith.constant 0 : index
    %get3A_2 = vector.load %arg6[%get3A, %get3A_1] : memref<2x224xf32, #tpu.memory_space<vmem>>, vector<2x64xf32>
    %get3A_3 = arith.constant 0 : index
    %get3A_4 = arith.constant 64 : index
    %get3A_5 = vector.load %arg6[%get3A_3, %get3A_4] : memref<2x224xf32, #tpu.memory_space<vmem>>, vector<2x64xf32>
    %concatenate3A = tpu.concatenate %get3A_2, %get3A_5, %broadcast_in_dim3A_0 in 0 : vector<2x64xf32>, vector<2x64xf32>, vector<4x64xf32> -> vector<8x64xf32>
    %get3A_6 = arith.constant 0 : index
    %get3A_7 = arith.constant 0 : index
    %get3A_8 = vector.load %arg1[%get3A_6, %get3A_7] : memref<64x10240xf32, #tpu.memory_space<vmem>>, vector<64x10240xf32>
    %dot_general3A = arith.constant dense<0.000000e+00> : vector<8x10240xf32>
    %dot_general3A_9 = tpu.matmul %concatenate3A, %get3A_8, %dot_general3A {dimension_numbers = #tpu.dot_dimension_numbers<[1], [0], [0], [1], [0, 0, 1, 1], [], []>, transpose_lhs_hint = false} : vector<8x64xf32>, vector<64x10240xf32>, vector<8x10240xf32> -> vector<8x10240xf32>
    %slice3A = vector.extract_strided_slice %dot_general3A_9 {offsets = [0, 0], sizes = [1, 10240], strides = [1, 1]} : vector<8x10240xf32> to vector<1x10240xf32>
    %squeeze3A = vector.shape_cast %slice3A : vector<1x10240xf32> to vector<10240xf32>
    %reshape3A = vector.shape_cast %squeeze3A : vector<10240xf32> to vector<80x128xf32>
    %swap3A = arith.constant 0 : index
    %swap3A_10 = arith.constant 0 : index
    %swap3A_11 = vector.load %arg8[%swap3A, %swap3A_10] : memref<80x128xf32, #tpu.memory_space<vmem>>, vector<80x128xf32>
    tpu.vector_store %arg8[%swap3A, %swap3A_10], %reshape3A {strides = array<i32>} : memref<80x128xf32, #tpu.memory_space<vmem>>, vector<80x128xf32>,
    %slice3A_12 = vector.extract_strided_slice %dot_general3A_9 {offsets = [1, 0], sizes = [1, 10240], strides = [1, 1]} : vector<8x10240xf32> to vector<1x10240xf32>
    %squeeze3A_13 = vector.shape_cast %slice3A_12 : vector<1x10240xf32> to vector<10240xf32>
    %reshape3A_14 = vector.shape_cast %squeeze3A_13 : vector<10240xf32> to vector<80x128xf32>
    %swap3A_15 = arith.constant 0 : index
    %swap3A_16 = arith.constant 0 : index
    %swap3A_17 = vector.load %arg9[%swap3A_15, %swap3A_16] : memref<80x128xf32, #tpu.memory_space<vmem>>, vector<80x128xf32>
    tpu.vector_store %arg9[%swap3A_15, %swap3A_16], %reshape3A_14 {strides = array<i32>} : memref<80x128xf32, #tpu.memory_space<vmem>>, vector<80x128xf32>,
    %slice3A_18 = vector.extract_strided_slice %dot_general3A_9 {offsets = [2, 0], sizes = [1, 10240], strides = [1, 1]} : vector<8x10240xf32> to vector<1x10240xf32>
    %squeeze3A_19 = vector.shape_cast %slice3A_18 : vector<1x10240xf32> to vector<10240xf32>
    %reshape3A_20 = vector.shape_cast %squeeze3A_19 : vector<10240xf32> to vector<80x128xf32>
    %swap3A_21 = arith.constant 0 : index
    %swap3A_22 = arith.constant 0 : index
    %swap3A_23 = vector.load %arg10[%swap3A_21, %swap3A_22] : memref<80x128xf32, #tpu.memory_space<vmem>>, vector<80x128xf32>
    tpu.vector_store %arg10[%swap3A_21, %swap3A_22], %reshape3A_20 {strides = array<i32>} : memref<80x128xf32, #tpu.memory_space<vmem>>, vector<80x128xf32>,
    %slice3A_24 = vector.extract_strided_slice %dot_general3A_9 {offsets = [3, 0], sizes = [1, 10240], strides = [1, 1]} : vector<8x10240xf32> to vector<1x10240xf32>
    %squeeze3A_25 = vector.shape_cast %slice3A_24 : vector<1x10240xf32> to vector<10240xf32>
    %reshape3A_26 = vector.shape_cast %squeeze3A_25 : vector<10240xf32> to vector<80x128xf32>
    %swap3A_27 = arith.constant 0 : index
    %swap3A_28 = arith.constant 0 : index
    %swap3A_29 = vector.load %arg11[%swap3A_27, %swap3A_28] : memref<80x128xf32, #tpu.memory_space<vmem>>, vector<80x128xf32>
    tpu.vector_store %arg11[%swap3A_27, %swap3A_28], %reshape3A_26 {strides = array<i32>} : memref<80x128xf32, #tpu.memory_space<vmem>>, vector<80x128xf32>,
    %eq3A = arith.constant 0 : i32
    %eq3A_30 = arith.cmpi eq, %arg0, %eq3A : i32
    %convert_element_type3A = arith.extui %eq3A_30 : i1 to i32
    %cond3A = arith.constant 0 : i32
    %cond3A_31 = arith.cmpi ne, %convert_element_type3A, %cond3A : i32
    scf.if %cond3A_31 {
      %broadcast_in_dim3A_32 = arith.constant 0.000000e+00 : f32
      %broadcast_in_dim3A_33 = vector.broadcast %broadcast_in_dim3A_32 : f32 to vector<6x64xf32>
      %get3A_34 = arith.constant 0 : index
      %get3A_35 = arith.constant 128 : index
      %get3A_36 = vector.load %arg6[%get3A_34, %get3A_35] : memref<2x224xf32, #tpu.memory_space<vmem>>, vector<2x64xf32>
      %concatenate3A_37 = tpu.concatenate %get3A_36, %broadcast_in_dim3A_33 in 0 : vector<2x64xf32>, vector<6x64xf32> -> vector<8x64xf32>
      %get3A_38 = arith.constant 0 : index
      %get3A_39 = arith.constant 0 : index
      %get3A_40 = vector.load %arg2[%get3A_38, %get3A_39] : memref<64x10240xf32, #tpu.memory_space<vmem>>, vector<64x10240xf32>
      %dot_general3A_41 = arith.constant dense<0.000000e+00> : vector<8x10240xf32>
      %dot_general3A_42 = tpu.matmul %concatenate3A_37, %get3A_40, %dot_general3A_41 {dimension_numbers = #tpu.dot_dimension_numbers<[1], [0], [0], [1], [0, 0, 1, 1], [], []>, transpose_lhs_hint = false} : vector<8x64xf32>, vector<64x10240xf32>, vector<8x10240xf32> -> vector<8x10240xf32>
      %slice3A_43 = vector.extract_strided_slice %dot_general3A_42 {offsets = [0, 0], sizes = [1, 10240], strides = [1, 1]} : vector<8x10240xf32> to vector<1x10240xf32>
      %squeeze3A_44 = vector.shape_cast %slice3A_43 : vector<1x10240xf32> to vector<10240xf32>
      %reshape3A_45 = vector.shape_cast %squeeze3A_44 : vector<10240xf32> to vector<80x128xf32>
      %swap3A_46 = arith.constant 0 : index
      %swap3A_47 = arith.constant 0 : index
      %swap3A_48 = vector.load %arg12[%swap3A_46, %swap3A_47] : memref<80x128xf32, #tpu.memory_space<vmem>>, vector<80x128xf32>
      tpu.vector_store %arg12[%swap3A_46, %swap3A_47], %reshape3A_45 {strides = array<i32>} : memref<80x128xf32, #tpu.memory_space<vmem>>, vector<80x128xf32>,
      %slice3A_49 = vector.extract_strided_slice %dot_general3A_42 {offsets = [1, 0], sizes = [1, 10240], strides = [1, 1]} : vector<8x10240xf32> to vector<1x10240xf32>
      %squeeze3A_50 = vector.shape_cast %slice3A_49 : vector<1x10240xf32> to vector<10240xf32>
      %reshape3A_51 = vector.shape_cast %squeeze3A_50 : vector<10240xf32> to vector<80x128xf32>
      %swap3A_52 = arith.constant 0 : index
      %swap3A_53 = arith.constant 0 : index
      %swap3A_54 = vector.load %arg13[%swap3A_52, %swap3A_53] : memref<80x128xf32, #tpu.memory_space<vmem>>, vector<80x128xf32>
      tpu.vector_store %arg13[%swap3A_52, %swap3A_53], %reshape3A_51 {strides = array<i32>} : memref<80x128xf32, #tpu.memory_space<vmem>>, vector<80x128xf32>,
      %get3A_55 = arith.constant 0 : index
      %get3A_56 = arith.constant 0 : index
      %get3A_57 = vector.load %arg4[%get3A_55, %get3A_56] : memref<1x32xf32, #tpu.memory_space<vmem>>, vector<1x32xf32>
      %transpose3A = tpu.transpose %get3A_57, [1, 0] : vector<1x32xf32> -> vector<32x1xf32>
      %get3A_58 = arith.constant 0 : index
      %get3A_59 = arith.constant 0 : index
      %get3A_60 = vector.load %arg3[%get3A_58, %get3A_59] : memref<1x16384xf32, #tpu.memory_space<vmem>>, vector<1x16384xf32>
      %mul3A = vector.broadcast %transpose3A : vector<32x1xf32> to vector<32x16384xf32>
      %mul3A_61 = vector.broadcast %get3A_60 : vector<1x16384xf32> to vector<32x16384xf32>
      %mul3A_62 = arith.mulf %mul3A, %mul3A_61 : vector<32x16384xf32>
      %get3A_63 = arith.constant 0 : index
      %get3A_64 = arith.constant 0 : index
      %get3A_65 = vector.load %arg5[%get3A_63, %get3A_64] : memref<1x32xf32, #tpu.memory_space<vmem>>, vector<1x32xf32>
      %transpose3A_66 = tpu.transpose %get3A_65, [1, 0] : vector<1x32xf32> -> vector<32x1xf32>
      %add3A = vector.broadcast %transpose3A_66 : vector<32x1xf32> to vector<32x16384xf32>
      %add3A_67 = arith.addf %mul3A_62, %add3A : vector<32x16384xf32>
      %mul3A_68 = arith.constant 0.318309873 : f32
      %mul3A_69 = vector.broadcast %mul3A_68 : f32 to vector<32x16384xf32>
      %mul3A_70 = arith.mulf %add3A_67, %mul3A_69 : vector<32x16384xf32>
      %add3A_71 = arith.constant 5.000000e-01 : f32
      %add3A_72 = vector.broadcast %add3A_71 : f32 to vector<32x16384xf32>
      %add3A_73 = arith.addf %mul3A_70, %add3A_72 : vector<32x16384xf32>
      %floor3A = math.floor %add3A_73 : vector<32x16384xf32>
      %mul3A_74 = arith.constant 3.14159274 : f32
      %mul3A_75 = vector.broadcast %mul3A_74 : f32 to vector<32x16384xf32>
      %mul3A_76 = arith.mulf %floor3A, %mul3A_75 : vector<32x16384xf32>
      %sub3A = arith.subf %add3A_67, %mul3A_76 : vector<32x16384xf32>
      %mul3A_77 = arith.constant -8.74227765E-8 : f32
      %mul3A_78 = vector.broadcast %mul3A_77 : f32 to vector<32x16384xf32>
      %mul3A_79 = arith.mulf %floor3A, %mul3A_78 : vector<32x16384xf32>
      %sub3A_80 = arith.subf %sub3A, %mul3A_79 : vector<32x16384xf32>
      %mul3A_81 = arith.mulf %sub3A_80, %sub3A_80 : vector<32x16384xf32>
      %broadcast_in_dim3A_82 = arith.constant 1.99075445E-9 : f32
      %broadcast_in_dim3A_83 = vector.broadcast %broadcast_in_dim3A_82 : f32 to vector<32x16384xf32>
      %mul3A_84 = arith.mulf %broadcast_in_dim3A_83, %mul3A_81 : vector<32x16384xf32>
      %add3A_85 = arith.constant -2.75244474E-7 : f32
      %add3A_86 = vector.broadcast %add3A_85 : f32 to vector<32x16384xf32>
      %add3A_87 = arith.addf %mul3A_84, %add3A_86 : vector<32x16384xf32>
      %mul3A_88 = arith.mulf %add3A_87, %mul3A_81 : vector<32x16384xf32>
      %add3A_89 = arith.constant 2.48010256E-5 : f32
      %add3A_90 = vector.broadcast %add3A_89 : f32 to vector<32x16384xf32>
      %add3A_91 = arith.addf %mul3A_88, %add3A_90 : vector<32x16384xf32>
      %mul3A_92 = arith.mulf %add3A_91, %mul3A_81 : vector<32x16384xf32>
      %add3A_93 = arith.constant -0.00138888834 : f32
      %add3A_94 = vector.broadcast %add3A_93 : f32 to vector<32x16384xf32>
      %add3A_95 = arith.addf %mul3A_92, %add3A_94 : vector<32x16384xf32>
      %mul3A_96 = arith.mulf %add3A_95, %mul3A_81 : vector<32x16384xf32>
      %add3A_97 = arith.constant 0.0416666679 : f32
      %add3A_98 = vector.broadcast %add3A_97 : f32 to vector<32x16384xf32>
      %add3A_99 = arith.addf %mul3A_96, %add3A_98 : vector<32x16384xf32>
      %mul3A_100 = arith.mulf %add3A_99, %mul3A_81 : vector<32x16384xf32>
      %add3A_101 = arith.constant -5.000000e-01 : f32
      %add3A_102 = vector.broadcast %add3A_101 : f32 to vector<32x16384xf32>
      %add3A_103 = arith.addf %mul3A_100, %add3A_102 : vector<32x16384xf32>
      %mul3A_104 = arith.mulf %add3A_103, %mul3A_81 : vector<32x16384xf32>
      %add3A_105 = arith.constant 1.000000e+00 : f32
      %add3A_106 = vector.broadcast %add3A_105 : f32 to vector<32x16384xf32>
      %add3A_107 = arith.addf %mul3A_104, %add3A_106 : vector<32x16384xf32>
      %convert_element_type3A_108 = arith.fptosi %floor3A : vector<32x16384xf32> to vector<32x16384xi32>
      %and3A = arith.constant 1 : i32
      %and3A_109 = vector.broadcast %and3A : i32 to vector<32x16384xi32>
      %and3A_110 = arith.andi %convert_element_type3A_108, %and3A_109 : vector<32x16384xi32>
      %eq3A_111 = arith.constant 0 : i32
      %eq3A_112 = vector.broadcast %eq3A_111 : i32 to vector<32x16384xi32>
      %eq3A_113 = arith.cmpi eq, %and3A_110, %eq3A_112 : vector<32x16384xi32>
      %neg3A = arith.constant 0.000000e+00 : f32
      %neg3A_114 = vector.broadcast %neg3A : f32 to vector<32x16384xf32>
      %neg3A_115 = arith.subf %neg3A_114, %add3A_107 : vector<32x16384xf32>
      %select_n3A = arith.select %eq3A_113, %add3A_107, %neg3A_115 : vector<32x16384xi1>, vector<32x16384xf32>
      %broadcast_in_dim3A_116 = arith.constant 0.000000e+00 : f32
      %broadcast_in_dim3A_117 = vector.broadcast %broadcast_in_dim3A_116 : f32 to vector<6x32xf32>
      %get3A_118 = arith.constant 0 : index
      %get3A_119 = arith.constant 192 : index
      %get3A_120 = vector.load %arg6[%get3A_118, %get3A_119] : memref<2x224xf32, #tpu.memory_space<vmem>>, vector<2x32xf32>
      %concatenate3A_121 = tpu.concatenate %get3A_120, %broadcast_in_dim3A_117 in 0 : vector<2x32xf32>, vector<6x32xf32> -> vector<8x32xf32>
      %get3A_122 = arith.constant 0 : index
      %get3A_123 = arith.constant 0 : index
      %get3A_124 = vector.load %arg7[%get3A_122, %get3A_123] : memref<1x2xf32, #tpu.memory_space<vmem>>, vector<1x2xf32>
      %transpose3A_125 = tpu.transpose %get3A_124, [1, 0] : vector<1x2xf32> -> vector<2x1xf32>
      %broadcast_in_dim3A_126 = arith.constant 0.000000e+00 : f32
      %broadcast_in_dim3A_127 = vector.broadcast %broadcast_in_dim3A_126 : f32 to vector<6x1xf32>
      %concatenate3A_128 = tpu.concatenate %transpose3A_125, %broadcast_in_dim3A_127 in 0 : vector<2x1xf32>, vector<6x1xf32> -> vector<8x1xf32>
      %dot_general3A_129 = arith.constant dense<0.000000e+00> : vector<8x16384xf32>
      %dot_general3A_130 = tpu.matmul %concatenate3A_121, %select_n3A, %dot_general3A_129 {dimension_numbers = #tpu.dot_dimension_numbers<[1], [0], [0], [1], [0, 0, 1, 1], [], []>, transpose_lhs_hint = false} : vector<8x32xf32>, vector<32x16384xf32>, vector<8x16384xf32> -> vector<8x16384xf32>
      %add3A_131 = vector.broadcast %concatenate3A_128 : vector<8x1xf32> to vector<8x16384xf32>
      %add3A_132 = arith.addf %dot_general3A_130, %add3A_131 : vector<8x16384xf32>
      %slice3A_133 = vector.extract_strided_slice %add3A_132 {offsets = [0, 0], sizes = [1, 16384], strides = [1, 1]} : vector<8x16384xf32> to vector<1x16384xf32>
      %squeeze3A_134 = vector.shape_cast %slice3A_133 : vector<1x16384xf32> to vector<16384xf32>
      %reshape3A_135 = vector.shape_cast %squeeze3A_134 : vector<16384xf32> to vector<128x128xf32>
      %swap3A_136 = arith.constant 0 : index
      %swap3A_137 = arith.constant 0 : index
      %swap3A_138 = vector.load %arg14[%swap3A_136, %swap3A_137] : memref<128x128xf32, #tpu.memory_space<vmem>>, vector<128x128xf32>
      tpu.vector_store %arg14[%swap3A_136, %swap3A_137], %reshape3A_135 {strides = array<i32>} : memref<128x128xf32, #tpu.memory_space<vmem>>, vector<128x128xf32>,
      %slice3A_139 = vector.extract_strided_slice %add3A_132 {offsets = [1, 0], sizes = [1, 16384], strides = [1, 1]} : vector<8x16384xf32> to vector<1x16384xf32>
      %squeeze3A_140 = vector.shape_cast %slice3A_139 : vector<1x16384xf32> to vector<16384xf32>
      %reshape3A_141 = vector.shape_cast %squeeze3A_140 : vector<16384xf32> to vector<128x128xf32>
      %swap3A_142 = arith.constant 0 : index
      %swap3A_143 = arith.constant 0 : index
      %swap3A_144 = vector.load %arg15[%swap3A_142, %swap3A_143] : memref<128x128xf32, #tpu.memory_space<vmem>>, vector<128x128xf32>
      tpu.vector_store %arg15[%swap3A_142, %swap3A_143], %reshape3A_141 {strides = array<i32>} : memref<128x128xf32, #tpu.memory_space<vmem>>, vector<128x128xf32>,
    } else {
    }
    return
  }
  func.func @transform_0(%arg0: i32) -> (i32, i32) {
    %c0_i32 = arith.constant 0 : i32
    %c0_i32_0 = arith.constant 0 : i32
    return %c0_i32, %arg0 : i32, i32
  }
  func.func @transform_1(%arg0: i32) -> (i32, i32) {
    %c0_i32 = arith.constant 0 : i32
    %c0_i32_0 = arith.constant 0 : i32
    %c0_i32_1 = arith.constant 0 : i32
    return %c0_i32, %c0_i32_0 : i32, i32
  }
  func.func @transform_2(%arg0: i32) -> (i32, i32) {
    %c0_i32 = arith.constant 0 : i32
    %c0_i32_0 = arith.constant 0 : i32
    %c0_i32_1 = arith.constant 0 : i32
    return %c0_i32, %c0_i32_0 : i32, i32
  }
  func.func @transform_3(%arg0: i32) -> (i32, i32) {
    %c0_i32 = arith.constant 0 : i32
    %c0_i32_0 = arith.constant 0 : i32
    %c0_i32_1 = arith.constant 0 : i32
    return %c0_i32, %c0_i32_0 : i32, i32
  }
  func.func @transform_4(%arg0: i32) -> (i32, i32) {
    %c0_i32 = arith.constant 0 : i32
    %c0_i32_0 = arith.constant 0 : i32
    %c0_i32_1 = arith.constant 0 : i32
    return %c0_i32, %c0_i32_0 : i32, i32
  }
  func.func @transform_5(%arg0: i32) -> (i32, i32) {
    %c0_i32 = arith.constant 0 : i32
    %c0_i32_0 = arith.constant 0 : i32
    %c0_i32_1 = arith.constant 0 : i32
    return %c0_i32, %c0_i32_0 : i32, i32
  }
  func.func @transform_6(%arg0: i32) -> (i32, i32) {
    %c0_i32 = arith.constant 0 : i32
    %c0_i32_0 = arith.constant 0 : i32
    %c0_i32_1 = arith.constant 0 : i32
    return %c0_i32, %c0_i32_0 : i32, i32
  }
  func.func @transform_7(%arg0: i32) -> (i32, i32) {
    %c0_i32 = arith.constant 0 : i32
    %c0_i32_0 = arith.constant 0 : i32
    return %arg0, %c0_i32 : i32, i32
  }
  func.func @transform_8(%arg0: i32) -> (i32, i32) {
    %c0_i32 = arith.constant 0 : i32
    %c0_i32_0 = arith.constant 0 : i32
    return %arg0, %c0_i32 : i32, i32
  }
  func.func @transform_9(%arg0: i32) -> (i32, i32) {
    %c0_i32 = arith.constant 0 : i32
    %c0_i32_0 = arith.constant 0 : i32
    return %arg0, %c0_i32 : i32, i32
  }
  func.func @transform_10(%arg0: i32) -> (i32, i32) {
    %c0_i32 = arith.constant 0 : i32
    %c0_i32_0 = arith.constant 0 : i32
    return %arg0, %c0_i32 : i32, i32
  }
  func.func @transform_11(%arg0: i32) -> (i32, i32) {
    %c0_i32 = arith.constant 0 : i32
    %c0_i32_0 = arith.constant 0 : i32
    %c0_i32_1 = arith.constant 0 : i32
    return %c0_i32, %c0_i32_0 : i32, i32
  }
  func.func @transform_12(%arg0: i32) -> (i32, i32) {
    %c0_i32 = arith.constant 0 : i32
    %c0_i32_0 = arith.constant 0 : i32
    %c0_i32_1 = arith.constant 0 : i32
    return %c0_i32, %c0_i32_0 : i32, i32
  }
  func.func @transform_13(%arg0: i32) -> (i32, i32) {
    %c0_i32 = arith.constant 0 : i32
    %c0_i32_0 = arith.constant 0 : i32
    %c0_i32_1 = arith.constant 0 : i32
    return %c0_i32, %c0_i32_0 : i32, i32
  }
  func.func @transform_14(%arg0: i32) -> (i32, i32) {
    %c0_i32 = arith.constant 0 : i32
    %c0_i32_0 = arith.constant 0 : i32
    %c0_i32_1 = arith.constant 0 : i32
    return %c0_i32, %c0_i32_0 : i32, i32
  }
}

</mosaic_0001>

<sc_bundles>
// kernel: kernel.4.cloned.1.call-start
scs
__scs_entry_jumppad:
0x0: {  	(pc) =	sbr.rel $0x88, $3  }
0x1: {  	(tag) =	ssettag $0x0;
	lr =	simm.s32 $0x1  }
0x2: {  	[smem:$0x3F97] =	sst lr;
	_ =	strace $0xD0000000  }
0x3: {  	_ = 	snop  }
0x4: {  	_ = 	snop  }
0x5: {  	_ = 	snop  }
0x6: {  	_ = 	snop  }
0x7: {  	_ = 	snop  }
__scs_overlays_trampoline_lowered:
0x8: {  	[smem:$0x3FA6] =	sst s0  }
0x9: {  	[smem:$0x3FA7] =	sst s1  }
0xa: {  	[smem:$0x3FA8] =	sst s2  }
0xb: {  	[smem:$0x3FA9] =	sst s3  }
0xc: {  	[smem:$0x3FAA] =	sst s4  }
0xd: {  	[smem:$0x3FAB] =	sst s5  }
0xe: {  	[smem:$0x3FAC] =	sst s6  }
0xf: {  	[smem:$0x3FAD] =	sst s7  }
0x10: {  	[smem:$0x3FAE] =	sst s8  }
0x11: {  	[smem:$0x3FAF] =	sst s9;
	s0 =	simm.s32 @!p0 $0x0  }
0x12: {  	s1 =	sld [smem:$0x3F95];
	s0 =	simm.s32 @p0 $0x1  }
0x13: {  	[smem:$0x3FB0] =	sst s0;
	s0 =	simm.s32 @!p1 $0x0  }
0x14: {  	s2 =	sld [smem:$0x3F94];
	s0 =	simm.s32 @p1 $0x1  }
0x15: {  	[smem:$0x3FB1] =	sst s0;
	s0 =	simm.s32 @!p2 $0x0  }
0x16: {  	s3 =	sld [smem:$0x3FDB];
	s0 =	simm.s32 @p2 $0x1  }
0x17: {  	s4 =	simm.s32 $0x1BF5;
	[smem:$0x3FB3] =	sst s0  }
0x18: {  	s0 =	sld [smem:$0x3F96];
	_ =	swait.ge [sflag:s4], $0x0  }
0x19: {  	s7 =	sld [smem:$0x3F97]  }
0x1a: {  	s8 =	sadd.s32 $0xFFFFE003, lr  }
0x1b: {  	s9 =	sadd.s32 $0xFFFFFEF7, lr;
	s5 =	simm.s32 $0xFFFFFFFF;
	p2 =	slt.u32 s8, $0xFFFFF086  }
0x1c: {  	p1 =	slt.u32 s9, $0xF7A;
	s5 =	simm.s32 @!p2 $0x0  }
0x1d: {  	s5 =	simm.s32 @p1 $0x1;
	p0 =	seq.s32 s7, s2  }
0x1e: {  	s7 =	smul.u32 @!p0 $0xF7A, s2;
	p2 =	seq.s32 @!p0 s5, $0x0  }
0x1f: {  	s9 =	smul.u32 $0xF7A, s1;
	s8 =	simm.s32 @!p0 $0x1BF5;
	p2 =	por !p2, p0  }
0x20: {  	[sflag:s8] =	ssyncset.s32 @!p0 $0xFFFFF086;
	s6 =	sadd.s32 @!p0 s3, s7;
	s7 =	simm.s32 @!p0 $0x108  }
0x21: {  	s3 =	sadd.s32 s3, s9;
	s6 =	sadd.s32 @!p0 $0x88, s6;
	s7 =	simm.s32 @p2 $0x1082  }
0x22: {  	[simem:s7], [sflag:s8] =	dma.local @!p0 [hbm:s6], $0xF7A  }
0x23: {  	s9 =	sor.u32 $0xD0000000, s2;
	s6 =	simm.s32 $0x108;
	_ =	swait.ge @!p0 [sflag:s8], $0x0  }
0x24: {  	s3 =	sadd.s32 $0x88, s3;
	s6 =	simm.s32 @!p1 $0x1082;
	[sflag:s4] =	ssyncset.s32 $0xFFFFF086  }
0x25: {  	[simem:s6], [sflag:s4] =	dma.local [hbm:s3], $0xF7A  }
0x26: {  	[smem:$0x3F97] =	sst s1;
	(tag) =	ssettag s2;
	_ =	strace s9  }
0x27: {  	s1 =	sld [smem:$0x3FA7]  }
0x28: {  	s2 =	sld [smem:$0x3FA8]  }
0x29: {  	s4 =	sld [smem:$0x3FAA]  }
0x2a: {  	p0 =	seq.s32 s5, $0x0;
	s5 =	sld [smem:$0x3FAB]  }
0x2b: {  	s6 =	sld [smem:$0x3FAC]  }
0x2c: {  	s7 =	sld [smem:$0x3FAD]  }
0x2d: {  	s3 =	simm.s32 $0x108;
	s8 =	sld [smem:$0x3FAE]  }
0x2e: {  	s3 =	simm.s32 @!p0 $0x1082;
	s9 =	sld [smem:$0x3FAF]  }
0x2f: {  	lr =	sadd.s32 s0, s3;
	s0 =	sld [smem:$0x3FA6]  }
0x30: {  	s3 =	sld [smem:$0x3FA9]  }
0x31: {  	[smem:$0x3FB2] =	sst s10  }
0x32: {  	s10 =	sld [smem:$0x3FB0];
	_ =	sdelay $0x3  }
0x33: {  	p0 =	seq.s32 s10, $0x1;
	s10 =	sld [smem:$0x3FB2];
	_ =	sdelay $0x3  }
0x34: {  	[smem:$0x3FB2] =	sst s10  }
0x35: {  	s10 =	sld [smem:$0x3FB1];
	_ =	sdelay $0x3  }
0x36: {  	p1 =	seq.s32 s10, $0x1;
	s10 =	sld [smem:$0x3FB2];
	_ =	sdelay $0x3  }
0x37: {  	[smem:$0x3FB2] =	sst s10  }
0x38: {  	s10 =	sld [smem:$0x3FB3]  }
0x39: {  	_ = 	snop;
	(pc) =	sbr.ind lr, $3  }
0x3a: {  	_ = 	snop  }
0x3b: {  	_ = 	snop  }
0x3c: {  	p2 =	seq.s32 s10, $0x1;
	s10 =	sld [smem:$0x3FB2]  }
0x3d: {  	_ =	shalt  }
0x3e: {  	_ =	shalt  }
0x3f: {  	_ =	shalt  }
0x40: {  	_ =	shalt  }
0x41: {  	_ =	shalt  }
0x42: {  	_ =	shalt  }
0x43: {  	_ =	shalt  }
0x44: {  	_ =	shalt  }
0x45: {  	_ =	shalt  }
0x46: {  	_ =	shalt  }
0x47: {  	_ =	shalt  }
0x48: {  	_ =	shalt  }
0x49: {  	_ =	shalt  }
0x4a: {  	_ =	shalt  }
0x4b: {  	_ =	shalt  }
0x4c: {  	_ =	shalt  }
0x4d: {  	_ =	shalt  }
0x4e: {  	_ =	shalt  }
0x4f: {  	_ =	shalt  }
0x50: {  	_ =	shalt  }
0x51: {  	_ =	shalt  }
0x52: {  	_ =	shalt  }
0x53: {  	_ =	shalt  }
0x54: {  	_ =	shalt  }
0x55: {  	_ =	shalt  }
0x56: {  	_ =	shalt  }
0x57: {  	_ =	shalt  }
0x58: {  	_ =	shalt  }
0x59: {  	_ =	shalt  }
0x5a: {  	_ =	shalt  }
0x5b: {  	_ =	shalt  }
0x5c: {  	_ =	shalt  }
0x5d: {  	_ =	shalt  }
0x5e: {  	_ =	shalt  }
0x5f: {  	_ =	shalt  }
0x60: {  	_ =	shalt  }
0x61: {  	_ =	shalt  }
0x62: {  	_ =	shalt  }
0x63: {  	_ =	shalt  }
0x64: {  	_ =	shalt  }
0x65: {  	_ =	shalt  }
0x66: {  	_ =	shalt  }
0x67: {  	_ =	shalt  }
0x68: {  	_ =	shalt  }
0x69: {  	_ =	shalt  }
0x6a: {  	_ =	shalt  }
0x6b: {  	_ =	shalt  }
0x6c: {  	_ =	shalt  }
0x6d: {  	_ =	shalt  }
0x6e: {  	_ =	shalt  }
0x6f: {  	_ =	shalt  }
0x70: {  	_ =	shalt  }
0x71: {  	_ =	shalt  }
0x72: {  	_ =	shalt  }
0x73: {  	_ =	shalt  }
0x74: {  	_ =	shalt  }
0x75: {  	_ =	shalt  }
0x76: {  	_ =	shalt  }
0x77: {  	_ =	shalt  }
0x78: {  	_ =	shalt  }
0x79: {  	_ =	shalt  }
0x7a: {  	_ =	shalt  }
0x7b: {  	_ =	shalt  }
0x7c: {  	_ =	shalt  }
0x7d: {  	_ =	shalt  }
0x7e: {  	_ =	shalt  }
0x7f: {  	_ =	shalt  }
0x80: {  	_ =	shalt  }
0x81: {  	_ =	shalt  }
0x82: {  	_ =	shalt  }
0x83: {  	_ =	shalt  }
0x84: {  	_ =	shalt  }
0x85: {  	_ =	shalt  }
0x86: {  	_ =	shalt  }
0x87: {  	_ =	shalt  }
.Lfunc_end0:
.L_simem_size_0:
called_computation_lowered:
.L_overlay_start_0:
0x88: {  	s2 =	sld [smem:$0x3FD9]  }
0x89: {  	s3 =	sld [smem:$0x3FFE];
	_ =	sdelay $0x1  }
0x8a: {  	s1 =	srdreg.scid  }
0x8b: {  	s0 =	sand.u32 $0x1, s1  }
0x8c: {  	s17 =	sshll.u32 s0, $0xA;
	s2 =	sadd.s32 s3, s2  }
0x8d: {  	s2 =	sadd.s32 s2, s17  }
0x8e: {  	[smem:$0x3FBE] =	sst s2  }
0x8f: {  	_ = 	snop  }
0x90: {  	s2 =	sld [smem:$0x3FC9]  }
0x91: {  	s18 =	sld [smem:$0x3FC8]  }
0x92: {  	s4 =	sld [smem:$0x3FC7]  }
0x93: {  	s5 =	sld [smem:$0x3FD0];
	(tm) =	ssettm $0x1  }
0x94: {  	s6 =	sld [smem:$0x3FFB];
	_ =	sdelay $0x3  }
0x95: {  	_ =	strace s6  }
0x96: {  	s6 =	sld [smem:$0x3FFC];
	_ =	sdelay $0x3  }
0x97: {  	_ =	strace s6  }
0x98: {  	s6 =	sld [smem:$0x3FFD];
	_ =	sdelay $0x3  }
0x99: {  	_ =	strace s6  }
0x9a: {  	_ =	strace $0x8FFFFFFF  }
0x9b: {  	s19 =	sld [smem:$0x3FDB];
	_ =	sdelay $0x1  }
0x9c: {  	s7 =	simm.s32 $_scs_section_size  }
0x9d: {  	s8 =	simm.s32 $_size__tile_overlayer_lowered;
	s9 =	simm.s32 $_tile_overlayer_lowered  }
0x9e: {  	s22 =	simm.s32 $0x1BFF;
	s21 =	sshll.u32 s9, $0x1;
	s6 =	sadd.s32 s7, s19  }
0x9f: {  	s10 =	simm.s32 $0x0;
	s20 =	sshll.u32 s8, $0x1;
	s8 =	sadd.s32 s21, s6  }
0xa0: {  	[timem:s10], [sflag:s22] =	dma.local [hbm:s8], s20  }
0xa1: {  	_ =	swait.ge [sflag:s22], s20  }
0xa2: {  	s7 =	ssub.s32 $0x0, s20;
	[sflag:s22] =	ssyncset.done $0x0  }
0xa3: {  	[sflag:s22] =	ssyncadd.s32 s7;
	_ =	sdelay $0x1  }
0xa4: {  	s23 =	simm.s32 $0x1B8B  }
0xa5: {  	_ =	swait.ge [sflag:s23], $0x1  }
0xa6: {  	[sflag:s23] =	ssyncset.done $0x0  }
0xa7: {  	s25 =	simm.s32 $0x1B8E;
	s24 =	sld [smem:$0x3FFE];
	[sflag:s23] =	ssyncadd.s32 $0xFFFFFFFF  }
0xa8: {  	s26 =	simm.s32 $execute0_lowered;
	[smem:$0x3FD2] =	sst s25  }
0xa9: {  	s8 =	sshll.u32 s26, $0x1;
	_ =	strace $0x80000046;
	[dreg:$0x1] =	wrdreg $0xFFFFFFFF  }
0xaa: {  	s28 =	simm.s32 $_size_execute0_lowered;
	s6 =	sadd.s32 s6, s8;
	[dreg:$0x0] =	wrdreg $0x0  }
0xab: {  	s8 =	sshll.u32 s28, $0x1;
	[dreg:$0x2] =	wrdreg s6  }
0xac: {  	[dreg:$0x3] =	wrdreg s8  }
0xad: {  	[dreg:$0x4] =	wrdreg $0xC0  }
0xae: {  	_ =	task [dreg:s10], $0x5FFFF  }
0xaf: {  	[dreg:$0x1] =	wrdreg $0xFFFFFFFF  }
0xb0: {  	[dreg:$0x0] =	wrdreg $0x60  }
0xb1: {  	[dreg:$0x2] =	wrdreg s2  }
0xb2: {  	[dreg:$0x3] =	wrdreg s18  }
0xb3: {  	[dreg:$0x4] =	wrdreg s4  }
0xb4: {  	[dreg:$0x5] =	wrdreg s24  }
0xb5: {  	[dreg:$0x6] =	wrdreg s5  }
0xb6: {  	[dreg:$0x7] =	wrdreg $0x9  }
0xb7: {  	_ =	task.clear_ibuf [dreg:s10], $0x8FFFF;
	_ =	strace $0x90000046  }
0xb8: {  	s29 =	simm.s32 $0x9;
	_ =	strace $0x80000048  }
0xb9: {  	_ =	swait.ge [sflag:s29], $0x1  }
0xba: {  	[sflag:s29] =	ssyncadd.s32 $0xFFFFFFFF  }
0xbb: {  	_ =	strace $0x90000048  }
0xbc: {  	_ =	sfence  }
0xbd: {  	s30 =	sld [smem:$0x0];
	_ =	sdelay $0x2  }
0xbe: {  	s31 =	sshll.u32 s1, $0xD;
	s1 =	sshrl.u32 s1, $0x2  }
0xbf: {  	s3 =	sand.u32 $0x4000, s31;
	s1 =	sadd.s32 s1, s30  }
0xc0: {  	s0 =	sor.u32 s3, s0;
	s1 =	sshll.u32 s1, $0x11  }
0xc1: {  	s0 =	sor.u32 s1, s0  }
0xc2: {  	s0 =	sadd.s32 $0x8F2B, s0  }
0xc3: {  	[sflag:s0] =	ssyncadd.remote.s32 $0x1  }
0xc4: {  	_ =	sfence.sel $0xFFFF  }
0xc5: {  	[dreg:$0x0] =	wrdreg $0xFFFFFFFF;
	(pc) =	sbr.abs _section_cstart, $3  }
0xc6: {  	[dreg:$0x1] =	wrdreg $0xFFFFFFFF  }
0xc7: {  	_ =	task.clear_ibuf [dreg:s10], $0x2FFFF;
	_ =	strace $0x9FFFFFFF  }
0xc8: {  	(tm) =	ssettm $0x7FFFFFFF  }
0xc9: {  	_ =	shalt  }
tec
execute0_lowered:
.L_overlay_start_1:
0x0: {  	(tag) =	ssettag $0x1  }
0x1: {  	s0 =	rddreg [dreg:$0x0]  }
0x2: {  	s3 =	rddreg [dreg:$0x1]  }
0x3: {  	s4 =	rddreg [dreg:$0x2]  }
0x4: {  	s8 =	rddreg [dreg:$0x3]  }
0x5: {  	s5 =	rddreg [dreg:$0x4]  }
0x6: {  	s2 =	srdreg.scid;
	s1 =	stileid.u32  }
0x7: {  	s10 =	simm.s32 $0x1400;
	s9 =	sand.u32 $0x1, s2;
	s2 =	simm.s32 $0x0  }
0x8: {  	s11 =	simm.s32 $0x600;
	s12 =	simm.s32 $0x800;
	[smem:$0x7FF] =	sst s2  }
0x9: {  	s13 =	simm.s32 $0xA00;
	_ =	strace $0x80000047;
	[dreg:$0xe] =	wrdreg s10  }
0xa: {  	s14 =	simm.s32 $0xC00;
	s15 =	simm.s32 $0xE00;
	[dreg:$0xf] =	wrdreg s11  }
0xb: {  	s16 =	simm.s32 $0x1000;
	s17 =	simm.s32 $0x680;
	[dreg:$0x10] =	wrdreg s12  }
0xc: {  	s18 =	simm.s32 $0x880;
	s19 =	simm.s32 $0xA80;
	[dreg:$0x11] =	wrdreg s13  }
0xd: {  	s20 =	simm.s32 $0xC80;
	s21 =	simm.s32 $0xE80;
	[dreg:$0x12] =	wrdreg s14  }
0xe: {  	s22 =	simm.s32 $0x1080;
	s23 =	simm.s32 $0x700;
	[dreg:$0x13] =	wrdreg s15  }
0xf: {  	s28 =	simm.s32 $0x580;
	s29 =	simm.s32 $0xF80;
	[dreg:$0x14] =	wrdreg s16  }
0x10: {  	s30 =	simm.s32 $0x1180;
	s31 =	simm.s32 $0x1600;
	[dreg:$0x15] =	wrdreg s17  }
0x11: {  	s6 =	sshll.u32 s1, $0x7;
	s7 =	sshll.u32 s9, $0x6;
	[dreg:$0x16] =	wrdreg s18  }
0x12: {  	s9 =	ssub.s32 $0x2, s9;
	s6 =	sor.u32 s7, s6;
	[dreg:$0x17] =	wrdreg s19  }
0x13: {  	s7 =	simm.s32 $0x1200;
	s10 =	sshrl.u32 s9, $0x1;
	[dreg:$0x18] =	wrdreg s20  }
0x14: {  	s11 =	simm.s32 $0x400;
	s12 =	simm.s32 $0x1;
	[dreg:$0x19] =	wrdreg s21  }
0x15: {  	s13 =	simm.s32 $0x80;
	s14 =	simm.s32 $0x280;
	[dreg:$0x1a] =	wrdreg s22  }
0x16: {  	s15 =	simm.s32 $0x480;
	[dreg:$0x1b] =	wrdreg s23;
	s16 =	simm.s32 $0x100  }
0x17: {  	s17 =	simm.s32 $0x300;
	s18 =	simm.s32 $0x500;
	s21 =	simm.s32 $0x180  }
0x18: {  	s23 =	simm.s32 $0x980;
	s0 =	sadd.s32 s0, s6;
	[dreg:$0xd] =	wrdreg s7  }
0x19: {  	s24 =	sadd.s32 s3, s6;
	s25 =	sadd.s32 s4, s6;
	[dreg:$0x6] =	wrdreg s0  }
0x1a: {  	s26 =	sadd.s32 s6, s8;
	s1 =	sadd.s32 s5, s6;
	[dreg:$0x7] =	wrdreg s24  }
0x1b: {  	s3 =	sadd.s32 $0x2200, s8;
	s7 =	sadd.s32 $0xF200, s8;
	[dreg:$0x8] =	wrdreg s25  }
0x1c: {  	s9 =	ssub.s32 s9, s10;
	[dreg:$0x9] =	wrdreg s1;
	s4 =	sadd.s32 $0xEA00, s26  }
0x1d: {  	s10 =	simm.s32 $0x200;
	s5 =	sadd.s32 $0xFE00, s26;
	[dreg:$0xa] =	wrdreg s4  }
0x1e: {  	s6 =	sadd.s32 $0x10600, s26;
	s9 =	smax.u32 s9, $0x1;
	[dreg:$0xb] =	wrdreg s5  }
0x1f: {  	s24 =	simm.s32 $0x900;
	s25 =	simm.s32 $0xB00;
	[dreg:$0xc] =	wrdreg s6  }
0x20: {  	s26 =	simm.s32 $0xD00;
	s0 =	simm.s32 $0x1800;
	[dreg:$0x1c] =	wrdreg s24  }
0x21: {  	s4 =	sadd.s32 $0x5400, s8;
	s5 =	sadd.s32 $0x8600, s8;
	[dreg:$0x1d] =	wrdreg s25  }
0x22: {  	s6 =	sadd.s32 $0xB800, s8;
	s8 =	sadd.s32 $0xF800, s8;
	[dreg:$0x1e] =	wrdreg s26  }
0x23: {  	s24 =	simm.s32 $0x380;
	s25 =	simm.s32 $0xB80;
	s26 =	simm.s32 $0xD80  }
.LBB2_1:
0x24: {  	s1 =	rddreg [dreg:$0x6]  }
0x25: {  	s19 =	rddreg [dreg:$0x7]  }
0x26: {  	s22 =	rddreg [dreg:$0x8]  }
0x27: {  	[tilespmem:s2], [sflag:$0x1] =	stream.linear.gather [hbm4b:s1+s2], $0x200, $0x38;
	[tilespmem:$0x1A00] =	vst v63  }
0x28: {  	s20 =	rddreg [dreg:$0xa]  }
0x29: {  	[tilespmem:s10], [sflag:$0x1] =	stream.linear.gather [hbm4b:s19+s2], $0x200, $0x38;
	[tilespmem:$0x1A00] =	vst v63  }
0x2a: {  	s1 =	rddreg [dreg:$0x9]  }
0x2b: {  	[tilespmem:s11], [sflag:$0x1] =	stream.linear.gather [hbm4b:s22+s2], $0x200, $0x38;
	[tilespmem:$0x1A00] =	vst v63  }
0x2c: {  	s19 =	rddreg [dreg:$0xd]  }
0x2d: {  	[tilespmem:s19], [sflag:$0x1] =	stream.linear.gather [hbm4b:s1+s2], $0x200, $0x38;
	[tilespmem:$0x1A00] =	vst v63  }
0x2e: {  	s22 =	rddreg [dreg:$0xe]  }
0x2f: {  	[tilespmem:s22], [sflag:$0x1] =	stream.linear.gather [hbm4b:s20+s2], $0x200, $0x38;
	[tilespmem:$0x1A00] =	vst v63  }
0x30: {  	_ =	swait.ge [sflag:s12], $0x200  }
0x31: {  	[sflag:s12] =	ssyncset.done $0x0  }
0x32: {  	[sflag:s12] =	ssyncadd.s32 $0xFFFFFE00  }
0x33: {  	_ =	swait.ge [sflag:s12], $0x200  }
0x34: {  	[sflag:s12] =	ssyncset.done $0x0  }
0x35: {  	[sflag:s12] =	ssyncadd.s32 $0xFFFFFE00  }
0x36: {  	_ =	swait.ge [sflag:s12], $0x200  }
0x37: {  	[sflag:s12] =	ssyncset.done $0x0  }
0x38: {  	[sflag:s12] =	ssyncadd.s32 $0xFFFFFE00  }
0x39: {  	_ =	swait.ge [sflag:s12], $0x200  }
0x3a: {  	[sflag:s12] =	ssyncset.done $0x0  }
0x3b: {  	[sflag:s12] =	ssyncadd.s32 $0xFFFFFE00  }
0x3c: {  	_ =	swait.ge [sflag:s12], $0x200  }
0x3d: {  	[sflag:s12] =	ssyncset.done $0x0  }
0x3e: {  	s20 =	rddreg [dreg:$0xf];
	[sflag:s12] =	ssyncadd.s32 $0xFFFFFE00  }
0x3f: {  	[tilespmem:s20], [sflag:$0x1] =	stream.indirect.gather [hbm4b:s3+s13], $0x1, s2, s13, $0xb8;
	[tilespmem:$0x1A00] =	vst v63  }
0x40: {  	s22 =	rddreg [dreg:$0x10]  }
0x41: {  	[tilespmem:s22], [sflag:$0x1] =	stream.indirect.gather [hbm4b:s4+s13], $0x1, s2, s13, $0xb8;
	[tilespmem:$0x1A00] =	vst v63  }
0x42: {  	s20 =	rddreg [dreg:$0x11]  }
0x43: {  	[tilespmem:s20], [sflag:$0x1] =	stream.indirect.gather [hbm4b:s5+s13], $0x1, s10, s13, $0xb8;
	[tilespmem:$0x1A00] =	vst v63  }
0x44: {  	s22 =	rddreg [dreg:$0x12]  }
0x45: {  	[tilespmem:s22], [sflag:$0x1] =	stream.indirect.gather [hbm4b:s6+s13], $0x1, s10, s13, $0xb8;
	[tilespmem:$0x1A00] =	vst v63  }
0x46: {  	s20 =	rddreg [dreg:$0x13]  }
0x47: {  	[tilespmem:s20], [sflag:$0x1] =	stream.indirect.gather [hbm4b:s7+s13], $0x1, s11, s13, $0xb8;
	[tilespmem:$0x1A00] =	vst v63  }
0x48: {  	s22 =	rddreg [dreg:$0x14]  }
0x49: {  	[tilespmem:s22], [sflag:$0x1] =	stream.indirect.gather [hbm4b:s8+s13], $0x1, s11, s13, $0xb8;
	[tilespmem:$0x1A00] =	vst v63  }
0x4a: {  	s20 =	rddreg [dreg:$0x15]  }
0x4b: {  	[tilespmem:s20], [sflag:$0x1] =	stream.indirect.gather [hbm4b:s3+s13], $0x1, s13, s13, $0xb8;
	[tilespmem:$0x1A00] =	vst v63  }
0x4c: {  	s22 =	rddreg [dreg:$0x16]  }
0x4d: {  	[tilespmem:s22], [sflag:$0x1] =	stream.indirect.gather [hbm4b:s4+s13], $0x1, s13, s13, $0xb8;
	[tilespmem:$0x1A00] =	vst v63  }
0x4e: {  	s20 =	rddreg [dreg:$0x17]  }
0x4f: {  	[tilespmem:s20], [sflag:$0x1] =	stream.indirect.gather [hbm4b:s5+s13], $0x1, s14, s13, $0xb8;
	[tilespmem:$0x1A00] =	vst v63  }
0x50: {  	s22 =	rddreg [dreg:$0x18]  }
0x51: {  	[tilespmem:s22], [sflag:$0x1] =	stream.indirect.gather [hbm4b:s6+s13], $0x1, s14, s13, $0xb8;
	[tilespmem:$0x1A00] =	vst v63  }
0x52: {  	s20 =	rddreg [dreg:$0x19]  }
0x53: {  	[tilespmem:s20], [sflag:$0x1] =	stream.indirect.gather [hbm4b:s7+s13], $0x1, s15, s13, $0xb8;
	[tilespmem:$0x1A00] =	vst v63  }
0x54: {  	s22 =	rddreg [dreg:$0x1a]  }
0x55: {  	[tilespmem:s22], [sflag:$0x1] =	stream.indirect.gather [hbm4b:s8+s13], $0x1, s15, s13, $0xb8;
	[tilespmem:$0x1A00] =	vst v63  }
0x56: {  	s20 =	rddreg [dreg:$0x1b]  }
0x57: {  	[tilespmem:s20], [sflag:$0x1] =	stream.indirect.gather [hbm4b:s3+s13], $0x1, s16, s13, $0xb8;
	[tilespmem:$0x1A00] =	vst v63  }
0x58: {  	s22 =	rddreg [dreg:$0x1c]  }
0x59: {  	[tilespmem:s22], [sflag:$0x1] =	stream.indirect.gather [hbm4b:s4+s13], $0x1, s16, s13, $0xb8;
	[tilespmem:$0x1A00] =	vst v63  }
0x5a: {  	s20 =	rddreg [dreg:$0x1d]  }
0x5b: {  	[tilespmem:s20], [sflag:$0x1] =	stream.indirect.gather [hbm4b:s5+s13], $0x1, s17, s13, $0xb8;
	[tilespmem:$0x1A00] =	vst v63  }
0x5c: {  	s22 =	rddreg [dreg:$0x1e]  }
0x5d: {  	[tilespmem:s22], [sflag:$0x1] =	stream.indirect.gather [hbm4b:s6+s13], $0x1, s17, s13, $0xb8;
	[tilespmem:$0x1A00] =	vst v63  }
0x5e: {  	s20 =	simm.s32 $0xF00  }
0x5f: {  	[tilespmem:s20], [sflag:$0x1] =	stream.indirect.gather [hbm4b:s7+s13], $0x1, s18, s13, $0xb8;
	[tilespmem:$0x1A00] =	vst v63  }
0x60: {  	s22 =	simm.s32 $0x1100  }
0x61: {  	[tilespmem:s22], [sflag:$0x1] =	stream.indirect.gather [hbm4b:s8+s13], $0x1, s18, s13, $0xb8;
	[tilespmem:$0x1A00] =	vst v63  }
0x62: {  	s19 =	simm.s32 $0x780  }
0x63: {  	[tilespmem:s19], [sflag:$0x1] =	stream.indirect.gather [hbm4b:s3+s13], $0x1, s21, s13, $0xb8;
	[tilespmem:$0x1A00] =	vst v63  }
0x64: {  	_ = 	snop  }
0x65: {  	[tilespmem:s23], [sflag:$0x1] =	stream.indirect.gather [hbm4b:s4+s13], $0x1, s21, s13, $0xb8;
	[tilespmem:$0x1A00] =	vst v63  }
0x66: {  	_ = 	snop  }
0x67: {  	[tilespmem:s25], [sflag:$0x1] =	stream.indirect.gather [hbm4b:s5+s13], $0x1, s24, s13, $0xb8;
	[tilespmem:$0x1A00] =	vst v63  }
0x68: {  	_ = 	snop  }
0x69: {  	[tilespmem:s26], [sflag:$0x1] =	stream.indirect.gather [hbm4b:s6+s13], $0x1, s24, s13, $0xb8;
	[tilespmem:$0x1A00] =	vst v63  }
0x6a: {  	_ = 	snop  }
0x6b: {  	[tilespmem:s29], [sflag:$0x1] =	stream.indirect.gather [hbm4b:s7+s13], $0x1, s28, s13, $0xb8;
	[tilespmem:$0x1A00] =	vst v63  }
0x6c: {  	_ = 	snop  }
0x6d: {  	[tilespmem:s30], [sflag:$0x1] =	stream.indirect.gather [hbm4b:s8+s13], $0x1, s28, s13, $0xb8;
	[tilespmem:$0x1A00] =	vst v63  }
0x6e: {  	_ =	swait.ge [sflag:s12], $0x80  }
0x6f: {  	[sflag:s12] =	ssyncset.done $0x0  }
0x70: {  	[sflag:s12] =	ssyncadd.s32 $0xFFFFFF80  }
0x71: {  	_ =	swait.ge [sflag:s12], $0x80  }
0x72: {  	[sflag:s12] =	ssyncset.done $0x0  }
0x73: {  	[sflag:s12] =	ssyncadd.s32 $0xFFFFFF80  }
0x74: {  	_ =	swait.ge [sflag:s12], $0x80  }
0x75: {  	[sflag:s12] =	ssyncset.done $0x0  }
0x76: {  	[sflag:s12] =	ssyncadd.s32 $0xFFFFFF80  }
0x77: {  	_ =	swait.ge [sflag:s12], $0x80  }
0x78: {  	[sflag:s12] =	ssyncset.done $0x0  }
0x79: {  	[sflag:s12] =	ssyncadd.s32 $0xFFFFFF80  }
0x7a: {  	_ =	swait.ge [sflag:s12], $0x80  }
0x7b: {  	[sflag:s12] =	ssyncset.done $0x0  }
0x7c: {  	[sflag:s12] =	ssyncadd.s32 $0xFFFFFF80  }
0x7d: {  	_ =	swait.ge [sflag:s12], $0x80  }
0x7e: {  	[sflag:s12] =	ssyncset.done $0x0  }
0x7f: {  	[sflag:s12] =	ssyncadd.s32 $0xFFFFFF80  }
0x80: {  	_ =	swait.ge [sflag:s12], $0x80  }
0x81: {  	[sflag:s12] =	ssyncset.done $0x0  }
0x82: {  	[sflag:s12] =	ssyncadd.s32 $0xFFFFFF80  }
0x83: {  	_ =	swait.ge [sflag:s12], $0x80  }
0x84: {  	[sflag:s12] =	ssyncset.done $0x0  }
0x85: {  	[sflag:s12] =	ssyncadd.s32 $0xFFFFFF80  }
0x86: {  	_ =	swait.ge [sflag:s12], $0x80  }
0x87: {  	[sflag:s12] =	ssyncset.done $0x0  }
0x88: {  	[sflag:s12] =	ssyncadd.s32 $0xFFFFFF80  }
0x89: {  	_ =	swait.ge [sflag:s12], $0x80  }
0x8a: {  	[sflag:s12] =	ssyncset.done $0x0  }
0x8b: {  	[sflag:s12] =	ssyncadd.s32 $0xFFFFFF80  }
0x8c: {  	_ =	swait.ge [sflag:s12], $0x80  }
0x8d: {  	[sflag:s12] =	ssyncset.done $0x0  }
0x8e: {  	[sflag:s12] =	ssyncadd.s32 $0xFFFFFF80  }
0x8f: {  	_ =	swait.ge [sflag:s12], $0x80  }
0x90: {  	[sflag:s12] =	ssyncset.done $0x0  }
0x91: {  	[sflag:s12] =	ssyncadd.s32 $0xFFFFFF80  }
0x92: {  	_ =	swait.ge [sflag:s12], $0x80  }
0x93: {  	[sflag:s12] =	ssyncset.done $0x0  }
0x94: {  	[sflag:s12] =	ssyncadd.s32 $0xFFFFFF80  }
0x95: {  	_ =	swait.ge [sflag:s12], $0x80  }
0x96: {  	[sflag:s12] =	ssyncset.done $0x0  }
0x97: {  	[sflag:s12] =	ssyncadd.s32 $0xFFFFFF80  }
0x98: {  	_ =	swait.ge [sflag:s12], $0x80  }
0x99: {  	[sflag:s12] =	ssyncset.done $0x0  }
0x9a: {  	[sflag:s12] =	ssyncadd.s32 $0xFFFFFF80  }
0x9b: {  	_ =	swait.ge [sflag:s12], $0x80  }
0x9c: {  	[sflag:s12] =	ssyncset.done $0x0  }
0x9d: {  	[sflag:s12] =	ssyncadd.s32 $0xFFFFFF80  }
0x9e: {  	_ =	swait.ge [sflag:s12], $0x80  }
0x9f: {  	[sflag:s12] =	ssyncset.done $0x0  }
0xa0: {  	[sflag:s12] =	ssyncadd.s32 $0xFFFFFF80  }
0xa1: {  	_ =	swait.ge [sflag:s12], $0x80  }
0xa2: {  	[sflag:s12] =	ssyncset.done $0x0  }
0xa3: {  	[sflag:s12] =	ssyncadd.s32 $0xFFFFFF80  }
0xa4: {  	_ =	swait.ge [sflag:s12], $0x80  }
0xa5: {  	[sflag:s12] =	ssyncset.done $0x0  }
0xa6: {  	[sflag:s12] =	ssyncadd.s32 $0xFFFFFF80  }
0xa7: {  	_ =	swait.ge [sflag:s12], $0x80  }
0xa8: {  	[sflag:s12] =	ssyncset.done $0x0  }
0xa9: {  	[sflag:s12] =	ssyncadd.s32 $0xFFFFFF80  }
0xaa: {  	_ =	swait.ge [sflag:s12], $0x80  }
0xab: {  	[sflag:s12] =	ssyncset.done $0x0  }
0xac: {  	[sflag:s12] =	ssyncadd.s32 $0xFFFFFF80  }
0xad: {  	_ =	swait.ge [sflag:s12], $0x80  }
0xae: {  	[sflag:s12] =	ssyncset.done $0x0  }
0xaf: {  	[sflag:s12] =	ssyncadd.s32 $0xFFFFFF80  }
0xb0: {  	_ =	swait.ge [sflag:s12], $0x80  }
0xb1: {  	[sflag:s12] =	ssyncset.done $0x0  }
0xb2: {  	[sflag:s12] =	ssyncadd.s32 $0xFFFFFF80  }
0xb3: {  	_ =	swait.ge [sflag:s12], $0x80  }
0xb4: {  	[sflag:s12] =	ssyncset.done $0x0  }
0xb5: {  	[sflag:s12] =	ssyncadd.s32 $0xFFFFFF80  }
0xb6: {  	v18 =	vld [tilespmem:$0x600]  }
0xb7: {  	v12 =	vld [tilespmem:$0xA00]  }
0xb8: {  	v30 =	vld [tilespmem:$0xE00]  }
0xb9: {  	v61 =	vld [tilespmem:$0x1200]  }
0xba: {  	v6 =	vld [tilespmem:$0x800]  }
0xbb: {  	v3 =	vld [tilespmem:$0xC00]  }
0xbc: {  	v24 =	vld [tilespmem:$0x1000]  }
0xbd: {  	v63 =	vld [tilespmem:$0x1400]  }
0xbe: {  	v4 =	vld [tilespmem:$0x610]  }
0xbf: {  	v2 =	vld [tilespmem:$0xA10]  }
0xc0: {  	v19 =	vld [tilespmem:$0xE10]  }
0xc1: {  	v49 =	vld [tilespmem:$0x1210]  }
0xc2: {  	v1 =	vld [tilespmem:$0x810]  }
0xc3: {  	v0 =	vld [tilespmem:$0xC10]  }
0xc4: {  	v13 =	vld [tilespmem:$0x1010]  }
0xc5: {  	v42 =	vld [tilespmem:$0x1410]  }
0xc6: {  	v20 =	vld [tilespmem:$0x620]  }
0xc7: {  	v14 =	vld [tilespmem:$0xA20]  }
0xc8: {  	v43 =	vld [tilespmem:$0xE20]  }
0xc9: {  	v5 =	vld [tilespmem:$0x1220]  }
0xca: {  	v15 =	vld [tilespmem:$0x820]  }
0xcb: {  	v9 =	vld [tilespmem:$0xC20]  }
0xcc: {  	v36 =	vld [tilespmem:$0x1020]  }
0xcd: {  	v47 =	vld [tilespmem:$0x1420]  }
0xce: {  	v10 =	vld [tilespmem:$0x630]  }
0xcf: {  	v7 =	vld [tilespmem:$0xA30]  }
0xd0: {  	v31 =	vld [tilespmem:$0xE30]  }
0xd1: {  	v62 =	vld [tilespmem:$0x1230]  }
0xd2: {  	v8 =	vld [tilespmem:$0x830]  }
0xd3: {  	v25 =	vld [tilespmem:$0x1030]  }
0xd4: {  	v56 =	vld [tilespmem:$0x1430]  }
0xd5: {  	v32 =	vld [tilespmem:$0x640]  }
0xd6: {  	v26 =	vld [tilespmem:$0xA40]  }
0xd7: {  	v57 =	vld [tilespmem:$0xE40]  }
0xd8: {  	v11 =	vld [tilespmem:$0x1240]  }
0xd9: {  	v27 =	vld [tilespmem:$0x840]  }
0xda: {  	v21 =	vld [tilespmem:$0xC40]  }
0xdb: {  	v50 =	vld [tilespmem:$0x1040]  }
0xdc: {  	v48 =	vld [tilespmem:$0x1440]  }
0xdd: {  	v22 =	vld [tilespmem:$0x650]  }
0xde: {  	v16 =	vld [tilespmem:$0xA50]  }
0xdf: {  	v44 =	vld [tilespmem:$0xE50]  }
0xe0: {  	v51 =	vld [tilespmem:$0x1250]  }
0xe1: {  	v17 =	vld [tilespmem:$0x850]  }
0xe2: {  	v23 =	vld [tilespmem:$0x1450];
	[tilespmem:$0x1F8D0] =	vst v5  }
0xe3: {  	v52 =	vld [tilespmem:$0xE60];
	[tilespmem:$0x1F8E0] =	vst v47  }
0xe4: {  	v37 =	vld [tilespmem:$0x1050];
	[tilespmem:$0x1F8F0] =	vst v11  }
0xe5: {  	v45 =	vld [tilespmem:$0x660];
	[tilespmem:$0x1F900] =	vst v48  }
0xe6: {  	v38 =	vld [tilespmem:$0xA60];
	[tilespmem:$0x1F910] =	vst v51  }
0xe7: {  	v5 =	vld [tilespmem:$0xC30];
	[tilespmem:$0x1F920] =	vst v23  }
0xe8: {  	v11 =	vld [tilespmem:$0xC50];
	[tilespmem:$0x1F930] =	vst v52  }
0xe9: {  	v23 =	vld [tilespmem:$0x1260]  }
0xea: {  	v58 =	vld [tilespmem:$0xE80];
	_ =	sdelay $0x4  }
0xeb: {  	[tilespmem:$0x1F990] =	vst v58;
	v58 =	vld [tilespmem:$0x6A0];
	_ =	sdelay $0x4  }
0xec: {  	[tilespmem:$0x1FA00] =	vst v58;
	v58 =	vld [tilespmem:$0x12A0];
	_ =	sdelay $0x4  }
0xed: {  	[tilespmem:$0x1FA80] =	vst v58;
	v58 =	vld [tilespmem:$0x10A0];
	_ =	sdelay $0x4  }
0xee: {  	[tilespmem:$0x1FA70] =	vst v58;
	v58 =	vld [tilespmem:$0xEB0];
	_ =	sdelay $0x4  }
0xef: {  	[tilespmem:$0x1FA90] =	vst v58;
	v58 =	vld [tilespmem:$0x10B0];
	_ =	sdelay $0x4  }
0xf0: {  	[tilespmem:$0x1FAB0] =	vst v58;
	v58 =	vld [tilespmem:$0x14B0];
	_ =	sdelay $0x4  }
0xf1: {  	[tilespmem:$0x1FAF0] =	vst v58;
	v58 =	vld [tilespmem:$0x6C0];
	_ =	sdelay $0x4  }
0xf2: {  	[tilespmem:$0x1FAD0] =	vst v58;
	v58 =	vld [tilespmem:$0xAC0];
	_ =	sdelay $0x4  }
0xf3: {  	[tilespmem:$0x1FAE0] =	vst v58;
	v58 =	vld [tilespmem:$0xEC0];
	_ =	sdelay $0x4  }
0xf4: {  	[tilespmem:$0x1FB20] =	vst v58;
	v58 =	vld [tilespmem:$0x12C0];
	_ =	sdelay $0x4  }
0xf5: {  	[tilespmem:$0x1FB80] =	vst v58;
	v58 =	vld [tilespmem:$0x8C0];
	_ =	sdelay $0x4  }
0xf6: {  	[tilespmem:$0x1FB00] =	vst v58;
	v58 =	vld [tilespmem:$0xCC0];
	_ =	sdelay $0x4  }
0xf7: {  	[tilespmem:$0x1FB10] =	vst v58;
	v58 =	vld [tilespmem:$0x10C0];
	_ =	sdelay $0x4  }
0xf8: {  	[tilespmem:$0x1FB50] =	vst v58;
	v58 =	vld [tilespmem:$0x14C0];
	_ =	sdelay $0x4  }
0xf9: {  	[tilespmem:$0x1FBA0] =	vst v58;
	v58 =	vld [tilespmem:$0x6D0];
	_ =	sdelay $0x4  }
0xfa: {  	[tilespmem:$0x1FB30] =	vst v58;
	v58 =	vld [tilespmem:$0xAD0];
	_ =	sdelay $0x4  }
0xfb: {  	[tilespmem:$0x1FB40] =	vst v58;
	v58 =	vld [tilespmem:$0xED0];
	_ =	sdelay $0x4  }
0xfc: {  	[tilespmem:$0x1FB90] =	vst v58;
	v58 =	vld [tilespmem:$0x12D0];
	_ =	sdelay $0x4  }
0xfd: {  	[tilespmem:$0x1FBC0] =	vst v58;
	v58 =	vld [tilespmem:$0x8D0];
	_ =	sdelay $0x4  }
0xfe: {  	[tilespmem:$0x1FB60] =	vst v58;
	v58 =	vld [tilespmem:$0xCD0];
	_ =	sdelay $0x4  }
0xff: {  	[tilespmem:$0x1FB70] =	vst v58;
	v58 =	vld [tilespmem:$0x10D0];
	_ =	sdelay $0x4  }
0x100: {  	[tilespmem:$0x1FBB0] =	vst v58;
	v58 =	vld [tilespmem:$0x14D0];
	_ =	sdelay $0x4  }
0x101: {  	[tilespmem:$0x1FBF0] =	vst v58;
	v58 =	vld [tilespmem:$0x6E0];
	_ =	sdelay $0x4  }
0x102: {  	[tilespmem:$0x1FBD0] =	vst v58;
	v58 =	vld [tilespmem:$0xAE0];
	_ =	sdelay $0x4  }
0x103: {  	[tilespmem:$0x1FBE0] =	vst v58;
	v58 =	vld [tilespmem:$0xEE0];
	_ =	sdelay $0x4  }
0x104: {  	[tilespmem:$0x1FC20] =	vst v58;
	v58 =	vld [tilespmem:$0x12E0];
	_ =	sdelay $0x4  }
0x105: {  	[tilespmem:$0x1FC80] =	vst v58;
	v58 =	vld [tilespmem:$0x8E0];
	_ =	sdelay $0x4  }
0x106: {  	[tilespmem:$0x1FC00] =	vst v58;
	v58 =	vld [tilespmem:$0xCE0];
	_ =	sdelay $0x4  }
0x107: {  	[tilespmem:$0x1FC10] =	vst v58;
	v58 =	vld [tilespmem:$0x10E0];
	_ =	sdelay $0x4  }
0x108: {  	[tilespmem:$0x1FC50] =	vst v58;
	v58 =	vld [tilespmem:$0x14E0];
	_ =	sdelay $0x4  }
0x109: {  	[tilespmem:$0x1FCA0] =	vst v58;
	v58 =	vld [tilespmem:$0x6F0];
	_ =	sdelay $0x4  }
0x10a: {  	[tilespmem:$0x1FC30] =	vst v58;
	v58 =	vld [tilespmem:$0xAF0];
	_ =	sdelay $0x4  }
0x10b: {  	[tilespmem:$0x1FC40] =	vst v58;
	v58 =	vld [tilespmem:$0xEF0];
	_ =	sdelay $0x4  }
0x10c: {  	[tilespmem:$0x1FC90] =	vst v58;
	v58 =	vld [tilespmem:$0x12F0];
	_ =	sdelay $0x4  }
0x10d: {  	[tilespmem:$0x1FCC0] =	vst v58;
	v58 =	vld [tilespmem:$0x8F0];
	_ =	sdelay $0x4  }
0x10e: {  	[tilespmem:$0x1FC60] =	vst v58;
	v58 =	vld [tilespmem:$0xCF0];
	_ =	sdelay $0x4  }
0x10f: {  	[tilespmem:$0x1FC70] =	vst v58;
	v58 =	vld [tilespmem:$0x10F0];
	_ =	sdelay $0x4  }
0x110: {  	[tilespmem:$0x1FCB0] =	vst v58;
	v58 =	vld [tilespmem:$0x14F0];
	_ =	sdelay $0x4  }
0x111: {  	[tilespmem:$0x1FCF0] =	vst v58;
	v58 =	vld [tilespmem:$0x700];
	_ =	sdelay $0x4  }
0x112: {  	[tilespmem:$0x1FCD0] =	vst v58;
	v58 =	vld [tilespmem:$0xB00];
	_ =	sdelay $0x4  }
0x113: {  	[tilespmem:$0x1FCE0] =	vst v58;
	v58 =	vld [tilespmem:$0xF00];
	_ =	sdelay $0x4  }
0x114: {  	[tilespmem:$0x1FD20] =	vst v58;
	v58 =	vld [tilespmem:$0x1300];
	_ =	sdelay $0x4  }
0x115: {  	[tilespmem:$0x1FD80] =	vst v58;
	v58 =	vld [tilespmem:$0x900];
	_ =	sdelay $0x4  }
0x116: {  	[tilespmem:$0x1FD00] =	vst v58;
	v58 =	vld [tilespmem:$0xD00];
	_ =	sdelay $0x4  }
0x117: {  	[tilespmem:$0x1FD10] =	vst v58;
	v58 =	vld [tilespmem:$0x1100];
	_ =	sdelay $0x4  }
0x118: {  	[tilespmem:$0x1FD50] =	vst v58;
	v58 =	vld [tilespmem:$0x1500];
	_ =	sdelay $0x4  }
0x119: {  	[tilespmem:$0x1FDA0] =	vst v58;
	v58 =	vld [tilespmem:$0x710];
	_ =	sdelay $0x4  }
0x11a: {  	[tilespmem:$0x1FD30] =	vst v58;
	v58 =	vld [tilespmem:$0xB10];
	_ =	sdelay $0x4  }
0x11b: {  	[tilespmem:$0x1FD40] =	vst v58;
	v58 =	vld [tilespmem:$0xF10];
	_ =	sdelay $0x4  }
0x11c: {  	[tilespmem:$0x1FD90] =	vst v58;
	v58 =	vld [tilespmem:$0x1310];
	_ =	sdelay $0x4  }
0x11d: {  	[tilespmem:$0x1FDC0] =	vst v58;
	v58 =	vld [tilespmem:$0x910];
	_ =	sdelay $0x4  }
0x11e: {  	[tilespmem:$0x1FD60] =	vst v58;
	v58 =	vld [tilespmem:$0xD10];
	_ =	sdelay $0x4  }
0x11f: {  	[tilespmem:$0x1FD70] =	vst v58;
	v58 =	vld [tilespmem:$0x1110];
	_ =	sdelay $0x4  }
0x120: {  	[tilespmem:$0x1FDB0] =	vst v58;
	v58 =	vld [tilespmem:$0x1510];
	_ =	sdelay $0x4  }
0x121: {  	[tilespmem:$0x1FDF0] =	vst v58;
	v58 =	vld [tilespmem:$0x720];
	_ =	sdelay $0x4  }
0x122: {  	[tilespmem:$0x1FDD0] =	vst v58;
	v58 =	vld [tilespmem:$0xB20];
	_ =	sdelay $0x4  }
0x123: {  	[tilespmem:$0x1FDE0] =	vst v58;
	v58 =	vld [tilespmem:$0xF20];
	_ =	sdelay $0x4  }
0x124: {  	[tilespmem:$0x1FE20] =	vst v58;
	v58 =	vld [tilespmem:$0x1320];
	_ =	sdelay $0x2  }
0x125: {  	v39 =	vld [tilespmem:$0x860]  }
0x126: {  	v33 =	vld [tilespmem:$0xC60]  }
0x127: {  	[tilespmem:$0x1FE80] =	vst v58;
	v58 =	vld [tilespmem:$0x920]  }
0x128: {  	v60 =	vld [tilespmem:$0x1060]  }
0x129: {  	v53 =	vld [tilespmem:$0x1460]  }
0x12a: {  	v34 =	vld [tilespmem:$0x670]  }
0x12b: {  	v28 =	vld [tilespmem:$0xA70]  }
0x12c: {  	[tilespmem:$0x1FE00] =	vst v58;
	v58 =	vld [tilespmem:$0xD20]  }
0x12d: {  	v54 =	vld [tilespmem:$0xE70]  }
0x12e: {  	v55 =	vld [tilespmem:$0x1270]  }
0x12f: {  	v29 =	vld [tilespmem:$0x870]  }
0x130: {  	v51 =	vld [tilespmem:$0x1070]  }
0x131: {  	[tilespmem:$0x1FE10] =	vst v58;
	v58 =	vld [tilespmem:$0x1120]  }
0x132: {  	v35 =	vld [tilespmem:$0x1470]  }
0x133: {  	v59 =	vld [tilespmem:$0x680]  }
0x134: {  	v52 =	vld [tilespmem:$0xA80]  }
0x135: {  	v40 =	vld [tilespmem:$0x1280]  }
0x136: {  	[tilespmem:$0x1FE50] =	vst v58;
	v58 =	vld [tilespmem:$0x1520]  }
0x137: {  	v46 =	vld [tilespmem:$0xC80]  }
0x138: {  	v41 =	vld [tilespmem:$0x1080]  }
0x139: {  	v47 =	vld [tilespmem:$0x1480]  }
0x13a: {  	v48 =	vld [tilespmem:$0xE90]  }
0x13b: {  	[tilespmem:$0x1FEA0] =	vst v58;
	v58 =	vld [tilespmem:$0x730]  }
0x13c: {  	v12 =	vadd.f32 v12, v18;
	v18 =	vld [tilespmem:$0x940]  }
0x13d: {  	v2 =	vadd.f32 v2, v4;
	v4 =	vld [tilespmem:$0x1140]  }
0x13e: {  	v3 =	vadd.f32 v3, v6;
	v0 =	vadd.f32 v0, v1;
	v6 =	vld [tilespmem:$0xF50]  }
0x13f: {  	v30 =	vadd.f32 v30, v12;
	v12 =	vadd.f32 v19, v2;
	v19 =	vld [tilespmem:$0x750]  }
0x140: {  	[tilespmem:$0x1FE30] =	vst v58;
	v58 =	vld [tilespmem:$0xB30]  }
0x141: {  	v3 =	vadd.f32 v24, v3;
	v0 =	vadd.f32 v13, v0;
	v13 =	vld [tilespmem:$0x950]  }
0x142: {  	v2 =	vld [tilespmem:$0x15B0]  }
0x143: {  	v24 =	vadd.f32 v61, v30;
	v30 =	vadd.f32 v63, v3;
	v61 =	vld [tilespmem:$0xB50]  }
0x144: {  	v63 =	vadd.f32 v9, v15;
	v9 =	vadd.f32 v7, v10;
	v10 =	vld [tilespmem:$0x1350]  }
0x145: {  	[tilespmem:$0x1FE40] =	vst v58;
	v58 =	vld [tilespmem:$0xF30]  }
0x146: {  	v3 =	vld [tilespmem:$0x1380]  }
0x147: {  	v49 =	vadd.f32 v49, v12;
	v12 =	vadd.f32 v5, v8;
	v5 =	vld [tilespmem:$0x1360]  }
0x148: {  	v8 =	vld [tilespmem:$0x1F910]  }
0x149: {  	[tilespmem:$0x1F940] =	vst v23;
	v23 =	vld [tilespmem:$0xC70]  }
0x14a: {  	[tilespmem:$0x1FE90] =	vst v58;
	v58 =	vld [tilespmem:$0x1330]  }
0x14b: {  	[tilespmem:$0x1F960] =	vst v53;
	v53 =	vld [tilespmem:$0x880]  }
0x14c: {  	[tilespmem:$0x1F9D0] =	vst v47;
	v47 =	vld [tilespmem:$0x690]  }
0x14d: {  	[tilespmem:$0x1F9B0] =	vst v40;
	v40 =	vld [tilespmem:$0xA90]  }
0x14e: {  	[tilespmem:$0x1F950] =	vst v54;
	v54 =	vld [tilespmem:$0x1290]  }
0x14f: {  	[tilespmem:$0x1FEC0] =	vst v58;
	v58 =	vld [tilespmem:$0x930]  }
0x150: {  	[tilespmem:$0x1F9A0] =	vst v41;
	v41 =	vld [tilespmem:$0x890]  }
0x151: {  	[tilespmem:$0x1F980] =	vst v35;
	v35 =	vld [tilespmem:$0xC90]  }
0x152: {  	[tilespmem:$0x1F9C0] =	vst v48;
	v48 =	vld [tilespmem:$0x1090]  }
0x153: {  	[tilespmem:$0x1F970] =	vst v55;
	v55 =	vld [tilespmem:$0x1490]  }
0x154: {  	[tilespmem:$0x1FE60] =	vst v58;
	v58 =	vld [tilespmem:$0xD30]  }
0x155: {  	[tilespmem:$0x1FF00] =	vst v18;
	v18 =	vld [tilespmem:$0x1540]  }
0x156: {  	v42 =	vadd.f32 v42, v0;
	v0 =	vadd.f32 v36, v63;
	v63 =	vld [tilespmem:$0xD50]  }
0x157: {  	[tilespmem:$0x1FF80] =	vst v6;
	v6 =	vld [tilespmem:$0x1F900]  }
0x158: {  	[tilespmem:$0x1600] =	vst v24;
	v24 =	vld [tilespmem:$0x790]  }
0x159: {  	[tilespmem:$0x1FE70] =	vst v58;
	v58 =	vld [tilespmem:$0x1130]  }
0x15a: {  	[tilespmem:$0x1FF30] =	vst v19;
	v19 =	vadd.f32 v25, v12;
	v25 =	vadd.f32 v26, v32;
	v26 =	vld [tilespmem:$0x1550]  }
0x15b: {  	v12 =	vld [tilespmem:$0x1F930]  }
0x15c: {  	v27 =	vadd.f32 v21, v27;
	v21 =	vld [tilespmem:$0x1F950]  }
0x15d: {  	[tilespmem:$0x1FF60] =	vst v13;
	v13 =	vadd.f32 v28, v34;
	v28 =	vadd.f32 v52, v59;
	v59 =	vld [tilespmem:$0x1F9D0]  }
0x15e: {  	[tilespmem:$0x1FEB0] =	vst v58;
	v58 =	vld [tilespmem:$0x1530]  }
0x15f: {  	v32 =	vadd.f32 v56, v19;
	v56 =	vld [tilespmem:$0x760]  }
0x160: {  	[tilespmem:$0x1FF40] =	vst v61;
	v61 =	vld [tilespmem:$0xF60]  }
0x161: {  	[tilespmem:$0x1FFB0] =	vst v10;
	v10 =	vld [tilespmem:$0x1F920]  }
0x162: {  	v19 =	vld [tilespmem:$0x1160]  }
0x163: {  	[tilespmem:$0x1FEF0] =	vst v58;
	v58 =	vld [tilespmem:$0x740]  }
0x164: {  	[tilespmem:$0x1FA20] =	vst v55;
	v55 =	vld [tilespmem:$0xEA0]  }
0x165: {  	[tilespmem:$0x1FFF0] =	vst v5;
	v5 =	vld [tilespmem:$0xF80]  }
0x166: {  	[tilespmem:$0x1F9F0] =	vst v54;
	v54 =	vld [tilespmem:$0xAA0]  }
0x167: {  	[tilespmem:$0x1F9E0] =	vst v48;
	v48 =	vld [tilespmem:$0xCB0]  }
0x168: {  	[tilespmem:$0x1FED0] =	vst v58;
	v58 =	vld [tilespmem:$0xB40]  }
0x169: {  	[tilespmem:$0x1FA50] =	vst v55;
	v55 =	vld [tilespmem:$0xCA0]  }
0x16a: {  	[tilespmem:$0x1FF90] =	vst v18;
	v18 =	vld [tilespmem:$0x1F8E0]  }
0x16b: {  	[tilespmem:$0x1830] =	vst v32;
	v32 =	vld [tilespmem:$0x7A0]  }
0x16c: {  	[tilespmem:$0x1FA10] =	vst v54;
	v54 =	vld [tilespmem:$0x8A0]  }
0x16d: {  	[tilespmem:$0x1FEE0] =	vst v58;
	v58 =	vld [tilespmem:$0xF40]  }
0x16e: {  	[tilespmem:$0x1FA40] =	vst v55;
	v55 =	vld [tilespmem:$0x6B0]  }
0x16f: {  	[tilespmem:$0x1FFD0] =	vst v26;
	v26 =	vld [tilespmem:$0x1F970]  }
0x170: {  	[tilespmem:$0x1FFC0] =	vst v56;
	v56 =	vld [tilespmem:$0x1F9B0]  }
0x171: {  	[tilespmem:$0x1FA30] =	vst v54;
	v54 =	vld [tilespmem:$0x14A0]  }
0x172: {  	[tilespmem:$0x1FF20] =	vst v58;
	v58 =	vld [tilespmem:$0x1340]  }
0x173: {  	v15 =	vadd.f32 v31, v9;
	v31 =	vadd.f32 v18, v0;
	[tilespmem:$0x1FA60] =	vst v55;
	v55 =	vld [tilespmem:$0x12B0]  }
0x174: {  	v18 =	vld [tilespmem:$0x960]  }
0x175: {  	[tilespmem:$0x1820] =	vst v31;
	v31 =	vld [tilespmem:$0xD90]  }
0x176: {  	[tilespmem:$0x1FAA0] =	vst v54;
	v54 =	vld [tilespmem:$0xAB0]  }
0x177: {  	[tilespmem:$0x1FF70] =	vst v58;
	v58 =	vld [tilespmem:$0xD40]  }
0x178: {  	[tilespmem:$0x1FAC0] =	vst v55;
	v55 =	vld [tilespmem:$0x8B0]  }
0x179: {  	[tilespmem:$0x1610] =	vst v49;
	v49 =	vld [tilespmem:$0x1FB20]  }
0x17a: {  	[tilespmem:$0x1800] =	vst v30;
	v30 =	vld [tilespmem:$0x1FB10]  }
0x17b: {  	[tilespmem:$0x1810] =	vst v42;
	v42 =	vld [tilespmem:$0x1FBA0]  }
0x17c: {  	[tilespmem:$0x1FF10] =	vst v58;
	v58 =	vadd.f32 v14, v20;
	v14 =	vld [tilespmem:$0x1F8D0]  }
0x17d: {  	v20 =	vld [tilespmem:$0x1150]  }
0x17e: {  	v1 =	vadd.f32 v43, v58;
	v43 =	vadd.f32 v62, v15;
	v62 =	vld [tilespmem:$0x1F8F0]  }
0x17f: {  	v58 =	vadd.f32 v11, v17;
	v11 =	vadd.f32 v33, v39;
	v17 =	vld [tilespmem:$0x1F940]  }
0x180: {  	v33 =	vadd.f32 v46, v53;
	v46 =	vld [tilespmem:$0x1F990]  }
0x181: {  	v15 =	vadd.f32 v60, v11;
	v11 =	vld [tilespmem:$0xD70]  }
0x182: {  	v60 =	vld [tilespmem:$0x1F9E0]  }
0x183: {  	[tilespmem:$0x1FFA0] =	vst v20;
	v20 =	vld [tilespmem:$0xB60]  }
0x184: {  	v36 =	vadd.f32 v14, v1;
	v1 =	vadd.f32 v57, v25;
	v14 =	vld [tilespmem:$0xD60]  }
0x185: {  	v57 =	vadd.f32 v16, v22;
	v16 =	vadd.f32 v23, v29;
	v23 =	vld [tilespmem:$0x1F960]  }
0x186: {  	v22 =	vadd.f32 v21, v13;
	v13 =	vld [tilespmem:$0x1370]  }
0x187: {  	v7 =	vadd.f32 v37, v58;
	v29 =	vld [tilespmem:$0x1F980]  }
0x188: {  	v21 =	vld [tilespmem:$0x1FA20]  }
0x189: {  	v9 =	vadd.f32 v38, v45;
	v38 =	vadd.f32 v10, v7;
	v7 =	vld [tilespmem:$0x1570]  }
0x18a: {  	v10 =	vld [tilespmem:$0x780]  }
0x18b: {  	v0 =	vadd.f32 v50, v27;
	v27 =	vadd.f32 v62, v1;
	v62 =	vld [tilespmem:$0x1560]  }
0x18c: {  	v1 =	vadd.f32 v12, v9;
	v9 =	vld [tilespmem:$0x770]  }
0x18d: {  	v12 =	vld [tilespmem:$0xF70]  }
0x18e: {  	[tilespmem:$0x1FF50] =	vst v4;
	v4 =	vadd.f32 v44, v57;
	v44 =	vadd.f32 v6, v0;
	v6 =	vld [tilespmem:$0x970]  }
0x18f: {  	v25 =	vadd.f32 v51, v16;
	v51 =	vld [tilespmem:$0x1F9A0]  }
0x190: {  	v57 =	vld [tilespmem:$0x1F9C0]  }
0x191: {  	v16 =	vld [tilespmem:$0x1FA00]  }
0x192: {  	v45 =	vadd.f32 v26, v22;
	v22 =	vld [tilespmem:$0x1FA30]  }
0x193: {  	v26 =	vld [tilespmem:$0x1FA50]  }
0x194: {  	v0 =	vld [tilespmem:$0x1FED0]  }
0x195: {  	v37 =	vadd.f32 v8, v4;
	v8 =	vld [tilespmem:$0xB70]  }
0x196: {  	v53 =	vadd.f32 v35, v41;
	v4 =	vld [tilespmem:$0x1170]  }
0x197: {  	v34 =	vadd.f32 v17, v1;
	v17 =	vld [tilespmem:$0x1FA10]  }
0x198: {  	[tilespmem:$0x1FFE0] =	vst v61;
	v61 =	vadd.f32 v60, v53;
	v53 =	vld [tilespmem:$0x1FA80]  }
0x199: {  	v60 =	vld [tilespmem:$0x1FAE0]  }
0x19a: {  	[tilespmem:$0x1640] =	vst v27;
	v27 =	vld [tilespmem:$0x1590]  }
0x19b: {  	v39 =	vadd.f32 v23, v15;
	v15 =	vld [tilespmem:$0x1F9F0]  }
0x19c: {  	v23 =	vld [tilespmem:$0x1FA40]  }
0x19d: {  	v50 =	vadd.f32 v29, v25;
	v29 =	vld [tilespmem:$0x1FA60]  }
0x19e: {  	v1 =	vadd.f32 v46, v28;
	v14 =	vadd.f32 v14, v18;
	v18 =	vld [tilespmem:$0x11C0]  }
0x19f: {  	v46 =	vadd.f32 v21, v61;
	v21 =	vld [tilespmem:$0x980]  }
0x1a0: {  	v47 =	vadd.f32 v40, v47;
	v35 =	vadd.f32 v56, v1;
	v56 =	vld [tilespmem:$0x1FAA0]  }
0x1a1: {  	v52 =	vadd.f32 v51, v33;
	v51 =	vld [tilespmem:$0x1FA70]  }
0x1a2: {  	v58 =	vadd.f32 v57, v47;
	v57 =	vld [tilespmem:$0x1FAB0]  }
0x1a3: {  	[tilespmem:$0x1870] =	vst v50;
	v50 =	vld [tilespmem:$0x1FD50]  }
0x1a4: {  	v6 =	vadd.f32 v11, v6;
	v11 =	vld [tilespmem:$0x7D0]  }
0x1a5: {  	[tilespmem:$0x1890] =	vst v46;
	v46 =	vld [tilespmem:$0x1FE00]  }
0x1a6: {  	v1 =	vadd.f32 v17, v16;
	v17 =	vld [tilespmem:$0x1180]  }
0x1a7: {  	v40 =	vadd.f32 v59, v52;
	v59 =	vld [tilespmem:$0x1FAD0]  }
0x1a8: {  	v8 =	vadd.f32 v8, v9;
	v9 =	vld [tilespmem:$0x15C0]  }
0x1a9: {  	v4 =	vadd.f32 v4, v6;
	v6 =	vld [tilespmem:$0xFD0]  }
0x1aa: {  	v41 =	vadd.f32 v15, v58;
	v15 =	vld [tilespmem:$0xB80]  }
0x1ab: {  	v33 =	vadd.f32 v54, v29;
	v54 =	vld [tilespmem:$0x1FA90]  }
0x1ac: {  	v25 =	vadd.f32 v23, v22;
	v22 =	vld [tilespmem:$0xD80]  }
0x1ad: {  	v58 =	vld [tilespmem:$0x1FAC0]  }
0x1ae: {  	v29 =	vld [tilespmem:$0x1FB00]  }
0x1af: {  	v28 =	vadd.f32 v26, v1;
	v26 =	vld [tilespmem:$0xB90]  }
0x1b0: {  	[tilespmem:$0x1880] =	vst v40;
	v40 =	vld [tilespmem:$0x1FDA0]  }
0x1b1: {  	v52 =	vadd.f32 v48, v55;
	v1 =	vld [tilespmem:$0x7C0]  }
0x1b2: {  	v8 =	vadd.f32 v12, v8;
	v12 =	vld [tilespmem:$0xBD0]  }
0x1b3: {  	v23 =	vadd.f32 v57, v52;
	v57 =	vld [tilespmem:$0x1FB50]  }
0x1b4: {  	v16 =	vadd.f32 v51, v25;
	v25 =	vld [tilespmem:$0xF90]  }
0x1b5: {  	v47 =	vadd.f32 v53, v28;
	v28 =	vld [tilespmem:$0x1FAF0]  }
0x1b6: {  	v8 =	vadd.f32 v13, v8;
	v13 =	vld [tilespmem:$0x13D0]  }
0x1b7: {  	v48 =	vadd.f32 v56, v16;
	v16 =	vld [tilespmem:$0x1580]  }
0x1b8: {  	v61 =	vadd.f32 v60, v59;
	v59 =	vld [tilespmem:$0x1FB60]  }
0x1b9: {  	v60 =	vld [tilespmem:$0x1FB70]  }
0x1ba: {  	v55 =	vadd.f32 v54, v33;
	v54 =	vld [tilespmem:$0x1FB30]  }
0x1bb: {  	[tilespmem:$0x16A0] =	vst v47;
	v47 =	vld [tilespmem:$0x1FE40]  }
0x1bc: {  	v10 =	vadd.f32 v15, v10;
	v15 =	vld [tilespmem:$0x9D0]  }
0x1bd: {  	v53 =	vadd.f32 v49, v61;
	v49 =	vld [tilespmem:$0x1FBB0]  }
0x1be: {  	v33 =	vadd.f32 v30, v29;
	[tilespmem:$0x18A0] =	vst v48;
	v48 =	vld [tilespmem:$0x1FE50]  }
0x1bf: {  	v51 =	vadd.f32 v58, v55;
	v55 =	vld [tilespmem:$0x1FB40]  }
0x1c0: {  	v58 =	vadd.f32 v57, v33;
	v52 =	vadd.f32 v28, v23;
	v23 =	vld [tilespmem:$0x1FB80]  }
0x1c1: {  	v28 =	vld [tilespmem:$0x1FB90]  }
0x1c2: {  	v42 =	vadd.f32 v42, v58;
	v58 =	vld [tilespmem:$0x1FBF0]  }
0x1c3: {  	v61 =	vadd.f32 v60, v59;
	v59 =	vld [tilespmem:$0x1FC00]  }
0x1c4: {  	v60 =	vld [tilespmem:$0x1FC10]  }
0x1c5: {  	[tilespmem:$0x16B0] =	vst v51;
	v51 =	vld [tilespmem:$0x1FE80]  }
0x1c6: {  	[tilespmem:$0x18B0] =	vst v52;
	v52 =	vld [tilespmem:$0x1FEA0]  }
0x1c7: {  	[tilespmem:$0x18C0] =	vst v42;
	v42 =	vld [tilespmem:$0x1FEF0]  }
0x1c8: {  	v56 =	vadd.f32 v55, v54;
	v54 =	vld [tilespmem:$0x1FBC0]  }
0x1c9: {  	v55 =	vld [tilespmem:$0x1FBD0]  }
0x1ca: {  	[tilespmem:$0x1620] =	vst v36;
	v36 =	vadd.f32 v23, v53;
	v23 =	vld [tilespmem:$0x1390]  }
0x1cb: {  	v29 =	vadd.f32 v28, v56;
	v28 =	vld [tilespmem:$0x990]  }
0x1cc: {  	v56 =	vld [tilespmem:$0x1FBE0]  }
0x1cd: {  	v53 =	vadd.f32 v49, v61;
	v61 =	vadd.f32 v60, v59;
	v59 =	vld [tilespmem:$0x1FC60]  }
0x1ce: {  	v60 =	vld [tilespmem:$0x1FC70]  }
0x1cf: {  	v49 =	vadd.f32 v58, v53;
	v58 =	vld [tilespmem:$0x1FC50]  }
0x1d0: {  	[tilespmem:$0x16C0] =	vst v36;
	v36 =	vld [tilespmem:$0x1FEC0]  }
0x1d1: {  	[tilespmem:$0x1630] =	vst v43;
	v43 =	vadd.f32 v54, v29;
	v29 =	vld [tilespmem:$0x1190]  }
0x1d2: {  	v54 =	vld [tilespmem:$0x1FC20]  }
0x1d3: {  	[tilespmem:$0x18D0] =	vst v49;
	v49 =	vld [tilespmem:$0x1FF50]  }
0x1d4: {  	v57 =	vadd.f32 v56, v55;
	v55 =	vld [tilespmem:$0x1FC30]  }
0x1d5: {  	v56 =	vld [tilespmem:$0x1FC40]  }
0x1d6: {  	[tilespmem:$0x16D0] =	vst v43;
	v43 =	vld [tilespmem:$0x1FF20]  }
0x1d7: {  	v30 =	vadd.f32 v58, v61;
	v58 =	vld [tilespmem:$0x1FCC0]  }
0x1d8: {  	v33 =	vadd.f32 v54, v57;
	v54 =	vld [tilespmem:$0x1FC80]  }
0x1d9: {  	v61 =	vadd.f32 v60, v59;
	v59 =	vld [tilespmem:$0x1FCD0]  }
0x1da: {  	v57 =	vadd.f32 v56, v55;
	v55 =	vld [tilespmem:$0x1FC90]  }
0x1db: {  	v56 =	vld [tilespmem:$0x1FCA0]  }
0x1dc: {  	v60 =	vld [tilespmem:$0x1FCE0]  }
0x1dd: {  	[tilespmem:$0x1650] =	vst v37;
	v37 =	vadd.f32 v54, v33;
	v54 =	vld [tilespmem:$0xBA0]  }
0x1de: {  	v33 =	vld [tilespmem:$0xFA0]  }
0x1df: {  	v53 =	vadd.f32 v55, v57;
	v57 =	vld [tilespmem:$0x1FCB0]  }
0x1e0: {  	[tilespmem:$0x1850] =	vst v38;
	v38 =	vadd.f32 v56, v30;
	v30 =	vld [tilespmem:$0x13A0]  }
0x1e1: {  	v55 =	vld [tilespmem:$0x1FCF0]  }
0x1e2: {  	v56 =	vld [tilespmem:$0x1FD00]  }
0x1e3: {  	[tilespmem:$0x1660] =	vst v34;
	v34 =	vadd.f32 v58, v53;
	v58 =	vld [tilespmem:$0x1FD20]  }
0x1e4: {  	[tilespmem:$0x1840] =	vst v44;
	v44 =	vadd.f32 v57, v61;
	v57 =	vld [tilespmem:$0x1FD10]  }
0x1e5: {  	v61 =	vadd.f32 v60, v59;
	v59 =	vld [tilespmem:$0x1FD30]  }
0x1e6: {  	v60 =	vld [tilespmem:$0x1FD40]  }
0x1e7: {  	[tilespmem:$0x16E0] =	vst v37;
	v37 =	vld [tilespmem:$0x1FF70]  }
0x1e8: {  	v53 =	vld [tilespmem:$0x15A0]  }
0x1e9: {  	[tilespmem:$0x1670] =	vst v45;
	v45 =	vadd.f32 v58, v61;
	v58 =	vld [tilespmem:$0x1FD70]  }
0x1ea: {  	[tilespmem:$0x1860] =	vst v39;
	v39 =	vadd.f32 v55, v44;
	v44 =	vadd.f32 v57, v56;
	v57 =	vld [tilespmem:$0x1FD60]  }
0x1eb: {  	v61 =	vadd.f32 v60, v59;
	v59 =	vld [tilespmem:$0x1FD80]  }
0x1ec: {  	v60 =	vld [tilespmem:$0x1FD90]  }
0x1ed: {  	[tilespmem:$0x18E0] =	vst v38;
	v38 =	vld [tilespmem:$0x1FF90]  }
0x1ee: {  	[tilespmem:$0x16F0] =	vst v34;
	v34 =	vld [tilespmem:$0x1FFB0]  }
0x1ef: {  	v44 =	vadd.f32 v50, v44;
	v50 =	vadd.f32 v58, v57;
	v58 =	vld [tilespmem:$0x1FDC0]  }
0x1f0: {  	[tilespmem:$0x1680] =	vst v35;
	v35 =	vadd.f32 v59, v45;
	v59 =	vld [tilespmem:$0x1FDD0]  }
0x1f1: {  	v61 =	vadd.f32 v60, v61;
	v60 =	vld [tilespmem:$0x1FDE0]  }
0x1f2: {  	v55 =	vld [tilespmem:$0x9A0]  }
0x1f3: {  	[tilespmem:$0x18F0] =	vst v39;
	v39 =	vld [tilespmem:$0x1FFD0]  }
0x1f4: {  	v40 =	vadd.f32 v40, v44;
	v44 =	vld [tilespmem:$0x1FDB0]  }
0x1f5: {  	[tilespmem:$0x1690] =	vst v41;
	v41 =	vadd.f32 v58, v61;
	v61 =	vld [tilespmem:$0x1FDF0]  }
0x1f6: {  	v45 =	vadd.f32 v60, v59;
	v60 =	vld [tilespmem:$0x1FE20]  }
0x1f7: {  	v56 =	vld [tilespmem:$0xDA0]  }
0x1f8: {  	v57 =	vld [tilespmem:$0x11A0]  }
0x1f9: {  	v44 =	vadd.f32 v44, v50;
	v59 =	vld [tilespmem:$0x1FE10]  }
0x1fa: {  	[tilespmem:$0x1900] =	vst v40;
	v40 =	vadd.f32 v22, v21;
	v21 =	vld [tilespmem:$0x11D0]  }
0x1fb: {  	v44 =	vadd.f32 v61, v44;
	v45 =	vadd.f32 v60, v45;
	v61 =	vld [tilespmem:$0x1FE30]  }
0x1fc: {  	[tilespmem:$0x1700] =	vst v35;
	v35 =	vld [tilespmem:$0x1FFF0]  }
0x1fd: {  	v4 =	vadd.f32 v7, v4;
	v45 =	vadd.f32 v51, v45;
	v51 =	vld [tilespmem:$0x1FE90]  }
0x1fe: {  	v7 =	vadd.f32 v17, v40;
	v17 =	vld [tilespmem:$0x7E0];
	v46 =	vadd.f32 v59, v46  }
0x1ff: {  	v50 =	vld [tilespmem:$0x7B0]  }
0x200: {  	v46 =	vadd.f32 v48, v46;
	v48 =	vld [tilespmem:$0x1FE70];
	v47 =	vadd.f32 v47, v61  }
0x201: {  	v61 =	vld [tilespmem:$0x1FE60]  }
0x202: {  	v58 =	vld [tilespmem:$0xBB0];
	v47 =	vadd.f32 v51, v47  }
0x203: {  	v46 =	vadd.f32 v52, v46;
	v52 =	vld [tilespmem:$0x1FEB0]  }
0x204: {  	[tilespmem:$0x1710] =	vst v41;
	v41 =	vadd.f32 v26, v24;
	v36 =	vadd.f32 v36, v47;
	v47 =	vld [tilespmem:$0x1FEE0]  }
0x205: {  	v5 =	vadd.f32 v5, v10;
	v26 =	vld [tilespmem:$0x13E0]  }
0x206: {  	v59 =	vld [tilespmem:$0xFB0];
	[tilespmem:$0x1720] =	vst v45;
	v45 =	vadd.f32 v25, v41;
	v48 =	vadd.f32 v48, v61  }
0x207: {  	v3 =	vadd.f32 v3, v5;
	v60 =	vld [tilespmem:$0x13B0]  }
0x208: {  	v5 =	vadd.f32 v23, v45;
	v23 =	vld [tilespmem:$0xBE0];
	v48 =	vadd.f32 v52, v48  }
0x209: {  	v47 =	vadd.f32 v47, v0;
	v0 =	vld [tilespmem:$0x1FF00]  }
0x20a: {  	v42 =	vadd.f32 v42, v48;
	v48 =	vld [tilespmem:$0x1FF10]  }
0x20b: {  	v51 =	vld [tilespmem:$0xDB0]  }
0x20c: {  	v61 =	vld [tilespmem:$0x9B0]  }
0x20d: {  	v52 =	vld [tilespmem:$0x11B0]  }
0x20e: {  	v43 =	vadd.f32 v43, v47;
	v47 =	vld [tilespmem:$0x1FF40]  }
0x20f: {  	v14 =	vadd.f32 v19, v14;
	v48 =	vadd.f32 v48, v0;
	v0 =	vld [tilespmem:$0x1FF30]  }
0x210: {  	[tilespmem:$0x1910] =	vst v44;
	v44 =	vadd.f32 v31, v28;
	v37 =	vadd.f32 v37, v43;
	v43 =	vld [tilespmem:$0x1FF80]  }
0x211: {  	v14 =	vadd.f32 v62, v14;
	v48 =	vadd.f32 v49, v48;
	v49 =	vld [tilespmem:$0x1FF60]  }
0x212: {  	v7 =	vadd.f32 v16, v7;
	[tilespmem:$0x1920] =	vst v46;
	v46 =	vadd.f32 v29, v44;
	v45 =	vld [tilespmem:$0x9F0]  }
0x213: {  	v62 =	vadd.f32 v51, v61;
	v38 =	vadd.f32 v38, v48;
	v48 =	vld [tilespmem:$0x1FFA0]  }
0x214: {  	v16 =	vadd.f32 v27, v46;
	v46 =	vld [tilespmem:$0xDF0];
	v47 =	vadd.f32 v47, v0  }
0x215: {  	[tilespmem:$0x1730] =	vst v36;
	v36 =	vadd.f32 v52, v62;
	v52 =	vld [tilespmem:$0x11F0]  }
0x216: {  	v0 =	vld [tilespmem:$0xBC0];
	v49 =	vadd.f32 v63, v49;
	v43 =	vadd.f32 v43, v47  }
0x217: {  	[tilespmem:$0x1960] =	vst v14;
	v63 =	vld [tilespmem:$0xFC0]  }
0x218: {  	[tilespmem:$0x1970] =	vst v4;
	v48 =	vadd.f32 v48, v49;
	v34 =	vadd.f32 v34, v43;
	v43 =	vld [tilespmem:$0x1FFC0]  }
0x219: {  	[tilespmem:$0x1770] =	vst v8;
	v47 =	vld [tilespmem:$0x13C0]  }
0x21a: {  	[tilespmem:$0x1930] =	vst v42;
	v42 =	vadd.f32 v12, v11;
	v39 =	vadd.f32 v39, v48;
	v48 =	vld [tilespmem:$0x1FFE0]  }
0x21b: {  	[tilespmem:$0x1780] =	vst v3;
	v31 =	vld [tilespmem:$0x9E0];
	v51 =	vadd.f32 v23, v17;
	v0 =	vadd.f32 v0, v1  }
0x21c: {  	v25 =	vld [tilespmem:$0xFE0];
	[tilespmem:$0x1790] =	vst v5;
	v5 =	vadd.f32 v6, v42;
	v6 =	vadd.f32 v46, v45  }
0x21d: {  	[tilespmem:$0x1980] =	vst v7;
	v49 =	vld [tilespmem:$0x9C0];
	v0 =	vadd.f32 v63, v0;
	v20 =	vadd.f32 v20, v43  }
0x21e: {  	v2 =	vadd.f32 v2, v36;
	v61 =	vadd.f32 v52, v6;
	[tilespmem:$0x1750] =	vst v34;
	v34 =	vld [tilespmem:$0xDE0]  }
0x21f: {  	[tilespmem:$0x1990] =	vst v16;
	v43 =	vld [tilespmem:$0xDC0];
	v0 =	vadd.f32 v47, v0;
	v20 =	vadd.f32 v48, v20  }
0x220: {  	v41 =	vld [tilespmem:$0x7F0];
	[tilespmem:$0x1740] =	vst v37;
	v48 =	vadd.f32 v54, v32;
	v54 =	vadd.f32 v56, v55  }
0x221: {  	v37 =	vld [tilespmem:$0x11E0];
	[tilespmem:$0x19B0] =	vst v2;
	v56 =	vadd.f32 v58, v50;
	v50 =	vadd.f32 v13, v5  }
0x222: {  	[tilespmem:$0x1950] =	vst v39;
	v39 =	vld [tilespmem:$0x15E0];
	v19 =	vadd.f32 v35, v20;
	v55 =	vadd.f32 v33, v48  }
0x223: {  	[tilespmem:$0x1940] =	vst v38;
	v20 =	vld [tilespmem:$0xDD0];
	v58 =	vadd.f32 v57, v54;
	v33 =	vadd.f32 v59, v56  }
0x224: {  	[tilespmem:$0x17C0] =	vst v0;
	v54 =	vadd.f32 v34, v31;
	v40 =	vadd.f32 v43, v49;
	v43 =	vld [tilespmem:$0xBF0]  }
0x225: {  	v56 =	vadd.f32 v25, v51;
	[tilespmem:$0x17D0] =	vst v50;
	v49 =	vld [tilespmem:$0xFF0];
	v32 =	vadd.f32 v30, v55  }
0x226: {  	[tilespmem:$0x1760] =	vst v19;
	v35 =	vadd.f32 v53, v58;
	v38 =	vadd.f32 v60, v33;
	v58 =	vld [tilespmem:$0x15F0]  }
0x227: {  	v10 =	vld [tilespmem:$0x15D0];
	v59 =	vadd.f32 v37, v54;
	v0 =	vadd.f32 v26, v56;
	[tilespmem:$0x17A0] =	vst v32  }
0x228: {  	v55 =	vld [tilespmem:$0x13F0];
	v7 =	vadd.f32 v18, v40;
	[tilespmem:$0x19A0] =	vst v35;
	v44 =	vadd.f32 v20, v15  }
0x229: {  	[tilespmem:$0x17B0] =	vst v38;
	v1 =	vadd.f32 v39, v59;
	v57 =	vadd.f32 v43, v41  }
0x22a: {  	[tilespmem:$0x17E0] =	vst v0;
	v47 =	vadd.f32 v9, v7;
	v48 =	vadd.f32 v21, v44  }
0x22b: {  	[tilespmem:$0x19E0] =	vst v1;
	v63 =	vadd.f32 v58, v61;
	v60 =	vadd.f32 v49, v57  }
0x22c: {  	[tilespmem:$0x19C0] =	vst v47;
	v53 =	vadd.f32 v10, v48  }
0x22d: {  	[tilespmem:$0x19F0] =	vst v63;
	v62 =	vadd.f32 v55, v60  }
0x22e: {  	[tilespmem:$0x19D0] =	vst v53  }
0x22f: {  	s20 =	rddreg [dreg:$0xb];
	[tilespmem:$0x17F0] =	vst v62  }
0x230: {  	[hbm4b:s20+s2] =	stream.linear.scatter [tilespmem:s31], [sflag:$0x1], $0x200, $0x38;
	[tilespmem:$0x1A00] =	vst v63  }
0x231: {  	s22 =	rddreg [dreg:$0xc]  }
0x232: {  	[hbm4b:s22+s2] =	stream.linear.scatter [tilespmem:s0], [sflag:$0x1], $0x200, $0x38;
	[tilespmem:$0x1A00] =	vst v63  }
0x233: {  	p0 =	sne.s32 s9, $0x1;
	_ =	swait.ge [sflag:s12], $0x200  }
.Ltmp0:
0x234: {  	[sflag:s12] =	ssyncset.done $0x0;
	(pc) =	sbr.rel @p0 .LBB2_1-.Ltmp0, $4  }
0x235: {  	[sflag:s12] =	ssyncadd.s32 $0xFFFFFE00  }
0x236: {  	_ =	swait.ge [sflag:s12], $0x200  }
0x237: {  	[sflag:s12] =	ssyncset.done $0x0  }
0x238: {  	s9 =	sadd.s32 $0xFFFFFFFF, s9;
	[sflag:s12] =	ssyncadd.s32 $0xFFFFFE00  }
0x239: {  	_ =	sfence.sel $0x180000  }
0x23a: {  	[bflag:$0x0] =	sbarrier.arrive $0xFFFF  }
0x23b: {  	_ =	strace $0x90000047  }
0x23c: {  	s0 =	stileid.u32;
	[bflag:$0x2] =	sbarrier.arrive $0xFFFF  }
0x23d: {  	p0 =	sne.s32 s0, $0x0;
	s0 =	rddreg [dreg:$0x5]  }
0x23e: {  	s0 =	sadd.s32 @!p0 $0x100000, s0  }
0x23f: {  	[sflag:s0] =	ssyncadd.tile.s32 @!p0 $0x1;
	_ =	shalt  }
.Lfunc_end2:
_tile_overlayer_lowered:
.L_overlay_start_2:
0x240: {  	(tag) =	ssettag $0x2  }
0x241: {  	s0 =	rddreg [dreg:$0x0];
	s2 =	stileid.u32  }
0x242: {  	s1 =	rddreg [dreg:$0x1];
	p0 =	sne.s32 s2, $0x0  }
0x243: {  	s3 =	rddreg [dreg:$0x2];
	[bflag:$0x3] =	sbarrier.arrive $0xFFFF;
	s2 =	simm.s32 @!p0 $0x1C02  }
0x244: {  	[timem:s3], [sflag:s2] =	dma.local @!p0 [hbm:s0], s1  }
0x245: {  	s0 =	simm.s32 @!p0 $0x2  }
0x246: {  	_ =	swait.ge @!p0 [sflag:s0], s1  }
0x247: {  	s1 =	ssub.s32 @!p0 $0x0, s1;
	[sflag:s0] =	ssyncset.done @!p0 $0x0  }
0x248: {  	[sflag:s0] =	ssyncadd.s32 @!p0 s1  }
0x249: {  	[bflag:$0x3] =	sbarrier.arrive $0xFFFF  }
0x24a: {  	_ =	shalt  }

</sc_bundles>
